<compile_context>
chip_gen: v7x
topology: tpu7x:2x2x1
jax: 0.10.2.dev20260603
libtpu: 0.0.44.dev20260713+nightly
codegen_flags: <defaults>
</compile_context>

<pallas_src>
import functools

import jax
import jax.numpy as jnp
from jax import lax
from jax.experimental import pallas as pl
from jax.experimental.pallas import tpu as pltpu
from jax.experimental.pallas import tpu_sc as plsc

NC = 2
NS = 16
CH = 128
TL = 16
DW = 16
CPB = 6
IBW = CPB * CH


def _sc_segment_sum(data, structure, n_pad, d):
    n, e = data.shape[0], structure.shape[1]
    del n
    edges_per_tile = e // (NC * NS)
    chunks = edges_per_tile // CH
    assert chunks * CH + TL == edges_per_tile and chunks % 2 == 0
    nblk = chunks // CPB
    assert nblk * CPB == chunks and nblk % 2 == 1
    ppb = CPB // 2
    rows_per_tile = n_pad // NS
    mesh = plsc.VectorSubcoreMesh(core_axis_name="c", subcore_axis_name="s")

    @functools.partial(
        pl.kernel,
        mesh=mesh,
        compiler_params=pltpu.CompilerParams(use_tc_tiling_on_sc=False),
        out_type=[
            jax.ShapeDtypeStruct((NC, n_pad, d), jnp.float32),
            jax.ShapeDtypeStruct((NC, n_pad, DW), jnp.float32),
        ],
        scratch_types=[
            pltpu.VMEM((2, IBW), jnp.int32),
            pltpu.VMEM((2, IBW), jnp.int32),
            pltpu.VMEM((CH, d), jnp.float32),
            pltpu.VMEM((CH, d), jnp.float32),
            pltpu.VMEM((CH, DW), jnp.float32),
            pltpu.VMEM_SHARED((n_pad, d), jnp.float32),
            pltpu.VMEM_SHARED((n_pad, DW), jnp.float32),
            pltpu.SemaphoreType.DMA,
            pltpu.SemaphoreType.DMA,
            pltpu.SemaphoreType.DMA,
            pltpu.SemaphoreType.DMA,
            pltpu.SemaphoreType.DMA,
        ],
    )
    def sc_kernel(data_hbm, struct_hbm, out_hbm, deg_hbm,
                  idxa, idxb, rows0, rows1, ones_v,
                  out_sh, deg_sh, sem0, sem1, semi, ssem0, ssem1):
        cid = lax.axis_index("c")
        sid = lax.axis_index("s")
        wid = cid * NS + sid
        ebase = wid * edges_per_tile
        rbase = sid * rows_per_tile

        def blk_refs(buf, b):
            return [(struct_hbm.at[r, pl.ds(ebase + b * IBW, IBW)], buf.at[r])
                    for r in range(2)]

        def fetch_blk(buf, b):
            for s, t in blk_refs(buf, b):
                pltpu.async_copy(s, t, semi)

        def wait_blk(buf, b):
            for s, t in blk_refs(buf, b):
                pltpu.make_async_copy(s, t, semi).wait()

        fetch_blk(idxa, 0)

        @pl.loop(0, CH)
        def _(i):
            ones_v.at[pl.ds(i, 1), :][...] = jnp.ones((1, DW), jnp.float32)

            @pl.loop(0, d, step=DW)
            def _(c):
                rows0.at[pl.ds(i, 1), pl.ds(c, DW)][...] = (
                    jnp.zeros((1, DW), jnp.float32))

        zrow = rows0.at[pl.ds(0, CH), pl.ds(0, DW)]
        zrow_t = rows0.at[pl.ds(0, 120), pl.ds(0, DW)]

        @pl.loop(0, 4)
        def _(i):
            pltpu.async_copy(rows0, out_sh.at[pl.ds(rbase + i * CH, CH)], semi)
            pltpu.async_copy(zrow, deg_sh.at[pl.ds(rbase + i * CH, CH)], semi)
        pltpu.async_copy(rows0.at[pl.ds(0, 120)],
                         out_sh.at[pl.ds(rbase + 4 * CH, 120)], semi)
        pltpu.async_copy(zrow_t, deg_sh.at[pl.ds(rbase + 4 * CH, 120)], semi)

        @pl.loop(0, 4)
        def _(i):
            pltpu.make_async_copy(
                rows0, out_sh.at[pl.ds(rbase + i * CH, CH)], semi).wait()
            pltpu.make_async_copy(
                zrow, deg_sh.at[pl.ds(rbase + i * CH, CH)], semi).wait()
        pltpu.make_async_copy(
            rows0.at[pl.ds(0, 120)],
            out_sh.at[pl.ds(rbase + 4 * CH, 120)], semi).wait()
        pltpu.make_async_copy(
            zrow_t, deg_sh.at[pl.ds(rbase + 4 * CH, 120)], semi).wait()
        wait_blk(idxa, 0)
        plsc.subcore_barrier()

        def gather(buf, l, rows, sem):
            pltpu.async_copy(data_hbm.at[buf.at[0, pl.ds(l * CH, CH)]],
                             rows, sem)

        def wait_gather(buf, l, rows, sem):
            pltpu.make_async_copy(data_hbm.at[buf.at[0, pl.ds(l * CH, CH)]],
                                  rows, sem).wait()

        def scatter(buf, l, rows, ssem):
            pltpu.async_copy(rows, out_sh.at[buf.at[1, pl.ds(l * CH, CH)]],
                             ssem, add=True)
            pltpu.async_copy(ones_v, deg_sh.at[buf.at[1, pl.ds(l * CH, CH)]],
                             ssem, add=True)

        def wait_scatter(buf, l, rows, ssem):
            pltpu.make_async_copy(
                rows, out_sh.at[buf.at[1, pl.ds(l * CH, CH)]], ssem).wait()
            pltpu.make_async_copy(
                ones_v, deg_sh.at[buf.at[1, pl.ds(l * CH, CH)]], ssem).wait()

        gather(idxa, 0, rows0, sem0)

        def do_block(b, cur, nxt, last):
            @pl.loop(0, ppb)
            def _(p):
                l0 = 2 * p
                l1 = l0 + 1
                wait_gather(cur, l0, rows0, sem0)

                @pl.when(p == 0)
                def _():
                    @pl.when(b > 0)
                    def _():
                        wait_scatter(nxt, CPB - 1, rows1, ssem1)
                    if not last:
                        fetch_blk(nxt, b + 1)

                @pl.when(p > 0)
                def _():
                    wait_scatter(cur, l0 - 1, rows1, ssem1)

                gather(cur, l1, rows1, sem1)
                scatter(cur, l0, rows0, ssem0)

                wait_gather(cur, l1, rows1, sem1)
                wait_scatter(cur, l0, rows0, ssem0)

                @pl.when(p < ppb - 1)
                def _():
                    gather(cur, l0 + 2, rows0, sem0)

                if not last:
                    @pl.when(p == ppb - 1)
                    def _():
                        wait_blk(nxt, b + 1)
                        gather(nxt, 0, rows0, sem0)

                scatter(cur, l1, rows1, ssem1)

        @pl.loop(0, nblk // 2)
        def _(sb):
            do_block(2 * sb, idxa, idxb, last=False)
            do_block(2 * sb + 1, idxb, idxa, last=False)
        do_block(nblk - 1, idxa, idxb, last=True)

        toff = ebase + chunks * CH
        pltpu.async_copy(struct_hbm.at[0, pl.ds(toff, TL)],
                         idxb.at[0, pl.ds(0, TL)], semi)
        pltpu.async_copy(struct_hbm.at[1, pl.ds(toff, TL)],
                         idxb.at[1, pl.ds(0, TL)], semi)
        pltpu.make_async_copy(struct_hbm.at[0, pl.ds(toff, TL)],
                              idxb.at[0, pl.ds(0, TL)], semi).wait()
        pltpu.make_async_copy(struct_hbm.at[1, pl.ds(toff, TL)],
                              idxb.at[1, pl.ds(0, TL)], semi).wait()
        wait_scatter(idxa, CPB - 1, rows1, ssem1)
        pltpu.async_copy(data_hbm.at[idxb.at[0, pl.ds(0, TL)]],
                         rows1.at[pl.ds(0, TL)], sem0).wait()
        pltpu.sync_copy(rows1.at[pl.ds(0, TL)],
                        out_sh.at[idxb.at[1, pl.ds(0, TL)]], add=True)
        pltpu.sync_copy(ones_v.at[pl.ds(0, TL)],
                        deg_sh.at[idxb.at[1, pl.ds(0, TL)]], add=True)

        plsc.subcore_barrier()
        pltpu.sync_copy(out_sh.at[pl.ds(rbase, rows_per_tile)],
                        out_hbm.at[cid].at[pl.ds(rbase, rows_per_tile)])
        pltpu.sync_copy(deg_sh.at[pl.ds(rbase, rows_per_tile)],
                        deg_hbm.at[cid].at[pl.ds(rbase, rows_per_tile)])

    return sc_kernel(data, structure)


def _mm(data, merge, w1t, b1, w2t, b2, n, d):
    br = 2000

    def body(data_b, merge_b, w1t_b, b1_b, w2t_b, b2_b, o_b, s_b):
        o_b[...] = jnp.dot(data_b[...], w1t_b[...],
                           preferred_element_type=jnp.float32) + b1_b[...]
        s_b[...] = jnp.dot(merge_b[...], w2t_b[...],
                           preferred_element_type=jnp.float32) + b2_b[...]

    full = lambda shape: pl.BlockSpec(shape, lambda i: tuple(0 for _ in shape))
    return pl.pallas_call(
        body,
        grid=(n // br,),
        in_specs=[
            pl.BlockSpec((br, d), lambda i: (i, 0)),
            pl.BlockSpec((br, d), lambda i: (i, 0)),
            full((d, d)), full((1, d)), full((d, d)), full((1, d)),
        ],
        out_specs=[pl.BlockSpec((br, d), lambda i: (i, 0)),
                   pl.BlockSpec((br, d), lambda i: (i, 0))],
        out_shape=[jax.ShapeDtypeStruct((n, d), jnp.float32),
                   jax.ShapeDtypeStruct((n, d), jnp.float32)],
    )(data, merge, w1t, b1, w2t, b2)


def _combine(out, skip, partials, degs, w1t, b1, n, d):
    br = 2000

    def body(out_b, skip_b, p0_b, p1_b, d0_b, d1_b, w1t_b, b1_b, o_b):
        agg = p0_b[0] + p1_b[0]
        deg = d0_b[0, :, :1] + d1_b[0, :, :1]
        msg = jnp.dot(agg, w1t_b[...],
                      preferred_element_type=jnp.float32) + deg * b1_b[...]
        lap = (deg * out_b[...] - msg) / jnp.maximum(deg, 1.0)
        o_b[...] = jnp.maximum(lap + skip_b[...], 0.0)

    full = lambda shape: pl.BlockSpec(shape, lambda i: tuple(0 for _ in shape))
    return pl.pallas_call(
        body,
        grid=(n // br,),
        in_specs=[
            pl.BlockSpec((br, d), lambda i: (i, 0)),
            pl.BlockSpec((br, d), lambda i: (i, 0)),
            pl.BlockSpec((1, br, d), lambda i: (0, i, 0)),
            pl.BlockSpec((1, br, d), lambda i: (1, i, 0)),
            pl.BlockSpec((1, br, DW), lambda i: (0, i, 0)),
            pl.BlockSpec((1, br, DW), lambda i: (1, i, 0)),
            full((d, d)), full((1, d)),
        ],
        out_specs=pl.BlockSpec((br, d), lambda i: (i, 0)),
        out_shape=jax.ShapeDtypeStruct((n, d), jnp.float32),
    )(out, skip, partials, partials, degs, degs, w1t, b1)


def kernel(data, merge, structure, W_lin, b_lin, W_tr, b_tr):
    n, d = data.shape
    n_pad = ((n + 127) // 128) * 128

    w1t = W_lin.T
    w2t = W_tr.T
    out, skip = _mm(data, merge, w1t, b_lin[None, :], w2t, b_tr[None, :], n, d)
    partials, degs = _sc_segment_sum(data, structure, n_pad, d)
    return _combine(out, skip, partials, degs, w1t, b_lin[None, :], n, d)

# --- scband reference (transcript-rebuilt; emitter-appended) ---
"""Pipeline reference for scband-conv-skip-87488483819569 (READ-ONLY COPY).

The authoritative reference and input builder live on the scoring server;
editing this copy changes nothing except your own understanding.
"""

import jax, jax.numpy as jnp
import numpy as np

N = 10000
E = 320000
D = 128

def setup_inputs(seed: int = 0) -> dict:
    key = jax.random.key(seed)
    k1, k2, k3, k4, k5, k6, k7 = jax.random.split(key, 7)
    data = jax.random.normal(k1, (N, D), dtype=jnp.float32)
    merge = jax.random.normal(k2, (N, D), dtype=jnp.float32)
    structure = jax.random.randint(k3, (2, E), 0, N, dtype=jnp.int32)
    bound_lin = 1.0 / np.sqrt(D)
    W_lin = jax.random.uniform(k4, (D, D), minval=-bound_lin, maxval=bound_lin, dtype=jnp.float32)
    b_lin = jax.random.uniform(k5, (D,), minval=-bound_lin, maxval=bound_lin, dtype=jnp.float32)
    bound_tr = 1.0 / np.sqrt(D)
    W_tr = jax.random.uniform(k6, (D, D), minval=-bound_tr, maxval=bound_tr, dtype=jnp.float32)
    b_tr = jax.random.uniform(k7, (D,), minval=-bound_tr, maxval=bound_tr, dtype=jnp.float32)
    return {"data": data, "merge": merge, "structure": structure,
            "W_lin": W_lin, "b_lin": b_lin, "W_tr": W_tr, "b_tr": b_tr}

def reference(data, merge, structure, W_lin, b_lin, W_tr, b_tr):
    # out = self.linear(data)
    out = data @ W_lin.T + b_lin
    # connected(out, out, structure): per-node LaplacianAction(normalized=True).reduce
    # reduce(data_i, messages_i) = (1/deg_i) * (deg_i * data_i - sum_j msg_j)
    src = structure[0]
    dst = structure[1]
    msgs = jnp.take(out, src, axis=0)
    msg_sum = jax.ops.segment_sum(msgs, dst, num_segments=N)
    deg = jax.ops.segment_sum(jnp.ones((E,), dtype=jnp.float32), dst, num_segments=N)
    deg_safe = jnp.maximum(deg, 1.0)[:, None]
    lap = (deg[:, None] * out - msg_sum) / deg_safe
    # skip/merge path + activation
    skip = merge @ W_tr.T + b_tr
    return jax.nn.relu(lap + skip)

if __name__ == "__main__":
    import jax
    _d = setup_inputs()
    print(jax.jit(kernel)(*tuple(_d.values())))

</pallas_src>

<mosaic_0001>
#map = affine_map<(d0, d1) -> (0, 0)>
#map1 = affine_map<(d0, d1) -> (0, 0, 0)>
module attributes {stable_mosaic.version = 14 : i64} {
  func.func @sc_kernel(%arg0: i32, %arg1: i32, %arg2: memref<10000x128xf32, #tpu.memory_space<hbm>>, %arg3: memref<2x320000xi32, #tpu.memory_space<hbm>>, %arg4: memref<2x10112x128xf32, #tpu.memory_space<hbm>>, %arg5: memref<2x10112x16xf32, #tpu.memory_space<hbm>>, %arg6: memref<2x768xi32, #tpu.memory_space<vmem>>, %arg7: memref<2x768xi32, #tpu.memory_space<vmem>>, %arg8: memref<128x128xf32, #tpu.memory_space<vmem>>, %arg9: memref<128x128xf32, #tpu.memory_space<vmem>>, %arg10: memref<128x16xf32, #tpu.memory_space<vmem>>, %arg11: memref<10112x128xf32, #tpu.memory_space<vmem_shared>>, %arg12: memref<10112x16xf32, #tpu.memory_space<vmem_shared>>, %arg13: memref<!tpu.dma_semaphore, #tpu.memory_space<semaphore_mem>>, %arg14: memref<!tpu.dma_semaphore, #tpu.memory_space<semaphore_mem>>, %arg15: memref<!tpu.dma_semaphore, #tpu.memory_space<semaphore_mem>>, %arg16: memref<!tpu.dma_semaphore, #tpu.memory_space<semaphore_mem>>, %arg17: memref<!tpu.dma_semaphore, #tpu.memory_space<semaphore_mem>>) attributes {dimension_semantics = [#tpu.dimension_semantics<core_parallel>, #tpu.dimension_semantics<subcore_parallel>], iteration_bounds = array<i64: 2, 16>, scalar_prefetch = 0 : i64, scratch_operands = 12 : i64, tpu.core_type = #tpu.core_type<sc_vector_subcore>, window_params = [{transform_indices = #map}, {transform_indices = #map}, {transform_indices = #map1}, {transform_indices = #map1}]} {
    %mul3A = arith.constant 16 : i32
    %mul3A_0 = arith.muli %arg0, %mul3A : i32
    %add3A = arith.addi %mul3A_0, %arg1 : i32
    %mul3A_1 = arith.constant 10000 : i32
    %mul3A_2 = arith.muli %add3A, %mul3A_1 : i32
    %mul3A_3 = arith.constant 632 : i32
    %mul3A_4 = arith.muli %arg1, %mul3A_3 : i32
    %add3A_5 = arith.constant 0 : i32
    %add3A_6 = arith.addi %mul3A_2, %add3A_5 : i32
    %add3A_7 = arith.constant 0 : i32
    %add3A_8 = arith.addi %mul3A_2, %add3A_7 : i32
    %dma_start3A = arith.constant 0 : i32
    %dma_start3A_9 = arith.constant 0 : i32
    %dma_start3A_10 = arith.constant 0 : i32
    %dma_start3A_11 = tpu.memref_slice %arg6[%dma_start3A_9, %dma_start3A_10] : memref<2x768xi32, #tpu.memory_space<vmem>> -> memref<1x768xi32, #tpu.memory_space<vmem>>
    %dma_start3A_12 = tpu.memref_squeeze %dma_start3A_11 : memref<1x768xi32, #tpu.memory_space<vmem>> -> memref<768xi32, #tpu.memory_space<vmem>>
    %dma_start3A_13 = tpu.memref_slice %arg3[%dma_start3A, %add3A_6] : memref<2x320000xi32, #tpu.memory_space<hbm>> -> memref<1x768xi32, #tpu.memory_space<hbm>>
    %dma_start3A_14 = tpu.memref_squeeze %dma_start3A_13 : memref<1x768xi32, #tpu.memory_space<hbm>> -> memref<768xi32, #tpu.memory_space<hbm>>
    %dma_start3A_15 = arith.constant 0 : i32
    %dma_start3A_16 = tpu.memref_slice %arg6[%dma_start3A_9, %dma_start3A_15] : memref<2x768xi32, #tpu.memory_space<vmem>> -> memref<1x768xi32, #tpu.memory_space<vmem>>
    %dma_start3A_17 = tpu.memref_squeeze %dma_start3A_16 : memref<1x768xi32, #tpu.memory_space<vmem>> -> memref<768xi32, #tpu.memory_space<vmem>>
    %dma_start3A_18 = tpu.memref_slice %arg3[%dma_start3A, %add3A_6] : memref<2x320000xi32, #tpu.memory_space<hbm>> -> memref<1x768xi32, #tpu.memory_space<hbm>>
    %dma_start3A_19 = tpu.memref_squeeze %dma_start3A_18 : memref<1x768xi32, #tpu.memory_space<hbm>> -> memref<768xi32, #tpu.memory_space<hbm>>
    tpu.enqueue_dma source(%dma_start3A_19 : memref<768xi32, #tpu.memory_space<hbm>>) target(%dma_start3A_17 : memref<768xi32, #tpu.memory_space<vmem>>) target_semaphore(%arg15 : memref<!tpu.dma_semaphore, #tpu.memory_space<semaphore_mem>>)
    %dma_start3A_20 = arith.constant 1 : i32
    %dma_start3A_21 = arith.constant 1 : i32
    %dma_start3A_22 = arith.constant 0 : i32
    %dma_start3A_23 = tpu.memref_slice %arg6[%dma_start3A_21, %dma_start3A_22] : memref<2x768xi32, #tpu.memory_space<vmem>> -> memref<1x768xi32, #tpu.memory_space<vmem>>
    %dma_start3A_24 = tpu.memref_squeeze %dma_start3A_23 : memref<1x768xi32, #tpu.memory_space<vmem>> -> memref<768xi32, #tpu.memory_space<vmem>>
    %dma_start3A_25 = tpu.memref_slice %arg3[%dma_start3A_20, %add3A_8] : memref<2x320000xi32, #tpu.memory_space<hbm>> -> memref<1x768xi32, #tpu.memory_space<hbm>>
    %dma_start3A_26 = tpu.memref_squeeze %dma_start3A_25 : memref<1x768xi32, #tpu.memory_space<hbm>> -> memref<768xi32, #tpu.memory_space<hbm>>
    %dma_start3A_27 = arith.constant 0 : i32
    %dma_start3A_28 = tpu.memref_slice %arg6[%dma_start3A_21, %dma_start3A_27] : memref<2x768xi32, #tpu.memory_space<vmem>> -> memref<1x768xi32, #tpu.memory_space<vmem>>
    %dma_start3A_29 = tpu.memref_squeeze %dma_start3A_28 : memref<1x768xi32, #tpu.memory_space<vmem>> -> memref<768xi32, #tpu.memory_space<vmem>>
    %dma_start3A_30 = tpu.memref_slice %arg3[%dma_start3A_20, %add3A_8] : memref<2x320000xi32, #tpu.memory_space<hbm>> -> memref<1x768xi32, #tpu.memory_space<hbm>>
    %dma_start3A_31 = tpu.memref_squeeze %dma_start3A_30 : memref<1x768xi32, #tpu.memory_space<hbm>> -> memref<768xi32, #tpu.memory_space<hbm>>
    tpu.enqueue_dma source(%dma_start3A_31 : memref<768xi32, #tpu.memory_space<hbm>>) target(%dma_start3A_29 : memref<768xi32, #tpu.memory_space<vmem>>) target_semaphore(%arg15 : memref<!tpu.dma_semaphore, #tpu.memory_space<semaphore_mem>>)
    %scan3A = arith.constant 0 : i32
    %scan3A_32 = arith.constant 128 : i32
    %scan3A_33 = arith.addi %scan3A, %scan3A_32 : i32
    %scan3A_34 = arith.constant 1 : i32
    scf.for %scan3A_224 = %scan3A to %scan3A_33 step %scan3A_34  : i32 {
      %mul3A_225 = arith.constant 1 : i32
      %mul3A_226 = arith.muli %scan3A_224, %mul3A_225 : i32
      %add3A_227 = arith.constant 0 : i32
      %add3A_228 = arith.addi %add3A_227, %mul3A_226 : i32
      %broadcast_in_dim3A = arith.constant 1.000000e+00 : f32
      %broadcast_in_dim3A_229 = vector.broadcast %broadcast_in_dim3A : f32 to vector<1x16xf32>
      %swap3A = arith.index_cast %add3A_228 : i32 to index
      %swap3A_230 = arith.constant 0 : index
      %swap3A_231 = tpu.vector_load %arg10[%swap3A, %swap3A_230] {strides = array<i32>} : memref<128x16xf32, #tpu.memory_space<vmem>>, vector<1x16xf32>,
      %swap3A_232 = vector.shape_cast %swap3A_231 : vector<1x16xf32> to vector<1x16xf32>
      %swap3A_233 = vector.shape_cast %broadcast_in_dim3A_229 : vector<1x16xf32> to vector<1x16xf32>
      tpu.vector_store %arg10[%swap3A, %swap3A_230], %swap3A_233 {strides = array<i32>} : memref<128x16xf32, #tpu.memory_space<vmem>>, vector<1x16xf32>,
      %scan3A_234 = arith.constant 0 : i32
      %scan3A_235 = arith.constant 8 : i32
      %scan3A_236 = arith.addi %scan3A_234, %scan3A_235 : i32
      %scan3A_237 = arith.constant 1 : i32
      scf.for %scan3A_239 = %scan3A_234 to %scan3A_236 step %scan3A_237  : i32 {
        %mul3A_240 = arith.constant 16 : i32
        %mul3A_241 = arith.muli %scan3A_239, %mul3A_240 : i32
        %add3A_242 = arith.constant 0 : i32
        %add3A_243 = arith.addi %add3A_242, %mul3A_241 : i32
        %broadcast_in_dim3A_244 = arith.constant 0.000000e+00 : f32
        %broadcast_in_dim3A_245 = vector.broadcast %broadcast_in_dim3A_244 : f32 to vector<1x16xf32>
        %swap3A_246 = arith.index_cast %add3A_228 : i32 to index
        %swap3A_247 = arith.index_cast %add3A_243 : i32 to index
        %swap3A_248 = tpu.vector_load %arg8[%swap3A_246, %swap3A_247] {strides = array<i32>} : memref<128x128xf32, #tpu.memory_space<vmem>>, vector<1x16xf32>,
        %swap3A_249 = vector.shape_cast %swap3A_248 : vector<1x16xf32> to vector<1x16xf32>
        %swap3A_250 = vector.shape_cast %broadcast_in_dim3A_245 : vector<1x16xf32> to vector<1x16xf32>
        tpu.vector_store %arg8[%swap3A_246, %swap3A_247], %swap3A_250 {strides = array<i32>} : memref<128x128xf32, #tpu.memory_space<vmem>>, vector<1x16xf32>,
      }
      %scan3A_238 = arith.constant 8 : i32
    }
    %scan3A_35 = arith.constant 128 : i32
    %scan3A_36 = arith.constant 0 : i32
    %scan3A_37 = arith.constant 4 : i32
    %scan3A_38 = arith.addi %scan3A_36, %scan3A_37 : i32
    %scan3A_39 = arith.constant 1 : i32
    scf.for %scan3A_224 = %scan3A_36 to %scan3A_38 step %scan3A_39  : i32 {
      %mul3A_225 = arith.constant 1 : i32
      %mul3A_226 = arith.muli %scan3A_224, %mul3A_225 : i32
      %add3A_227 = arith.constant 0 : i32
      %add3A_228 = arith.addi %add3A_227, %mul3A_226 : i32
      %mul3A_229 = arith.constant 128 : i32
      %mul3A_230 = arith.muli %add3A_228, %mul3A_229 : i32
      %add3A_231 = arith.addi %mul3A_4, %mul3A_230 : i32
      %dma_start3A_232 = arith.constant 0 : i32
      %dma_start3A_233 = tpu.memref_slice %arg11[%add3A_231, %dma_start3A_232] : memref<10112x128xf32, #tpu.memory_space<vmem_shared>> -> memref<128x128xf32, #tpu.memory_space<vmem_shared>>
      %dma_start3A_234 = arith.constant 0 : i32
      %dma_start3A_235 = tpu.memref_slice %arg11[%add3A_231, %dma_start3A_234] : memref<10112x128xf32, #tpu.memory_space<vmem_shared>> -> memref<128x128xf32, #tpu.memory_space<vmem_shared>>
      tpu.enqueue_dma source(%arg8 : memref<128x128xf32, #tpu.memory_space<vmem>>) target(%dma_start3A_235 : memref<128x128xf32, #tpu.memory_space<vmem_shared>>) target_semaphore(%arg15 : memref<!tpu.dma_semaphore, #tpu.memory_space<semaphore_mem>>)
      %mul3A_236 = arith.constant 128 : i32
      %mul3A_237 = arith.muli %add3A_228, %mul3A_236 : i32
      %add3A_238 = arith.addi %mul3A_4, %mul3A_237 : i32
      %dma_start3A_239 = arith.constant 0 : i32
      %dma_start3A_240 = arith.constant 0 : i32
      %dma_start3A_241 = tpu.memref_slice %arg8[%dma_start3A_239, %dma_start3A_240] : memref<128x128xf32, #tpu.memory_space<vmem>> -> memref<128x16xf32, #tpu.memory_space<vmem>>
      %dma_start3A_242 = arith.constant 0 : i32
      %dma_start3A_243 = tpu.memref_slice %arg12[%add3A_238, %dma_start3A_242] : memref<10112x16xf32, #tpu.memory_space<vmem_shared>> -> memref<128x16xf32, #tpu.memory_space<vmem_shared>>
      %dma_start3A_244 = arith.constant 0 : i32
      %dma_start3A_245 = tpu.memref_slice %arg12[%add3A_238, %dma_start3A_244] : memref<10112x16xf32, #tpu.memory_space<vmem_shared>> -> memref<128x16xf32, #tpu.memory_space<vmem_shared>>
      %dma_start3A_246 = arith.constant 0 : i32
      %dma_start3A_247 = arith.constant 0 : i32
      %dma_start3A_248 = tpu.memref_slice %arg8[%dma_start3A_246, %dma_start3A_247] : memref<128x128xf32, #tpu.memory_space<vmem>> -> memref<128x16xf32, #tpu.memory_space<vmem>>
      tpu.enqueue_dma source(%dma_start3A_248 : memref<128x16xf32, #tpu.memory_space<vmem>>) target(%dma_start3A_245 : memref<128x16xf32, #tpu.memory_space<vmem_shared>>) target_semaphore(%arg15 : memref<!tpu.dma_semaphore, #tpu.memory_space<semaphore_mem>>)
    }
    %scan3A_40 = arith.constant 4 : i32
    %add3A_41 = arith.constant 512 : i32
    %add3A_42 = arith.addi %mul3A_4, %add3A_41 : i32
    %dma_start3A_43 = arith.constant 0 : i32
    %dma_start3A_44 = arith.constant 0 : i32
    %dma_start3A_45 = tpu.memref_slice %arg8[%dma_start3A_43, %dma_start3A_44] : memref<128x128xf32, #tpu.memory_space<vmem>> -> memref<120x128xf32, #tpu.memory_space<vmem>>
    %dma_start3A_46 = arith.constant 0 : i32
    %dma_start3A_47 = tpu.memref_slice %arg11[%add3A_42, %dma_start3A_46] : memref<10112x128xf32, #tpu.memory_space<vmem_shared>> -> memref<120x128xf32, #tpu.memory_space<vmem_shared>>
    %dma_start3A_48 = arith.constant 0 : i32
    %dma_start3A_49 = tpu.memref_slice %arg11[%add3A_42, %dma_start3A_48] : memref<10112x128xf32, #tpu.memory_space<vmem_shared>> -> memref<120x128xf32, #tpu.memory_space<vmem_shared>>
    %dma_start3A_50 = arith.constant 0 : i32
    %dma_start3A_51 = arith.constant 0 : i32
    %dma_start3A_52 = tpu.memref_slice %arg8[%dma_start3A_50, %dma_start3A_51] : memref<128x128xf32, #tpu.memory_space<vmem>> -> memref<120x128xf32, #tpu.memory_space<vmem>>
    tpu.enqueue_dma source(%dma_start3A_52 : memref<120x128xf32, #tpu.memory_space<vmem>>) target(%dma_start3A_49 : memref<120x128xf32, #tpu.memory_space<vmem_shared>>) target_semaphore(%arg15 : memref<!tpu.dma_semaphore, #tpu.memory_space<semaphore_mem>>)
    %add3A_53 = arith.constant 512 : i32
    %add3A_54 = arith.addi %mul3A_4, %add3A_53 : i32
    %dma_start3A_55 = arith.constant 0 : i32
    %dma_start3A_56 = arith.constant 0 : i32
    %dma_start3A_57 = tpu.memref_slice %arg8[%dma_start3A_55, %dma_start3A_56] : memref<128x128xf32, #tpu.memory_space<vmem>> -> memref<120x16xf32, #tpu.memory_space<vmem>>
    %dma_start3A_58 = arith.constant 0 : i32
    %dma_start3A_59 = tpu.memref_slice %arg12[%add3A_54, %dma_start3A_58] : memref<10112x16xf32, #tpu.memory_space<vmem_shared>> -> memref<120x16xf32, #tpu.memory_space<vmem_shared>>
    %dma_start3A_60 = arith.constant 0 : i32
    %dma_start3A_61 = tpu.memref_slice %arg12[%add3A_54, %dma_start3A_60] : memref<10112x16xf32, #tpu.memory_space<vmem_shared>> -> memref<120x16xf32, #tpu.memory_space<vmem_shared>>
    %dma_start3A_62 = arith.constant 0 : i32
    %dma_start3A_63 = arith.constant 0 : i32
    %dma_start3A_64 = tpu.memref_slice %arg8[%dma_start3A_62, %dma_start3A_63] : memref<128x128xf32, #tpu.memory_space<vmem>> -> memref<120x16xf32, #tpu.memory_space<vmem>>
    tpu.enqueue_dma source(%dma_start3A_64 : memref<120x16xf32, #tpu.memory_space<vmem>>) target(%dma_start3A_61 : memref<120x16xf32, #tpu.memory_space<vmem_shared>>) target_semaphore(%arg15 : memref<!tpu.dma_semaphore, #tpu.memory_space<semaphore_mem>>)
    %scan3A_65 = arith.constant 0 : i32
    %scan3A_66 = arith.constant 4 : i32
    %scan3A_67 = arith.addi %scan3A_65, %scan3A_66 : i32
    %scan3A_68 = arith.constant 1 : i32
    scf.for %scan3A_224 = %scan3A_65 to %scan3A_67 step %scan3A_68  : i32 {
      %mul3A_225 = arith.constant 1 : i32
      %mul3A_226 = arith.muli %scan3A_224, %mul3A_225 : i32
      %add3A_227 = arith.constant 0 : i32
      %add3A_228 = arith.addi %add3A_227, %mul3A_226 : i32
      %mul3A_229 = arith.constant 128 : i32
      %mul3A_230 = arith.muli %add3A_228, %mul3A_229 : i32
      %add3A_231 = arith.addi %mul3A_4, %mul3A_230 : i32
      %dma_wait3A_232 = arith.constant 0 : i32
      %dma_wait3A_233 = tpu.memref_slice %arg11[%add3A_231, %dma_wait3A_232] : memref<10112x128xf32, #tpu.memory_space<vmem_shared>> -> memref<128x128xf32, #tpu.memory_space<vmem_shared>>
      %dma_wait3A_234 = arith.constant 0 : i32
      %dma_wait3A_235 = tpu.memref_slice %arg11[%add3A_231, %dma_wait3A_234] : memref<10112x128xf32, #tpu.memory_space<vmem_shared>> -> memref<128x128xf32, #tpu.memory_space<vmem_shared>>
      tpu.wait_dma2 semaphore(%arg15 : memref<!tpu.dma_semaphore, #tpu.memory_space<semaphore_mem>>) src(%arg8 : memref<128x128xf32, #tpu.memory_space<vmem>>) dst(%dma_wait3A_235 : memref<128x128xf32, #tpu.memory_space<vmem_shared>>)
      %mul3A_236 = arith.constant 128 : i32
      %mul3A_237 = arith.muli %add3A_228, %mul3A_236 : i32
      %add3A_238 = arith.addi %mul3A_4, %mul3A_237 : i32
      %dma_wait3A_239 = arith.constant 0 : i32
      %dma_wait3A_240 = arith.constant 0 : i32
      %dma_wait3A_241 = tpu.memref_slice %arg8[%dma_wait3A_239, %dma_wait3A_240] : memref<128x128xf32, #tpu.memory_space<vmem>> -> memref<128x16xf32, #tpu.memory_space<vmem>>
      %dma_wait3A_242 = arith.constant 0 : i32
      %dma_wait3A_243 = tpu.memref_slice %arg12[%add3A_238, %dma_wait3A_242] : memref<10112x16xf32, #tpu.memory_space<vmem_shared>> -> memref<128x16xf32, #tpu.memory_space<vmem_shared>>
      %dma_wait3A_244 = arith.constant 0 : i32
      %dma_wait3A_245 = tpu.memref_slice %arg12[%add3A_238, %dma_wait3A_244] : memref<10112x16xf32, #tpu.memory_space<vmem_shared>> -> memref<128x16xf32, #tpu.memory_space<vmem_shared>>
      %dma_wait3A_246 = arith.constant 0 : i32
      %dma_wait3A_247 = arith.constant 0 : i32
      %dma_wait3A_248 = tpu.memref_slice %arg8[%dma_wait3A_246, %dma_wait3A_247] : memref<128x128xf32, #tpu.memory_space<vmem>> -> memref<128x16xf32, #tpu.memory_space<vmem>>
      tpu.wait_dma2 semaphore(%arg15 : memref<!tpu.dma_semaphore, #tpu.memory_space<semaphore_mem>>) src(%dma_wait3A_248 : memref<128x16xf32, #tpu.memory_space<vmem>>) dst(%dma_wait3A_245 : memref<128x16xf32, #tpu.memory_space<vmem_shared>>)
    }
    %scan3A_69 = arith.constant 4 : i32
    %add3A_70 = arith.constant 512 : i32
    %add3A_71 = arith.addi %mul3A_4, %add3A_70 : i32
    %dma_wait3A = arith.constant 0 : i32
    %dma_wait3A_72 = arith.constant 0 : i32
    %dma_wait3A_73 = tpu.memref_slice %arg8[%dma_wait3A, %dma_wait3A_72] : memref<128x128xf32, #tpu.memory_space<vmem>> -> memref<120x128xf32, #tpu.memory_space<vmem>>
    %dma_wait3A_74 = arith.constant 0 : i32
    %dma_wait3A_75 = tpu.memref_slice %arg11[%add3A_71, %dma_wait3A_74] : memref<10112x128xf32, #tpu.memory_space<vmem_shared>> -> memref<120x128xf32, #tpu.memory_space<vmem_shared>>
    %dma_wait3A_76 = arith.constant 0 : i32
    %dma_wait3A_77 = tpu.memref_slice %arg11[%add3A_71, %dma_wait3A_76] : memref<10112x128xf32, #tpu.memory_space<vmem_shared>> -> memref<120x128xf32, #tpu.memory_space<vmem_shared>>
    %dma_wait3A_78 = arith.constant 0 : i32
    %dma_wait3A_79 = arith.constant 0 : i32
    %dma_wait3A_80 = tpu.memref_slice %arg8[%dma_wait3A_78, %dma_wait3A_79] : memref<128x128xf32, #tpu.memory_space<vmem>> -> memref<120x128xf32, #tpu.memory_space<vmem>>
    tpu.wait_dma2 semaphore(%arg15 : memref<!tpu.dma_semaphore, #tpu.memory_space<semaphore_mem>>) src(%dma_wait3A_80 : memref<120x128xf32, #tpu.memory_space<vmem>>) dst(%dma_wait3A_77 : memref<120x128xf32, #tpu.memory_space<vmem_shared>>)
    %add3A_81 = arith.constant 512 : i32
    %add3A_82 = arith.addi %mul3A_4, %add3A_81 : i32
    %dma_wait3A_83 = arith.constant 0 : i32
    %dma_wait3A_84 = arith.constant 0 : i32
    %dma_wait3A_85 = tpu.memref_slice %arg8[%dma_wait3A_83, %dma_wait3A_84] : memref<128x128xf32, #tpu.memory_space<vmem>> -> memref<120x16xf32, #tpu.memory_space<vmem>>
    %dma_wait3A_86 = arith.constant 0 : i32
    %dma_wait3A_87 = tpu.memref_slice %arg12[%add3A_82, %dma_wait3A_86] : memref<10112x16xf32, #tpu.memory_space<vmem_shared>> -> memref<120x16xf32, #tpu.memory_space<vmem_shared>>
    %dma_wait3A_88 = arith.constant 0 : i32
    %dma_wait3A_89 = tpu.memref_slice %arg12[%add3A_82, %dma_wait3A_88] : memref<10112x16xf32, #tpu.memory_space<vmem_shared>> -> memref<120x16xf32, #tpu.memory_space<vmem_shared>>
    %dma_wait3A_90 = arith.constant 0 : i32
    %dma_wait3A_91 = arith.constant 0 : i32
    %dma_wait3A_92 = tpu.memref_slice %arg8[%dma_wait3A_90, %dma_wait3A_91] : memref<128x128xf32, #tpu.memory_space<vmem>> -> memref<120x16xf32, #tpu.memory_space<vmem>>
    tpu.wait_dma2 semaphore(%arg15 : memref<!tpu.dma_semaphore, #tpu.memory_space<semaphore_mem>>) src(%dma_wait3A_92 : memref<120x16xf32, #tpu.memory_space<vmem>>) dst(%dma_wait3A_89 : memref<120x16xf32, #tpu.memory_space<vmem_shared>>)
    %add3A_93 = arith.constant 0 : i32
    %add3A_94 = arith.addi %mul3A_2, %add3A_93 : i32
    %add3A_95 = arith.constant 0 : i32
    %add3A_96 = arith.addi %mul3A_2, %add3A_95 : i32
    %dma_wait3A_97 = arith.constant 0 : i32
    %dma_wait3A_98 = arith.constant 0 : i32
    %dma_wait3A_99 = arith.constant 0 : i32
    %dma_wait3A_100 = tpu.memref_slice %arg6[%dma_wait3A_98, %dma_wait3A_99] : memref<2x768xi32, #tpu.memory_space<vmem>> -> memref<1x768xi32, #tpu.memory_space<vmem>>
    %dma_wait3A_101 = tpu.memref_squeeze %dma_wait3A_100 : memref<1x768xi32, #tpu.memory_space<vmem>> -> memref<768xi32, #tpu.memory_space<vmem>>
    %dma_wait3A_102 = tpu.memref_slice %arg3[%dma_wait3A_97, %add3A_94] : memref<2x320000xi32, #tpu.memory_space<hbm>> -> memref<1x768xi32, #tpu.memory_space<hbm>>
    %dma_wait3A_103 = tpu.memref_squeeze %dma_wait3A_102 : memref<1x768xi32, #tpu.memory_space<hbm>> -> memref<768xi32, #tpu.memory_space<hbm>>
    %dma_wait3A_104 = arith.constant 0 : i32
    %dma_wait3A_105 = tpu.memref_slice %arg6[%dma_wait3A_98, %dma_wait3A_104] : memref<2x768xi32, #tpu.memory_space<vmem>> -> memref<1x768xi32, #tpu.memory_space<vmem>>
    %dma_wait3A_106 = tpu.memref_squeeze %dma_wait3A_105 : memref<1x768xi32, #tpu.memory_space<vmem>> -> memref<768xi32, #tpu.memory_space<vmem>>
    %dma_wait3A_107 = tpu.memref_slice %arg3[%dma_wait3A_97, %add3A_94] : memref<2x320000xi32, #tpu.memory_space<hbm>> -> memref<1x768xi32, #tpu.memory_space<hbm>>
    %dma_wait3A_108 = tpu.memref_squeeze %dma_wait3A_107 : memref<1x768xi32, #tpu.memory_space<hbm>> -> memref<768xi32, #tpu.memory_space<hbm>>
    tpu.wait_dma2 semaphore(%arg15 : memref<!tpu.dma_semaphore, #tpu.memory_space<semaphore_mem>>) src(%dma_wait3A_108 : memref<768xi32, #tpu.memory_space<hbm>>) dst(%dma_wait3A_106 : memref<768xi32, #tpu.memory_space<vmem>>)
    %dma_wait3A_109 = arith.constant 1 : i32
    %dma_wait3A_110 = arith.constant 1 : i32
    %dma_wait3A_111 = arith.constant 0 : i32
    %dma_wait3A_112 = tpu.memref_slice %arg6[%dma_wait3A_110, %dma_wait3A_111] : memref<2x768xi32, #tpu.memory_space<vmem>> -> memref<1x768xi32, #tpu.memory_space<vmem>>
    %dma_wait3A_113 = tpu.memref_squeeze %dma_wait3A_112 : memref<1x768xi32, #tpu.memory_space<vmem>> -> memref<768xi32, #tpu.memory_space<vmem>>
    %dma_wait3A_114 = tpu.memref_slice %arg3[%dma_wait3A_109, %add3A_96] : memref<2x320000xi32, #tpu.memory_space<hbm>> -> memref<1x768xi32, #tpu.memory_space<hbm>>
    %dma_wait3A_115 = tpu.memref_squeeze %dma_wait3A_114 : memref<1x768xi32, #tpu.memory_space<hbm>> -> memref<768xi32, #tpu.memory_space<hbm>>
    %dma_wait3A_116 = arith.constant 0 : i32
    %dma_wait3A_117 = tpu.memref_slice %arg6[%dma_wait3A_110, %dma_wait3A_116] : memref<2x768xi32, #tpu.memory_space<vmem>> -> memref<1x768xi32, #tpu.memory_space<vmem>>
    %dma_wait3A_118 = tpu.memref_squeeze %dma_wait3A_117 : memref<1x768xi32, #tpu.memory_space<vmem>> -> memref<768xi32, #tpu.memory_space<vmem>>
    %dma_wait3A_119 = tpu.memref_slice %arg3[%dma_wait3A_109, %add3A_96] : memref<2x320000xi32, #tpu.memory_space<hbm>> -> memref<1x768xi32, #tpu.memory_space<hbm>>
    %dma_wait3A_120 = tpu.memref_squeeze %dma_wait3A_119 : memref<1x768xi32, #tpu.memory_space<hbm>> -> memref<768xi32, #tpu.memory_space<hbm>>
    tpu.wait_dma2 semaphore(%arg15 : memref<!tpu.dma_semaphore, #tpu.memory_space<semaphore_mem>>) src(%dma_wait3A_120 : memref<768xi32, #tpu.memory_space<hbm>>) dst(%dma_wait3A_118 : memref<768xi32, #tpu.memory_space<vmem>>)
    %barrier3A = arith.constant 0 : index
    tpu.barrier barrier_id(%barrier3A)
    %dma_start3A_121 = arith.constant 0 : i32
    %dma_start3A_122 = arith.constant 0 : i32
    %dma_start3A_123 = tpu.memref_slice %arg6[%dma_start3A_121, %dma_start3A_122] : memref<2x768xi32, #tpu.memory_space<vmem>> -> memref<1x128xi32, #tpu.memory_space<vmem>>
    %dma_start3A_124 = tpu.memref_squeeze %dma_start3A_123 : memref<1x128xi32, #tpu.memory_space<vmem>> -> memref<128xi32, #tpu.memory_space<vmem>>
    %dma_start3A_125 = arith.constant 0 : i32
    %dma_start3A_126 = arith.constant 0 : i32
    %dma_start3A_127 = tpu.memref_slice %arg2[%dma_start3A_125, %dma_start3A_126] : memref<10000x128xf32, #tpu.memory_space<hbm>> -> memref<10000x128xf32, #tpu.memory_space<hbm>>
    tpu.enqueue_indirect_dma source(%dma_start3A_127 : memref<10000x128xf32, #tpu.memory_space<hbm>>) target(%arg8 : memref<128x128xf32, #tpu.memory_space<vmem>>) offsets(%dma_start3A_124 : memref<128xi32, #tpu.memory_space<vmem>>) semaphore(%arg13 : memref<!tpu.dma_semaphore, #tpu.memory_space<semaphore_mem>>)
    %scan3A_128 = arith.constant 0 : i32
    %scan3A_129 = arith.constant 6 : i32
    %scan3A_130 = arith.addi %scan3A_128, %scan3A_129 : i32
    %scan3A_131 = arith.constant 1 : i32
    scf.for %scan3A_224 = %scan3A_128 to %scan3A_130 step %scan3A_131  : i32 {
      %mul3A_225 = arith.constant 1 : i32
      %mul3A_226 = arith.muli %scan3A_224, %mul3A_225 : i32
      %add3A_227 = arith.constant 0 : i32
      %add3A_228 = arith.addi %add3A_227, %mul3A_226 : i32
      %mul3A_229 = arith.constant 2 : i32
      %mul3A_230 = arith.muli %mul3A_229, %add3A_228 : i32
      %scan3A_231 = arith.constant 0 : i32
      %scan3A_232 = arith.constant 3 : i32
      %scan3A_233 = arith.addi %scan3A_231, %scan3A_232 : i32
      %scan3A_234 = arith.constant 1 : i32
      scf.for %scan3A_245 = %scan3A_231 to %scan3A_233 step %scan3A_234  : i32 {
        %mul3A_246 = arith.constant 1 : i32
        %mul3A_247 = arith.muli %scan3A_245, %mul3A_246 : i32
        %add3A_248 = arith.constant 0 : i32
        %add3A_249 = arith.addi %add3A_248, %mul3A_247 : i32
        %mul3A_250 = arith.constant 2 : i32
        %mul3A_251 = arith.muli %mul3A_250, %add3A_249 : i32
        %add3A_252 = arith.constant 1 : i32
        %add3A_253 = arith.addi %mul3A_251, %add3A_252 : i32
        %mul3A_254 = arith.constant 128 : i32
        %mul3A_255 = arith.muli %mul3A_251, %mul3A_254 : i32
        %dma_wait3A_256 = arith.constant 0 : i32
        %dma_wait3A_257 = tpu.memref_slice %arg6[%dma_wait3A_256, %mul3A_255] : memref<2x768xi32, #tpu.memory_space<vmem>> -> memref<1x128xi32, #tpu.memory_space<vmem>>
        %dma_wait3A_258 = tpu.memref_squeeze %dma_wait3A_257 : memref<1x128xi32, #tpu.memory_space<vmem>> -> memref<128xi32, #tpu.memory_space<vmem>>
        %dma_wait3A_259 = arith.constant 0 : i32
        %dma_wait3A_260 = arith.constant 0 : i32
        %dma_wait3A_261 = tpu.memref_slice %arg2[%dma_wait3A_259, %dma_wait3A_260] : memref<10000x128xf32, #tpu.memory_space<hbm>> -> memref<10000x128xf32, #tpu.memory_space<hbm>>
        tpu.wait_indirect_dma semaphore(%arg13 : memref<!tpu.dma_semaphore, #tpu.memory_space<semaphore_mem>>) src(%dma_wait3A_261 : memref<10000x128xf32, #tpu.memory_space<hbm>>) dst(%arg8 : memref<128x128xf32, #tpu.memory_space<vmem>>)
        %eq3A = arith.constant 0 : i32
        %eq3A_262 = arith.cmpi eq, %add3A_249, %eq3A : i32
        %convert_element_type3A = arith.extui %eq3A_262 : i1 to i32
        %cond3A = arith.constant 0 : i32
        %cond3A_263 = arith.cmpi ne, %convert_element_type3A, %cond3A : i32
        scf.if %cond3A_263 {
          %gt3A_341 = arith.constant 0 : i32
          %gt3A_342 = arith.cmpi sgt, %mul3A_230, %gt3A_341 : i32
          %convert_element_type3A_343 = arith.extui %gt3A_342 : i1 to i32
          %cond3A_344 = arith.constant 0 : i32
          %cond3A_345 = arith.cmpi ne, %convert_element_type3A_343, %cond3A_344 : i32
          scf.if %cond3A_345 {
            %dma_wait3A_378 = arith.constant 1 : i32
            %dma_wait3A_379 = arith.constant 640 : i32
            %dma_wait3A_380 = tpu.memref_slice %arg7[%dma_wait3A_378, %dma_wait3A_379] : memref<2x768xi32, #tpu.memory_space<vmem>> -> memref<1x128xi32, #tpu.memory_space<vmem>>
            %dma_wait3A_381 = tpu.memref_squeeze %dma_wait3A_380 : memref<1x128xi32, #tpu.memory_space<vmem>> -> memref<128xi32, #tpu.memory_space<vmem>>
            %dma_wait3A_382 = arith.constant 0 : i32
            %dma_wait3A_383 = arith.constant 0 : i32
            %dma_wait3A_384 = tpu.memref_slice %arg11[%dma_wait3A_382, %dma_wait3A_383] : memref<10112x128xf32, #tpu.memory_space<vmem_shared>> -> memref<10112x128xf32, #tpu.memory_space<vmem_shared>>
            tpu.wait_indirect_dma semaphore(%arg17 : memref<!tpu.dma_semaphore, #tpu.memory_space<semaphore_mem>>) src(%arg9 : memref<128x128xf32, #tpu.memory_space<vmem>>) dst(%dma_wait3A_384 : memref<10112x128xf32, #tpu.memory_space<vmem_shared>>)
            %dma_wait3A_385 = arith.constant 1 : i32
            %dma_wait3A_386 = arith.constant 640 : i32
            %dma_wait3A_387 = tpu.memref_slice %arg7[%dma_wait3A_385, %dma_wait3A_386] : memref<2x768xi32, #tpu.memory_space<vmem>> -> memref<1x128xi32, #tpu.memory_space<vmem>>
            %dma_wait3A_388 = tpu.memref_squeeze %dma_wait3A_387 : memref<1x128xi32, #tpu.memory_space<vmem>> -> memref<128xi32, #tpu.memory_space<vmem>>
            %dma_wait3A_389 = arith.constant 0 : i32
            %dma_wait3A_390 = arith.constant 0 : i32
            %dma_wait3A_391 = tpu.memref_slice %arg12[%dma_wait3A_389, %dma_wait3A_390] : memref<10112x16xf32, #tpu.memory_space<vmem_shared>> -> memref<10112x16xf32, #tpu.memory_space<vmem_shared>>
            tpu.wait_indirect_dma semaphore(%arg17 : memref<!tpu.dma_semaphore, #tpu.memory_space<semaphore_mem>>) src(%arg10 : memref<128x16xf32, #tpu.memory_space<vmem>>) dst(%dma_wait3A_391 : memref<10112x16xf32, #tpu.memory_space<vmem_shared>>)
          } else {
          }
          %add3A_346 = arith.constant 1 : i32
          %add3A_347 = arith.addi %mul3A_230, %add3A_346 : i32
          %mul3A_348 = arith.constant 768 : i32
          %mul3A_349 = arith.muli %add3A_347, %mul3A_348 : i32
          %add3A_350 = arith.addi %mul3A_2, %mul3A_349 : i32
          %mul3A_351 = arith.constant 768 : i32
          %mul3A_352 = arith.muli %add3A_347, %mul3A_351 : i32
          %add3A_353 = arith.addi %mul3A_2, %mul3A_352 : i32
          %dma_start3A_354 = arith.constant 0 : i32
          %dma_start3A_355 = arith.constant 0 : i32
          %dma_start3A_356 = arith.constant 0 : i32
          %dma_start3A_357 = tpu.memref_slice %arg7[%dma_start3A_355, %dma_start3A_356] : memref<2x768xi32, #tpu.memory_space<vmem>> -> memref<1x768xi32, #tpu.memory_space<vmem>>
          %dma_start3A_358 = tpu.memref_squeeze %dma_start3A_357 : memref<1x768xi32, #tpu.memory_space<vmem>> -> memref<768xi32, #tpu.memory_space<vmem>>
          %dma_start3A_359 = tpu.memref_slice %arg3[%dma_start3A_354, %add3A_350] : memref<2x320000xi32, #tpu.memory_space<hbm>> -> memref<1x768xi32, #tpu.memory_space<hbm>>
          %dma_start3A_360 = tpu.memref_squeeze %dma_start3A_359 : memref<1x768xi32, #tpu.memory_space<hbm>> -> memref<768xi32, #tpu.memory_space<hbm>>
          %dma_start3A_361 = arith.constant 0 : i32
          %dma_start3A_362 = tpu.memref_slice %arg7[%dma_start3A_355, %dma_start3A_361] : memref<2x768xi32, #tpu.memory_space<vmem>> -> memref<1x768xi32, #tpu.memory_space<vmem>>
          %dma_start3A_363 = tpu.memref_squeeze %dma_start3A_362 : memref<1x768xi32, #tpu.memory_space<vmem>> -> memref<768xi32, #tpu.memory_space<vmem>>
          %dma_start3A_364 = tpu.memref_slice %arg3[%dma_start3A_354, %add3A_350] : memref<2x320000xi32, #tpu.memory_space<hbm>> -> memref<1x768xi32, #tpu.memory_space<hbm>>
          %dma_start3A_365 = tpu.memref_squeeze %dma_start3A_364 : memref<1x768xi32, #tpu.memory_space<hbm>> -> memref<768xi32, #tpu.memory_space<hbm>>
          tpu.enqueue_dma source(%dma_start3A_365 : memref<768xi32, #tpu.memory_space<hbm>>) target(%dma_start3A_363 : memref<768xi32, #tpu.memory_space<vmem>>) target_semaphore(%arg15 : memref<!tpu.dma_semaphore, #tpu.memory_space<semaphore_mem>>)
          %dma_start3A_366 = arith.constant 1 : i32
          %dma_start3A_367 = arith.constant 1 : i32
          %dma_start3A_368 = arith.constant 0 : i32
          %dma_start3A_369 = tpu.memref_slice %arg7[%dma_start3A_367, %dma_start3A_368] : memref<2x768xi32, #tpu.memory_space<vmem>> -> memref<1x768xi32, #tpu.memory_space<vmem>>
          %dma_start3A_370 = tpu.memref_squeeze %dma_start3A_369 : memref<1x768xi32, #tpu.memory_space<vmem>> -> memref<768xi32, #tpu.memory_space<vmem>>
          %dma_start3A_371 = tpu.memref_slice %arg3[%dma_start3A_366, %add3A_353] : memref<2x320000xi32, #tpu.memory_space<hbm>> -> memref<1x768xi32, #tpu.memory_space<hbm>>
          %dma_start3A_372 = tpu.memref_squeeze %dma_start3A_371 : memref<1x768xi32, #tpu.memory_space<hbm>> -> memref<768xi32, #tpu.memory_space<hbm>>
          %dma_start3A_373 = arith.constant 0 : i32
          %dma_start3A_374 = tpu.memref_slice %arg7[%dma_start3A_367, %dma_start3A_373] : memref<2x768xi32, #tpu.memory_space<vmem>> -> memref<1x768xi32, #tpu.memory_space<vmem>>
          %dma_start3A_375 = tpu.memref_squeeze %dma_start3A_374 : memref<1x768xi32, #tpu.memory_space<vmem>> -> memref<768xi32, #tpu.memory_space<vmem>>
          %dma_start3A_376 = tpu.memref_slice %arg3[%dma_start3A_366, %add3A_353] : memref<2x320000xi32, #tpu.memory_space<hbm>> -> memref<1x768xi32, #tpu.memory_space<hbm>>
          %dma_start3A_377 = tpu.memref_squeeze %dma_start3A_376 : memref<1x768xi32, #tpu.memory_space<hbm>> -> memref<768xi32, #tpu.memory_space<hbm>>
          tpu.enqueue_dma source(%dma_start3A_377 : memref<768xi32, #tpu.memory_space<hbm>>) target(%dma_start3A_375 : memref<768xi32, #tpu.memory_space<vmem>>) target_semaphore(%arg15 : memref<!tpu.dma_semaphore, #tpu.memory_space<semaphore_mem>>)
        } else {
        }
        %gt3A = arith.constant 0 : i32
        %gt3A_264 = arith.cmpi sgt, %add3A_249, %gt3A : i32
        %convert_element_type3A_265 = arith.extui %gt3A_264 : i1 to i32
        %cond3A_266 = arith.constant 0 : i32
        %cond3A_267 = arith.cmpi ne, %convert_element_type3A_265, %cond3A_266 : i32
        scf.if %cond3A_267 {
          %sub3A = arith.constant 1 : i32
          %sub3A_341 = arith.subi %mul3A_251, %sub3A : i32
          %mul3A_342 = arith.constant 128 : i32
          %mul3A_343 = arith.muli %sub3A_341, %mul3A_342 : i32
          %dma_wait3A_344 = arith.constant 1 : i32
          %dma_wait3A_345 = tpu.memref_slice %arg6[%dma_wait3A_344, %mul3A_343] : memref<2x768xi32, #tpu.memory_space<vmem>> -> memref<1x128xi32, #tpu.memory_space<vmem>>
          %dma_wait3A_346 = tpu.memref_squeeze %dma_wait3A_345 : memref<1x128xi32, #tpu.memory_space<vmem>> -> memref<128xi32, #tpu.memory_space<vmem>>
          %dma_wait3A_347 = arith.constant 0 : i32
          %dma_wait3A_348 = arith.constant 0 : i32
          %dma_wait3A_349 = tpu.memref_slice %arg11[%dma_wait3A_347, %dma_wait3A_348] : memref<10112x128xf32, #tpu.memory_space<vmem_shared>> -> memref<10112x128xf32, #tpu.memory_space<vmem_shared>>
          tpu.wait_indirect_dma semaphore(%arg17 : memref<!tpu.dma_semaphore, #tpu.memory_space<semaphore_mem>>) src(%arg9 : memref<128x128xf32, #tpu.memory_space<vmem>>) dst(%dma_wait3A_349 : memref<10112x128xf32, #tpu.memory_space<vmem_shared>>)
          %mul3A_350 = arith.constant 128 : i32
          %mul3A_351 = arith.muli %sub3A_341, %mul3A_350 : i32
          %dma_wait3A_352 = arith.constant 1 : i32
          %dma_wait3A_353 = tpu.memref_slice %arg6[%dma_wait3A_352, %mul3A_351] : memref<2x768xi32, #tpu.memory_space<vmem>> -> memref<1x128xi32, #tpu.memory_space<vmem>>
          %dma_wait3A_354 = tpu.memref_squeeze %dma_wait3A_353 : memref<1x128xi32, #tpu.memory_space<vmem>> -> memref<128xi32, #tpu.memory_space<vmem>>
          %dma_wait3A_355 = arith.constant 0 : i32
          %dma_wait3A_356 = arith.constant 0 : i32
          %dma_wait3A_357 = tpu.memref_slice %arg12[%dma_wait3A_355, %dma_wait3A_356] : memref<10112x16xf32, #tpu.memory_space<vmem_shared>> -> memref<10112x16xf32, #tpu.memory_space<vmem_shared>>
          tpu.wait_indirect_dma semaphore(%arg17 : memref<!tpu.dma_semaphore, #tpu.memory_space<semaphore_mem>>) src(%arg10 : memref<128x16xf32, #tpu.memory_space<vmem>>) dst(%dma_wait3A_357 : memref<10112x16xf32, #tpu.memory_space<vmem_shared>>)
        } else {
        }
        %mul3A_268 = arith.constant 128 : i32
        %mul3A_269 = arith.muli %add3A_253, %mul3A_268 : i32
        %dma_start3A_270 = arith.constant 0 : i32
        %dma_start3A_271 = tpu.memref_slice %arg6[%dma_start3A_270, %mul3A_269] : memref<2x768xi32, #tpu.memory_space<vmem>> -> memref<1x128xi32, #tpu.memory_space<vmem>>
        %dma_start3A_272 = tpu.memref_squeeze %dma_start3A_271 : memref<1x128xi32, #tpu.memory_space<vmem>> -> memref<128xi32, #tpu.memory_space<vmem>>
        %dma_start3A_273 = arith.constant 0 : i32
        %dma_start3A_274 = arith.constant 0 : i32
        %dma_start3A_275 = tpu.memref_slice %arg2[%dma_start3A_273, %dma_start3A_274] : memref<10000x128xf32, #tpu.memory_space<hbm>> -> memref<10000x128xf32, #tpu.memory_space<hbm>>
        tpu.enqueue_indirect_dma source(%dma_start3A_275 : memref<10000x128xf32, #tpu.memory_space<hbm>>) target(%arg9 : memref<128x128xf32, #tpu.memory_space<vmem>>) offsets(%dma_start3A_272 : memref<128xi32, #tpu.memory_space<vmem>>) semaphore(%arg14 : memref<!tpu.dma_semaphore, #tpu.memory_space<semaphore_mem>>)
        %mul3A_276 = arith.constant 128 : i32
        %mul3A_277 = arith.muli %mul3A_251, %mul3A_276 : i32
        %dma_start3A_278 = arith.constant 1 : i32
        %dma_start3A_279 = tpu.memref_slice %arg6[%dma_start3A_278, %mul3A_277] : memref<2x768xi32, #tpu.memory_space<vmem>> -> memref<1x128xi32, #tpu.memory_space<vmem>>
        %dma_start3A_280 = tpu.memref_squeeze %dma_start3A_279 : memref<1x128xi32, #tpu.memory_space<vmem>> -> memref<128xi32, #tpu.memory_space<vmem>>
        %dma_start3A_281 = arith.constant 0 : i32
        %dma_start3A_282 = arith.constant 0 : i32
        %dma_start3A_283 = tpu.memref_slice %arg11[%dma_start3A_281, %dma_start3A_282] : memref<10112x128xf32, #tpu.memory_space<vmem_shared>> -> memref<10112x128xf32, #tpu.memory_space<vmem_shared>>
        tpu.enqueue_indirect_dma source(%arg8 : memref<128x128xf32, #tpu.memory_space<vmem>>) target(%dma_start3A_283 : memref<10112x128xf32, #tpu.memory_space<vmem_shared>>) offsets(%dma_start3A_280 : memref<128xi32, #tpu.memory_space<vmem>>) semaphore(%arg16 : memref<!tpu.dma_semaphore, #tpu.memory_space<semaphore_mem>>) {add = true}
        %mul3A_284 = arith.constant 128 : i32
        %mul3A_285 = arith.muli %mul3A_251, %mul3A_284 : i32
        %dma_start3A_286 = arith.constant 1 : i32
        %dma_start3A_287 = tpu.memref_slice %arg6[%dma_start3A_286, %mul3A_285] : memref<2x768xi32, #tpu.memory_space<vmem>> -> memref<1x128xi32, #tpu.memory_space<vmem>>
        %dma_start3A_288 = tpu.memref_squeeze %dma_start3A_287 : memref<1x128xi32, #tpu.memory_space<vmem>> -> memref<128xi32, #tpu.memory_space<vmem>>
        %dma_start3A_289 = arith.constant 0 : i32
        %dma_start3A_290 = arith.constant 0 : i32
        %dma_start3A_291 = tpu.memref_slice %arg12[%dma_start3A_289, %dma_start3A_290] : memref<10112x16xf32, #tpu.memory_space<vmem_shared>> -> memref<10112x16xf32, #tpu.memory_space<vmem_shared>>
        tpu.enqueue_indirect_dma source(%arg10 : memref<128x16xf32, #tpu.memory_space<vmem>>) target(%dma_start3A_291 : memref<10112x16xf32, #tpu.memory_space<vmem_shared>>) offsets(%dma_start3A_288 : memref<128xi32, #tpu.memory_space<vmem>>) semaphore(%arg16 : memref<!tpu.dma_semaphore, #tpu.memory_space<semaphore_mem>>) {add = true}
        %mul3A_292 = arith.constant 128 : i32
        %mul3A_293 = arith.muli %add3A_253, %mul3A_292 : i32
        %dma_wait3A_294 = arith.constant 0 : i32
        %dma_wait3A_295 = tpu.memref_slice %arg6[%dma_wait3A_294, %mul3A_293] : memref<2x768xi32, #tpu.memory_space<vmem>> -> memref<1x128xi32, #tpu.memory_space<vmem>>
        %dma_wait3A_296 = tpu.memref_squeeze %dma_wait3A_295 : memref<1x128xi32, #tpu.memory_space<vmem>> -> memref<128xi32, #tpu.memory_space<vmem>>
        %dma_wait3A_297 = arith.constant 0 : i32
        %dma_wait3A_298 = arith.constant 0 : i32
        %dma_wait3A_299 = tpu.memref_slice %arg2[%dma_wait3A_297, %dma_wait3A_298] : memref<10000x128xf32, #tpu.memory_space<hbm>> -> memref<10000x128xf32, #tpu.memory_space<hbm>>
        tpu.wait_indirect_dma semaphore(%arg14 : memref<!tpu.dma_semaphore, #tpu.memory_space<semaphore_mem>>) src(%dma_wait3A_299 : memref<10000x128xf32, #tpu.memory_space<hbm>>) dst(%arg9 : memref<128x128xf32, #tpu.memory_space<vmem>>)
        %mul3A_300 = arith.constant 128 : i32
        %mul3A_301 = arith.muli %mul3A_251, %mul3A_300 : i32
        %dma_wait3A_302 = arith.constant 1 : i32
        %dma_wait3A_303 = tpu.memref_slice %arg6[%dma_wait3A_302, %mul3A_301] : memref<2x768xi32, #tpu.memory_space<vmem>> -> memref<1x128xi32, #tpu.memory_space<vmem>>
        %dma_wait3A_304 = tpu.memref_squeeze %dma_wait3A_303 : memref<1x128xi32, #tpu.memory_space<vmem>> -> memref<128xi32, #tpu.memory_space<vmem>>
        %dma_wait3A_305 = arith.constant 0 : i32
        %dma_wait3A_306 = arith.constant 0 : i32
        %dma_wait3A_307 = tpu.memref_slice %arg11[%dma_wait3A_305, %dma_wait3A_306] : memref<10112x128xf32, #tpu.memory_space<vmem_shared>> -> memref<10112x128xf32, #tpu.memory_space<vmem_shared>>
        tpu.wait_indirect_dma semaphore(%arg16 : memref<!tpu.dma_semaphore, #tpu.memory_space<semaphore_mem>>) src(%arg8 : memref<128x128xf32, #tpu.memory_space<vmem>>) dst(%dma_wait3A_307 : memref<10112x128xf32, #tpu.memory_space<vmem_shared>>)
        %mul3A_308 = arith.constant 128 : i32
        %mul3A_309 = arith.muli %mul3A_251, %mul3A_308 : i32
        %dma_wait3A_310 = arith.constant 1 : i32
        %dma_wait3A_311 = tpu.memref_slice %arg6[%dma_wait3A_310, %mul3A_309] : memref<2x768xi32, #tpu.memory_space<vmem>> -> memref<1x128xi32, #tpu.memory_space<vmem>>
        %dma_wait3A_312 = tpu.memref_squeeze %dma_wait3A_311 : memref<1x128xi32, #tpu.memory_space<vmem>> -> memref<128xi32, #tpu.memory_space<vmem>>
        %dma_wait3A_313 = arith.constant 0 : i32
        %dma_wait3A_314 = arith.constant 0 : i32
        %dma_wait3A_315 = tpu.memref_slice %arg12[%dma_wait3A_313, %dma_wait3A_314] : memref<10112x16xf32, #tpu.memory_space<vmem_shared>> -> memref<10112x16xf32, #tpu.memory_space<vmem_shared>>
        tpu.wait_indirect_dma semaphore(%arg16 : memref<!tpu.dma_semaphore, #tpu.memory_space<semaphore_mem>>) src(%arg10 : memref<128x16xf32, #tpu.memory_space<vmem>>) dst(%dma_wait3A_315 : memref<10112x16xf32, #tpu.memory_space<vmem_shared>>)
        %lt3A = arith.constant 2 : i32
        %lt3A_316 = arith.cmpi slt, %add3A_249, %lt3A : i32
        %convert_element_type3A_317 = arith.extui %lt3A_316 : i1 to i32
        %cond3A_318 = arith.constant 0 : i32
        %cond3A_319 = arith.cmpi ne, %convert_element_type3A_317, %cond3A_318 : i32
        scf.if %cond3A_319 {
          %add3A_341 = arith.constant 2 : i32
          %add3A_342 = arith.addi %mul3A_251, %add3A_341 : i32
          %mul3A_343 = arith.constant 128 : i32
          %mul3A_344 = arith.muli %add3A_342, %mul3A_343 : i32
          %dma_start3A_345 = arith.constant 0 : i32
          %dma_start3A_346 = tpu.memref_slice %arg6[%dma_start3A_345, %mul3A_344] : memref<2x768xi32, #tpu.memory_space<vmem>> -> memref<1x128xi32, #tpu.memory_space<vmem>>
          %dma_start3A_347 = tpu.memref_squeeze %dma_start3A_346 : memref<1x128xi32, #tpu.memory_space<vmem>> -> memref<128xi32, #tpu.memory_space<vmem>>
          %dma_start3A_348 = arith.constant 0 : i32
          %dma_start3A_349 = arith.constant 0 : i32
          %dma_start3A_350 = tpu.memref_slice %arg2[%dma_start3A_348, %dma_start3A_349] : memref<10000x128xf32, #tpu.memory_space<hbm>> -> memref<10000x128xf32, #tpu.memory_space<hbm>>
          tpu.enqueue_indirect_dma source(%dma_start3A_350 : memref<10000x128xf32, #tpu.memory_space<hbm>>) target(%arg8 : memref<128x128xf32, #tpu.memory_space<vmem>>) offsets(%dma_start3A_347 : memref<128xi32, #tpu.memory_space<vmem>>) semaphore(%arg13 : memref<!tpu.dma_semaphore, #tpu.memory_space<semaphore_mem>>)
        } else {
        }
        %eq3A_320 = arith.constant 2 : i32
        %eq3A_321 = arith.cmpi eq, %add3A_249, %eq3A_320 : i32
        %convert_element_type3A_322 = arith.extui %eq3A_321 : i1 to i32
        %cond3A_323 = arith.constant 0 : i32
        %cond3A_324 = arith.cmpi ne, %convert_element_type3A_322, %cond3A_323 : i32
        scf.if %cond3A_324 {
          %add3A_341 = arith.constant 1 : i32
          %add3A_342 = arith.addi %mul3A_230, %add3A_341 : i32
          %mul3A_343 = arith.constant 768 : i32
          %mul3A_344 = arith.muli %add3A_342, %mul3A_343 : i32
          %add3A_345 = arith.addi %mul3A_2, %mul3A_344 : i32
          %mul3A_346 = arith.constant 768 : i32
          %mul3A_347 = arith.muli %add3A_342, %mul3A_346 : i32
          %add3A_348 = arith.addi %mul3A_2, %mul3A_347 : i32
          %dma_wait3A_349 = arith.constant 0 : i32
          %dma_wait3A_350 = arith.constant 0 : i32
          %dma_wait3A_351 = arith.constant 0 : i32
          %dma_wait3A_352 = tpu.memref_slice %arg7[%dma_wait3A_350, %dma_wait3A_351] : memref<2x768xi32, #tpu.memory_space<vmem>> -> memref<1x768xi32, #tpu.memory_space<vmem>>
          %dma_wait3A_353 = tpu.memref_squeeze %dma_wait3A_352 : memref<1x768xi32, #tpu.memory_space<vmem>> -> memref<768xi32, #tpu.memory_space<vmem>>
          %dma_wait3A_354 = tpu.memref_slice %arg3[%dma_wait3A_349, %add3A_345] : memref<2x320000xi32, #tpu.memory_space<hbm>> -> memref<1x768xi32, #tpu.memory_space<hbm>>
          %dma_wait3A_355 = tpu.memref_squeeze %dma_wait3A_354 : memref<1x768xi32, #tpu.memory_space<hbm>> -> memref<768xi32, #tpu.memory_space<hbm>>
          %dma_wait3A_356 = arith.constant 0 : i32
          %dma_wait3A_357 = tpu.memref_slice %arg7[%dma_wait3A_350, %dma_wait3A_356] : memref<2x768xi32, #tpu.memory_space<vmem>> -> memref<1x768xi32, #tpu.memory_space<vmem>>
          %dma_wait3A_358 = tpu.memref_squeeze %dma_wait3A_357 : memref<1x768xi32, #tpu.memory_space<vmem>> -> memref<768xi32, #tpu.memory_space<vmem>>
          %dma_wait3A_359 = tpu.memref_slice %arg3[%dma_wait3A_349, %add3A_345] : memref<2x320000xi32, #tpu.memory_space<hbm>> -> memref<1x768xi32, #tpu.memory_space<hbm>>
          %dma_wait3A_360 = tpu.memref_squeeze %dma_wait3A_359 : memref<1x768xi32, #tpu.memory_space<hbm>> -> memref<768xi32, #tpu.memory_space<hbm>>
          tpu.wait_dma2 semaphore(%arg15 : memref<!tpu.dma_semaphore, #tpu.memory_space<semaphore_mem>>) src(%dma_wait3A_360 : memref<768xi32, #tpu.memory_space<hbm>>) dst(%dma_wait3A_358 : memref<768xi32, #tpu.memory_space<vmem>>)
          %dma_wait3A_361 = arith.constant 1 : i32
          %dma_wait3A_362 = arith.constant 1 : i32
          %dma_wait3A_363 = arith.constant 0 : i32
          %dma_wait3A_364 = tpu.memref_slice %arg7[%dma_wait3A_362, %dma_wait3A_363] : memref<2x768xi32, #tpu.memory_space<vmem>> -> memref<1x768xi32, #tpu.memory_space<vmem>>
          %dma_wait3A_365 = tpu.memref_squeeze %dma_wait3A_364 : memref<1x768xi32, #tpu.memory_space<vmem>> -> memref<768xi32, #tpu.memory_space<vmem>>
          %dma_wait3A_366 = tpu.memref_slice %arg3[%dma_wait3A_361, %add3A_348] : memref<2x320000xi32, #tpu.memory_space<hbm>> -> memref<1x768xi32, #tpu.memory_space<hbm>>
          %dma_wait3A_367 = tpu.memref_squeeze %dma_wait3A_366 : memref<1x768xi32, #tpu.memory_space<hbm>> -> memref<768xi32, #tpu.memory_space<hbm>>
          %dma_wait3A_368 = arith.constant 0 : i32
          %dma_wait3A_369 = tpu.memref_slice %arg7[%dma_wait3A_362, %dma_wait3A_368] : memref<2x768xi32, #tpu.memory_space<vmem>> -> memref<1x768xi32, #tpu.memory_space<vmem>>
          %dma_wait3A_370 = tpu.memref_squeeze %dma_wait3A_369 : memref<1x768xi32, #tpu.memory_space<vmem>> -> memref<768xi32, #tpu.memory_space<vmem>>
          %dma_wait3A_371 = tpu.memref_slice %arg3[%dma_wait3A_361, %add3A_348] : memref<2x320000xi32, #tpu.memory_space<hbm>> -> memref<1x768xi32, #tpu.memory_space<hbm>>
          %dma_wait3A_372 = tpu.memref_squeeze %dma_wait3A_371 : memref<1x768xi32, #tpu.memory_space<hbm>> -> memref<768xi32, #tpu.memory_space<hbm>>
          tpu.wait_dma2 semaphore(%arg15 : memref<!tpu.dma_semaphore, #tpu.memory_space<semaphore_mem>>) src(%dma_wait3A_372 : memref<768xi32, #tpu.memory_space<hbm>>) dst(%dma_wait3A_370 : memref<768xi32, #tpu.memory_space<vmem>>)
          %dma_start3A_373 = arith.constant 0 : i32
          %dma_start3A_374 = arith.constant 0 : i32
          %dma_start3A_375 = tpu.memref_slice %arg7[%dma_start3A_373, %dma_start3A_374] : memref<2x768xi32, #tpu.memory_space<vmem>> -> memref<1x128xi32, #tpu.memory_space<vmem>>
          %dma_start3A_376 = tpu.memref_squeeze %dma_start3A_375 : memref<1x128xi32, #tpu.memory_space<vmem>> -> memref<128xi32, #tpu.memory_space<vmem>>
          %dma_start3A_377 = arith.constant 0 : i32
          %dma_start3A_378 = arith.constant 0 : i32
          %dma_start3A_379 = tpu.memref_slice %arg2[%dma_start3A_377, %dma_start3A_378] : memref<10000x128xf32, #tpu.memory_space<hbm>> -> memref<10000x128xf32, #tpu.memory_space<hbm>>
          tpu.enqueue_indirect_dma source(%dma_start3A_379 : memref<10000x128xf32, #tpu.memory_space<hbm>>) target(%arg8 : memref<128x128xf32, #tpu.memory_space<vmem>>) offsets(%dma_start3A_376 : memref<128xi32, #tpu.memory_space<vmem>>) semaphore(%arg13 : memref<!tpu.dma_semaphore, #tpu.memory_space<semaphore_mem>>)
        } else {
        }
        %mul3A_325 = arith.constant 128 : i32
        %mul3A_326 = arith.muli %add3A_253, %mul3A_325 : i32
        %dma_start3A_327 = arith.constant 1 : i32
        %dma_start3A_328 = tpu.memref_slice %arg6[%dma_start3A_327, %mul3A_326] : memref<2x768xi32, #tpu.memory_space<vmem>> -> memref<1x128xi32, #tpu.memory_space<vmem>>
        %dma_start3A_329 = tpu.memref_squeeze %dma_start3A_328 : memref<1x128xi32, #tpu.memory_space<vmem>> -> memref<128xi32, #tpu.memory_space<vmem>>
        %dma_start3A_330 = arith.constant 0 : i32
        %dma_start3A_331 = arith.constant 0 : i32
        %dma_start3A_332 = tpu.memref_slice %arg11[%dma_start3A_330, %dma_start3A_331] : memref<10112x128xf32, #tpu.memory_space<vmem_shared>> -> memref<10112x128xf32, #tpu.memory_space<vmem_shared>>
        tpu.enqueue_indirect_dma source(%arg9 : memref<128x128xf32, #tpu.memory_space<vmem>>) target(%dma_start3A_332 : memref<10112x128xf32, #tpu.memory_space<vmem_shared>>) offsets(%dma_start3A_329 : memref<128xi32, #tpu.memory_space<vmem>>) semaphore(%arg17 : memref<!tpu.dma_semaphore, #tpu.memory_space<semaphore_mem>>) {add = true}
        %mul3A_333 = arith.constant 128 : i32
        %mul3A_334 = arith.muli %add3A_253, %mul3A_333 : i32
        %dma_start3A_335 = arith.constant 1 : i32
        %dma_start3A_336 = tpu.memref_slice %arg6[%dma_start3A_335, %mul3A_334] : memref<2x768xi32, #tpu.memory_space<vmem>> -> memref<1x128xi32, #tpu.memory_space<vmem>>
        %dma_start3A_337 = tpu.memref_squeeze %dma_start3A_336 : memref<1x128xi32, #tpu.memory_space<vmem>> -> memref<128xi32, #tpu.memory_space<vmem>>
        %dma_start3A_338 = arith.constant 0 : i32
        %dma_start3A_339 = arith.constant 0 : i32
        %dma_start3A_340 = tpu.memref_slice %arg12[%dma_start3A_338, %dma_start3A_339] : memref<10112x16xf32, #tpu.memory_space<vmem_shared>> -> memref<10112x16xf32, #tpu.memory_space<vmem_shared>>
        tpu.enqueue_indirect_dma source(%arg10 : memref<128x16xf32, #tpu.memory_space<vmem>>) target(%dma_start3A_340 : memref<10112x16xf32, #tpu.memory_space<vmem_shared>>) offsets(%dma_start3A_337 : memref<128xi32, #tpu.memory_space<vmem>>) semaphore(%arg17 : memref<!tpu.dma_semaphore, #tpu.memory_space<semaphore_mem>>) {add = true}
      }
      %scan3A_235 = arith.constant 3 : i32
      %mul3A_236 = arith.constant 2 : i32
      %mul3A_237 = arith.muli %mul3A_236, %add3A_228 : i32
      %add3A_238 = arith.constant 1 : i32
      %add3A_239 = arith.addi %mul3A_237, %add3A_238 : i32
      %scan3A_240 = arith.constant 0 : i32
      %scan3A_241 = arith.constant 3 : i32
      %scan3A_242 = arith.addi %scan3A_240, %scan3A_241 : i32
      %scan3A_243 = arith.constant 1 : i32
      scf.for %scan3A_245 = %scan3A_240 to %scan3A_242 step %scan3A_243  : i32 {
        %mul3A_246 = arith.constant 1 : i32
        %mul3A_247 = arith.muli %scan3A_245, %mul3A_246 : i32
        %add3A_248 = arith.constant 0 : i32
        %add3A_249 = arith.addi %add3A_248, %mul3A_247 : i32
        %mul3A_250 = arith.constant 2 : i32
        %mul3A_251 = arith.muli %mul3A_250, %add3A_249 : i32
        %add3A_252 = arith.constant 1 : i32
        %add3A_253 = arith.addi %mul3A_251, %add3A_252 : i32
        %mul3A_254 = arith.constant 128 : i32
        %mul3A_255 = arith.muli %mul3A_251, %mul3A_254 : i32
        %dma_wait3A_256 = arith.constant 0 : i32
        %dma_wait3A_257 = tpu.memref_slice %arg7[%dma_wait3A_256, %mul3A_255] : memref<2x768xi32, #tpu.memory_space<vmem>> -> memref<1x128xi32, #tpu.memory_space<vmem>>
        %dma_wait3A_258 = tpu.memref_squeeze %dma_wait3A_257 : memref<1x128xi32, #tpu.memory_space<vmem>> -> memref<128xi32, #tpu.memory_space<vmem>>
        %dma_wait3A_259 = arith.constant 0 : i32
        %dma_wait3A_260 = arith.constant 0 : i32
        %dma_wait3A_261 = tpu.memref_slice %arg2[%dma_wait3A_259, %dma_wait3A_260] : memref<10000x128xf32, #tpu.memory_space<hbm>> -> memref<10000x128xf32, #tpu.memory_space<hbm>>
        tpu.wait_indirect_dma semaphore(%arg13 : memref<!tpu.dma_semaphore, #tpu.memory_space<semaphore_mem>>) src(%dma_wait3A_261 : memref<10000x128xf32, #tpu.memory_space<hbm>>) dst(%arg8 : memref<128x128xf32, #tpu.memory_space<vmem>>)
        %eq3A = arith.constant 0 : i32
        %eq3A_262 = arith.cmpi eq, %add3A_249, %eq3A : i32
        %convert_element_type3A = arith.extui %eq3A_262 : i1 to i32
        %cond3A = arith.constant 0 : i32
        %cond3A_263 = arith.cmpi ne, %convert_element_type3A, %cond3A : i32
        scf.if %cond3A_263 {
          %gt3A_341 = arith.constant 0 : i32
          %gt3A_342 = arith.cmpi sgt, %add3A_239, %gt3A_341 : i32
          %convert_element_type3A_343 = arith.extui %gt3A_342 : i1 to i32
          %cond3A_344 = arith.constant 0 : i32
          %cond3A_345 = arith.cmpi ne, %convert_element_type3A_343, %cond3A_344 : i32
          scf.if %cond3A_345 {
            %dma_wait3A_378 = arith.constant 1 : i32
            %dma_wait3A_379 = arith.constant 640 : i32
            %dma_wait3A_380 = tpu.memref_slice %arg6[%dma_wait3A_378, %dma_wait3A_379] : memref<2x768xi32, #tpu.memory_space<vmem>> -> memref<1x128xi32, #tpu.memory_space<vmem>>
            %dma_wait3A_381 = tpu.memref_squeeze %dma_wait3A_380 : memref<1x128xi32, #tpu.memory_space<vmem>> -> memref<128xi32, #tpu.memory_space<vmem>>
            %dma_wait3A_382 = arith.constant 0 : i32
            %dma_wait3A_383 = arith.constant 0 : i32
            %dma_wait3A_384 = tpu.memref_slice %arg11[%dma_wait3A_382, %dma_wait3A_383] : memref<10112x128xf32, #tpu.memory_space<vmem_shared>> -> memref<10112x128xf32, #tpu.memory_space<vmem_shared>>
            tpu.wait_indirect_dma semaphore(%arg17 : memref<!tpu.dma_semaphore, #tpu.memory_space<semaphore_mem>>) src(%arg9 : memref<128x128xf32, #tpu.memory_space<vmem>>) dst(%dma_wait3A_384 : memref<10112x128xf32, #tpu.memory_space<vmem_shared>>)
            %dma_wait3A_385 = arith.constant 1 : i32
            %dma_wait3A_386 = arith.constant 640 : i32
            %dma_wait3A_387 = tpu.memref_slice %arg6[%dma_wait3A_385, %dma_wait3A_386] : memref<2x768xi32, #tpu.memory_space<vmem>> -> memref<1x128xi32, #tpu.memory_space<vmem>>
            %dma_wait3A_388 = tpu.memref_squeeze %dma_wait3A_387 : memref<1x128xi32, #tpu.memory_space<vmem>> -> memref<128xi32, #tpu.memory_space<vmem>>
            %dma_wait3A_389 = arith.constant 0 : i32
            %dma_wait3A_390 = arith.constant 0 : i32
            %dma_wait3A_391 = tpu.memref_slice %arg12[%dma_wait3A_389, %dma_wait3A_390] : memref<10112x16xf32, #tpu.memory_space<vmem_shared>> -> memref<10112x16xf32, #tpu.memory_space<vmem_shared>>
            tpu.wait_indirect_dma semaphore(%arg17 : memref<!tpu.dma_semaphore, #tpu.memory_space<semaphore_mem>>) src(%arg10 : memref<128x16xf32, #tpu.memory_space<vmem>>) dst(%dma_wait3A_391 : memref<10112x16xf32, #tpu.memory_space<vmem_shared>>)
          } else {
          }
          %add3A_346 = arith.constant 1 : i32
          %add3A_347 = arith.addi %add3A_239, %add3A_346 : i32
          %mul3A_348 = arith.constant 768 : i32
          %mul3A_349 = arith.muli %add3A_347, %mul3A_348 : i32
          %add3A_350 = arith.addi %mul3A_2, %mul3A_349 : i32
          %mul3A_351 = arith.constant 768 : i32
          %mul3A_352 = arith.muli %add3A_347, %mul3A_351 : i32
          %add3A_353 = arith.addi %mul3A_2, %mul3A_352 : i32
          %dma_start3A_354 = arith.constant 0 : i32
          %dma_start3A_355 = arith.constant 0 : i32
          %dma_start3A_356 = arith.constant 0 : i32
          %dma_start3A_357 = tpu.memref_slice %arg6[%dma_start3A_355, %dma_start3A_356] : memref<2x768xi32, #tpu.memory_space<vmem>> -> memref<1x768xi32, #tpu.memory_space<vmem>>
          %dma_start3A_358 = tpu.memref_squeeze %dma_start3A_357 : memref<1x768xi32, #tpu.memory_space<vmem>> -> memref<768xi32, #tpu.memory_space<vmem>>
          %dma_start3A_359 = tpu.memref_slice %arg3[%dma_start3A_354, %add3A_350] : memref<2x320000xi32, #tpu.memory_space<hbm>> -> memref<1x768xi32, #tpu.memory_space<hbm>>
          %dma_start3A_360 = tpu.memref_squeeze %dma_start3A_359 : memref<1x768xi32, #tpu.memory_space<hbm>> -> memref<768xi32, #tpu.memory_space<hbm>>
          %dma_start3A_361 = arith.constant 0 : i32
          %dma_start3A_362 = tpu.memref_slice %arg6[%dma_start3A_355, %dma_start3A_361] : memref<2x768xi32, #tpu.memory_space<vmem>> -> memref<1x768xi32, #tpu.memory_space<vmem>>
          %dma_start3A_363 = tpu.memref_squeeze %dma_start3A_362 : memref<1x768xi32, #tpu.memory_space<vmem>> -> memref<768xi32, #tpu.memory_space<vmem>>
          %dma_start3A_364 = tpu.memref_slice %arg3[%dma_start3A_354, %add3A_350] : memref<2x320000xi32, #tpu.memory_space<hbm>> -> memref<1x768xi32, #tpu.memory_space<hbm>>
          %dma_start3A_365 = tpu.memref_squeeze %dma_start3A_364 : memref<1x768xi32, #tpu.memory_space<hbm>> -> memref<768xi32, #tpu.memory_space<hbm>>
          tpu.enqueue_dma source(%dma_start3A_365 : memref<768xi32, #tpu.memory_space<hbm>>) target(%dma_start3A_363 : memref<768xi32, #tpu.memory_space<vmem>>) target_semaphore(%arg15 : memref<!tpu.dma_semaphore, #tpu.memory_space<semaphore_mem>>)
          %dma_start3A_366 = arith.constant 1 : i32
          %dma_start3A_367 = arith.constant 1 : i32
          %dma_start3A_368 = arith.constant 0 : i32
          %dma_start3A_369 = tpu.memref_slice %arg6[%dma_start3A_367, %dma_start3A_368] : memref<2x768xi32, #tpu.memory_space<vmem>> -> memref<1x768xi32, #tpu.memory_space<vmem>>
          %dma_start3A_370 = tpu.memref_squeeze %dma_start3A_369 : memref<1x768xi32, #tpu.memory_space<vmem>> -> memref<768xi32, #tpu.memory_space<vmem>>
          %dma_start3A_371 = tpu.memref_slice %arg3[%dma_start3A_366, %add3A_353] : memref<2x320000xi32, #tpu.memory_space<hbm>> -> memref<1x768xi32, #tpu.memory_space<hbm>>
          %dma_start3A_372 = tpu.memref_squeeze %dma_start3A_371 : memref<1x768xi32, #tpu.memory_space<hbm>> -> memref<768xi32, #tpu.memory_space<hbm>>
          %dma_start3A_373 = arith.constant 0 : i32
          %dma_start3A_374 = tpu.memref_slice %arg6[%dma_start3A_367, %dma_start3A_373] : memref<2x768xi32, #tpu.memory_space<vmem>> -> memref<1x768xi32, #tpu.memory_space<vmem>>
          %dma_start3A_375 = tpu.memref_squeeze %dma_start3A_374 : memref<1x768xi32, #tpu.memory_space<vmem>> -> memref<768xi32, #tpu.memory_space<vmem>>
          %dma_start3A_376 = tpu.memref_slice %arg3[%dma_start3A_366, %add3A_353] : memref<2x320000xi32, #tpu.memory_space<hbm>> -> memref<1x768xi32, #tpu.memory_space<hbm>>
          %dma_start3A_377 = tpu.memref_squeeze %dma_start3A_376 : memref<1x768xi32, #tpu.memory_space<hbm>> -> memref<768xi32, #tpu.memory_space<hbm>>
          tpu.enqueue_dma source(%dma_start3A_377 : memref<768xi32, #tpu.memory_space<hbm>>) target(%dma_start3A_375 : memref<768xi32, #tpu.memory_space<vmem>>) target_semaphore(%arg15 : memref<!tpu.dma_semaphore, #tpu.memory_space<semaphore_mem>>)
        } else {
        }
        %gt3A = arith.constant 0 : i32
        %gt3A_264 = arith.cmpi sgt, %add3A_249, %gt3A : i32
        %convert_element_type3A_265 = arith.extui %gt3A_264 : i1 to i32
        %cond3A_266 = arith.constant 0 : i32
        %cond3A_267 = arith.cmpi ne, %convert_element_type3A_265, %cond3A_266 : i32
        scf.if %cond3A_267 {
          %sub3A = arith.constant 1 : i32
          %sub3A_341 = arith.subi %mul3A_251, %sub3A : i32
          %mul3A_342 = arith.constant 128 : i32
          %mul3A_343 = arith.muli %sub3A_341, %mul3A_342 : i32
          %dma_wait3A_344 = arith.constant 1 : i32
          %dma_wait3A_345 = tpu.memref_slice %arg7[%dma_wait3A_344, %mul3A_343] : memref<2x768xi32, #tpu.memory_space<vmem>> -> memref<1x128xi32, #tpu.memory_space<vmem>>
          %dma_wait3A_346 = tpu.memref_squeeze %dma_wait3A_345 : memref<1x128xi32, #tpu.memory_space<vmem>> -> memref<128xi32, #tpu.memory_space<vmem>>
          %dma_wait3A_347 = arith.constant 0 : i32
          %dma_wait3A_348 = arith.constant 0 : i32
          %dma_wait3A_349 = tpu.memref_slice %arg11[%dma_wait3A_347, %dma_wait3A_348] : memref<10112x128xf32, #tpu.memory_space<vmem_shared>> -> memref<10112x128xf32, #tpu.memory_space<vmem_shared>>
          tpu.wait_indirect_dma semaphore(%arg17 : memref<!tpu.dma_semaphore, #tpu.memory_space<semaphore_mem>>) src(%arg9 : memref<128x128xf32, #tpu.memory_space<vmem>>) dst(%dma_wait3A_349 : memref<10112x128xf32, #tpu.memory_space<vmem_shared>>)
          %mul3A_350 = arith.constant 128 : i32
          %mul3A_351 = arith.muli %sub3A_341, %mul3A_350 : i32
          %dma_wait3A_352 = arith.constant 1 : i32
          %dma_wait3A_353 = tpu.memref_slice %arg7[%dma_wait3A_352, %mul3A_351] : memref<2x768xi32, #tpu.memory_space<vmem>> -> memref<1x128xi32, #tpu.memory_space<vmem>>
          %dma_wait3A_354 = tpu.memref_squeeze %dma_wait3A_353 : memref<1x128xi32, #tpu.memory_space<vmem>> -> memref<128xi32, #tpu.memory_space<vmem>>
          %dma_wait3A_355 = arith.constant 0 : i32
          %dma_wait3A_356 = arith.constant 0 : i32
          %dma_wait3A_357 = tpu.memref_slice %arg12[%dma_wait3A_355, %dma_wait3A_356] : memref<10112x16xf32, #tpu.memory_space<vmem_shared>> -> memref<10112x16xf32, #tpu.memory_space<vmem_shared>>
          tpu.wait_indirect_dma semaphore(%arg17 : memref<!tpu.dma_semaphore, #tpu.memory_space<semaphore_mem>>) src(%arg10 : memref<128x16xf32, #tpu.memory_space<vmem>>) dst(%dma_wait3A_357 : memref<10112x16xf32, #tpu.memory_space<vmem_shared>>)
        } else {
        }
        %mul3A_268 = arith.constant 128 : i32
        %mul3A_269 = arith.muli %add3A_253, %mul3A_268 : i32
        %dma_start3A_270 = arith.constant 0 : i32
        %dma_start3A_271 = tpu.memref_slice %arg7[%dma_start3A_270, %mul3A_269] : memref<2x768xi32, #tpu.memory_space<vmem>> -> memref<1x128xi32, #tpu.memory_space<vmem>>
        %dma_start3A_272 = tpu.memref_squeeze %dma_start3A_271 : memref<1x128xi32, #tpu.memory_space<vmem>> -> memref<128xi32, #tpu.memory_space<vmem>>
        %dma_start3A_273 = arith.constant 0 : i32
        %dma_start3A_274 = arith.constant 0 : i32
        %dma_start3A_275 = tpu.memref_slice %arg2[%dma_start3A_273, %dma_start3A_274] : memref<10000x128xf32, #tpu.memory_space<hbm>> -> memref<10000x128xf32, #tpu.memory_space<hbm>>
        tpu.enqueue_indirect_dma source(%dma_start3A_275 : memref<10000x128xf32, #tpu.memory_space<hbm>>) target(%arg9 : memref<128x128xf32, #tpu.memory_space<vmem>>) offsets(%dma_start3A_272 : memref<128xi32, #tpu.memory_space<vmem>>) semaphore(%arg14 : memref<!tpu.dma_semaphore, #tpu.memory_space<semaphore_mem>>)
        %mul3A_276 = arith.constant 128 : i32
        %mul3A_277 = arith.muli %mul3A_251, %mul3A_276 : i32
        %dma_start3A_278 = arith.constant 1 : i32
        %dma_start3A_279 = tpu.memref_slice %arg7[%dma_start3A_278, %mul3A_277] : memref<2x768xi32, #tpu.memory_space<vmem>> -> memref<1x128xi32, #tpu.memory_space<vmem>>
        %dma_start3A_280 = tpu.memref_squeeze %dma_start3A_279 : memref<1x128xi32, #tpu.memory_space<vmem>> -> memref<128xi32, #tpu.memory_space<vmem>>
        %dma_start3A_281 = arith.constant 0 : i32
        %dma_start3A_282 = arith.constant 0 : i32
        %dma_start3A_283 = tpu.memref_slice %arg11[%dma_start3A_281, %dma_start3A_282] : memref<10112x128xf32, #tpu.memory_space<vmem_shared>> -> memref<10112x128xf32, #tpu.memory_space<vmem_shared>>
        tpu.enqueue_indirect_dma source(%arg8 : memref<128x128xf32, #tpu.memory_space<vmem>>) target(%dma_start3A_283 : memref<10112x128xf32, #tpu.memory_space<vmem_shared>>) offsets(%dma_start3A_280 : memref<128xi32, #tpu.memory_space<vmem>>) semaphore(%arg16 : memref<!tpu.dma_semaphore, #tpu.memory_space<semaphore_mem>>) {add = true}
        %mul3A_284 = arith.constant 128 : i32
        %mul3A_285 = arith.muli %mul3A_251, %mul3A_284 : i32
        %dma_start3A_286 = arith.constant 1 : i32
        %dma_start3A_287 = tpu.memref_slice %arg7[%dma_start3A_286, %mul3A_285] : memref<2x768xi32, #tpu.memory_space<vmem>> -> memref<1x128xi32, #tpu.memory_space<vmem>>
        %dma_start3A_288 = tpu.memref_squeeze %dma_start3A_287 : memref<1x128xi32, #tpu.memory_space<vmem>> -> memref<128xi32, #tpu.memory_space<vmem>>
        %dma_start3A_289 = arith.constant 0 : i32
        %dma_start3A_290 = arith.constant 0 : i32
        %dma_start3A_291 = tpu.memref_slice %arg12[%dma_start3A_289, %dma_start3A_290] : memref<10112x16xf32, #tpu.memory_space<vmem_shared>> -> memref<10112x16xf32, #tpu.memory_space<vmem_shared>>
        tpu.enqueue_indirect_dma source(%arg10 : memref<128x16xf32, #tpu.memory_space<vmem>>) target(%dma_start3A_291 : memref<10112x16xf32, #tpu.memory_space<vmem_shared>>) offsets(%dma_start3A_288 : memref<128xi32, #tpu.memory_space<vmem>>) semaphore(%arg16 : memref<!tpu.dma_semaphore, #tpu.memory_space<semaphore_mem>>) {add = true}
        %mul3A_292 = arith.constant 128 : i32
        %mul3A_293 = arith.muli %add3A_253, %mul3A_292 : i32
        %dma_wait3A_294 = arith.constant 0 : i32
        %dma_wait3A_295 = tpu.memref_slice %arg7[%dma_wait3A_294, %mul3A_293] : memref<2x768xi32, #tpu.memory_space<vmem>> -> memref<1x128xi32, #tpu.memory_space<vmem>>
        %dma_wait3A_296 = tpu.memref_squeeze %dma_wait3A_295 : memref<1x128xi32, #tpu.memory_space<vmem>> -> memref<128xi32, #tpu.memory_space<vmem>>
        %dma_wait3A_297 = arith.constant 0 : i32
        %dma_wait3A_298 = arith.constant 0 : i32
        %dma_wait3A_299 = tpu.memref_slice %arg2[%dma_wait3A_297, %dma_wait3A_298] : memref<10000x128xf32, #tpu.memory_space<hbm>> -> memref<10000x128xf32, #tpu.memory_space<hbm>>
        tpu.wait_indirect_dma semaphore(%arg14 : memref<!tpu.dma_semaphore, #tpu.memory_space<semaphore_mem>>) src(%dma_wait3A_299 : memref<10000x128xf32, #tpu.memory_space<hbm>>) dst(%arg9 : memref<128x128xf32, #tpu.memory_space<vmem>>)
        %mul3A_300 = arith.constant 128 : i32
        %mul3A_301 = arith.muli %mul3A_251, %mul3A_300 : i32
        %dma_wait3A_302 = arith.constant 1 : i32
        %dma_wait3A_303 = tpu.memref_slice %arg7[%dma_wait3A_302, %mul3A_301] : memref<2x768xi32, #tpu.memory_space<vmem>> -> memref<1x128xi32, #tpu.memory_space<vmem>>
        %dma_wait3A_304 = tpu.memref_squeeze %dma_wait3A_303 : memref<1x128xi32, #tpu.memory_space<vmem>> -> memref<128xi32, #tpu.memory_space<vmem>>
        %dma_wait3A_305 = arith.constant 0 : i32
        %dma_wait3A_306 = arith.constant 0 : i32
        %dma_wait3A_307 = tpu.memref_slice %arg11[%dma_wait3A_305, %dma_wait3A_306] : memref<10112x128xf32, #tpu.memory_space<vmem_shared>> -> memref<10112x128xf32, #tpu.memory_space<vmem_shared>>
        tpu.wait_indirect_dma semaphore(%arg16 : memref<!tpu.dma_semaphore, #tpu.memory_space<semaphore_mem>>) src(%arg8 : memref<128x128xf32, #tpu.memory_space<vmem>>) dst(%dma_wait3A_307 : memref<10112x128xf32, #tpu.memory_space<vmem_shared>>)
        %mul3A_308 = arith.constant 128 : i32
        %mul3A_309 = arith.muli %mul3A_251, %mul3A_308 : i32
        %dma_wait3A_310 = arith.constant 1 : i32
        %dma_wait3A_311 = tpu.memref_slice %arg7[%dma_wait3A_310, %mul3A_309] : memref<2x768xi32, #tpu.memory_space<vmem>> -> memref<1x128xi32, #tpu.memory_space<vmem>>
        %dma_wait3A_312 = tpu.memref_squeeze %dma_wait3A_311 : memref<1x128xi32, #tpu.memory_space<vmem>> -> memref<128xi32, #tpu.memory_space<vmem>>
        %dma_wait3A_313 = arith.constant 0 : i32
        %dma_wait3A_314 = arith.constant 0 : i32
        %dma_wait3A_315 = tpu.memref_slice %arg12[%dma_wait3A_313, %dma_wait3A_314] : memref<10112x16xf32, #tpu.memory_space<vmem_shared>> -> memref<10112x16xf32, #tpu.memory_space<vmem_shared>>
        tpu.wait_indirect_dma semaphore(%arg16 : memref<!tpu.dma_semaphore, #tpu.memory_space<semaphore_mem>>) src(%arg10 : memref<128x16xf32, #tpu.memory_space<vmem>>) dst(%dma_wait3A_315 : memref<10112x16xf32, #tpu.memory_space<vmem_shared>>)
        %lt3A = arith.constant 2 : i32
        %lt3A_316 = arith.cmpi slt, %add3A_249, %lt3A : i32
        %convert_element_type3A_317 = arith.extui %lt3A_316 : i1 to i32
        %cond3A_318 = arith.constant 0 : i32
        %cond3A_319 = arith.cmpi ne, %convert_element_type3A_317, %cond3A_318 : i32
        scf.if %cond3A_319 {
          %add3A_341 = arith.constant 2 : i32
          %add3A_342 = arith.addi %mul3A_251, %add3A_341 : i32
          %mul3A_343 = arith.constant 128 : i32
          %mul3A_344 = arith.muli %add3A_342, %mul3A_343 : i32
          %dma_start3A_345 = arith.constant 0 : i32
          %dma_start3A_346 = tpu.memref_slice %arg7[%dma_start3A_345, %mul3A_344] : memref<2x768xi32, #tpu.memory_space<vmem>> -> memref<1x128xi32, #tpu.memory_space<vmem>>
          %dma_start3A_347 = tpu.memref_squeeze %dma_start3A_346 : memref<1x128xi32, #tpu.memory_space<vmem>> -> memref<128xi32, #tpu.memory_space<vmem>>
          %dma_start3A_348 = arith.constant 0 : i32
          %dma_start3A_349 = arith.constant 0 : i32
          %dma_start3A_350 = tpu.memref_slice %arg2[%dma_start3A_348, %dma_start3A_349] : memref<10000x128xf32, #tpu.memory_space<hbm>> -> memref<10000x128xf32, #tpu.memory_space<hbm>>
          tpu.enqueue_indirect_dma source(%dma_start3A_350 : memref<10000x128xf32, #tpu.memory_space<hbm>>) target(%arg8 : memref<128x128xf32, #tpu.memory_space<vmem>>) offsets(%dma_start3A_347 : memref<128xi32, #tpu.memory_space<vmem>>) semaphore(%arg13 : memref<!tpu.dma_semaphore, #tpu.memory_space<semaphore_mem>>)
        } else {
        }
        %eq3A_320 = arith.constant 2 : i32
        %eq3A_321 = arith.cmpi eq, %add3A_249, %eq3A_320 : i32
        %convert_element_type3A_322 = arith.extui %eq3A_321 : i1 to i32
        %cond3A_323 = arith.constant 0 : i32
        %cond3A_324 = arith.cmpi ne, %convert_element_type3A_322, %cond3A_323 : i32
        scf.if %cond3A_324 {
          %add3A_341 = arith.constant 1 : i32
          %add3A_342 = arith.addi %add3A_239, %add3A_341 : i32
          %mul3A_343 = arith.constant 768 : i32
          %mul3A_344 = arith.muli %add3A_342, %mul3A_343 : i32
          %add3A_345 = arith.addi %mul3A_2, %mul3A_344 : i32
          %mul3A_346 = arith.constant 768 : i32
          %mul3A_347 = arith.muli %add3A_342, %mul3A_346 : i32
          %add3A_348 = arith.addi %mul3A_2, %mul3A_347 : i32
          %dma_wait3A_349 = arith.constant 0 : i32
          %dma_wait3A_350 = arith.constant 0 : i32
          %dma_wait3A_351 = arith.constant 0 : i32
          %dma_wait3A_352 = tpu.memref_slice %arg6[%dma_wait3A_350, %dma_wait3A_351] : memref<2x768xi32, #tpu.memory_space<vmem>> -> memref<1x768xi32, #tpu.memory_space<vmem>>
          %dma_wait3A_353 = tpu.memref_squeeze %dma_wait3A_352 : memref<1x768xi32, #tpu.memory_space<vmem>> -> memref<768xi32, #tpu.memory_space<vmem>>
          %dma_wait3A_354 = tpu.memref_slice %arg3[%dma_wait3A_349, %add3A_345] : memref<2x320000xi32, #tpu.memory_space<hbm>> -> memref<1x768xi32, #tpu.memory_space<hbm>>
          %dma_wait3A_355 = tpu.memref_squeeze %dma_wait3A_354 : memref<1x768xi32, #tpu.memory_space<hbm>> -> memref<768xi32, #tpu.memory_space<hbm>>
          %dma_wait3A_356 = arith.constant 0 : i32
          %dma_wait3A_357 = tpu.memref_slice %arg6[%dma_wait3A_350, %dma_wait3A_356] : memref<2x768xi32, #tpu.memory_space<vmem>> -> memref<1x768xi32, #tpu.memory_space<vmem>>
          %dma_wait3A_358 = tpu.memref_squeeze %dma_wait3A_357 : memref<1x768xi32, #tpu.memory_space<vmem>> -> memref<768xi32, #tpu.memory_space<vmem>>
          %dma_wait3A_359 = tpu.memref_slice %arg3[%dma_wait3A_349, %add3A_345] : memref<2x320000xi32, #tpu.memory_space<hbm>> -> memref<1x768xi32, #tpu.memory_space<hbm>>
          %dma_wait3A_360 = tpu.memref_squeeze %dma_wait3A_359 : memref<1x768xi32, #tpu.memory_space<hbm>> -> memref<768xi32, #tpu.memory_space<hbm>>
          tpu.wait_dma2 semaphore(%arg15 : memref<!tpu.dma_semaphore, #tpu.memory_space<semaphore_mem>>) src(%dma_wait3A_360 : memref<768xi32, #tpu.memory_space<hbm>>) dst(%dma_wait3A_358 : memref<768xi32, #tpu.memory_space<vmem>>)
          %dma_wait3A_361 = arith.constant 1 : i32
          %dma_wait3A_362 = arith.constant 1 : i32
          %dma_wait3A_363 = arith.constant 0 : i32
          %dma_wait3A_364 = tpu.memref_slice %arg6[%dma_wait3A_362, %dma_wait3A_363] : memref<2x768xi32, #tpu.memory_space<vmem>> -> memref<1x768xi32, #tpu.memory_space<vmem>>
          %dma_wait3A_365 = tpu.memref_squeeze %dma_wait3A_364 : memref<1x768xi32, #tpu.memory_space<vmem>> -> memref<768xi32, #tpu.memory_space<vmem>>
          %dma_wait3A_366 = tpu.memref_slice %arg3[%dma_wait3A_361, %add3A_348] : memref<2x320000xi32, #tpu.memory_space<hbm>> -> memref<1x768xi32, #tpu.memory_space<hbm>>
          %dma_wait3A_367 = tpu.memref_squeeze %dma_wait3A_366 : memref<1x768xi32, #tpu.memory_space<hbm>> -> memref<768xi32, #tpu.memory_space<hbm>>
          %dma_wait3A_368 = arith.constant 0 : i32
          %dma_wait3A_369 = tpu.memref_slice %arg6[%dma_wait3A_362, %dma_wait3A_368] : memref<2x768xi32, #tpu.memory_space<vmem>> -> memref<1x768xi32, #tpu.memory_space<vmem>>
          %dma_wait3A_370 = tpu.memref_squeeze %dma_wait3A_369 : memref<1x768xi32, #tpu.memory_space<vmem>> -> memref<768xi32, #tpu.memory_space<vmem>>
          %dma_wait3A_371 = tpu.memref_slice %arg3[%dma_wait3A_361, %add3A_348] : memref<2x320000xi32, #tpu.memory_space<hbm>> -> memref<1x768xi32, #tpu.memory_space<hbm>>
          %dma_wait3A_372 = tpu.memref_squeeze %dma_wait3A_371 : memref<1x768xi32, #tpu.memory_space<hbm>> -> memref<768xi32, #tpu.memory_space<hbm>>
          tpu.wait_dma2 semaphore(%arg15 : memref<!tpu.dma_semaphore, #tpu.memory_space<semaphore_mem>>) src(%dma_wait3A_372 : memref<768xi32, #tpu.memory_space<hbm>>) dst(%dma_wait3A_370 : memref<768xi32, #tpu.memory_space<vmem>>)
          %dma_start3A_373 = arith.constant 0 : i32
          %dma_start3A_374 = arith.constant 0 : i32
          %dma_start3A_375 = tpu.memref_slice %arg6[%dma_start3A_373, %dma_start3A_374] : memref<2x768xi32, #tpu.memory_space<vmem>> -> memref<1x128xi32, #tpu.memory_space<vmem>>
          %dma_start3A_376 = tpu.memref_squeeze %dma_start3A_375 : memref<1x128xi32, #tpu.memory_space<vmem>> -> memref<128xi32, #tpu.memory_space<vmem>>
          %dma_start3A_377 = arith.constant 0 : i32
          %dma_start3A_378 = arith.constant 0 : i32
          %dma_start3A_379 = tpu.memref_slice %arg2[%dma_start3A_377, %dma_start3A_378] : memref<10000x128xf32, #tpu.memory_space<hbm>> -> memref<10000x128xf32, #tpu.memory_space<hbm>>
          tpu.enqueue_indirect_dma source(%dma_start3A_379 : memref<10000x128xf32, #tpu.memory_space<hbm>>) target(%arg8 : memref<128x128xf32, #tpu.memory_space<vmem>>) offsets(%dma_start3A_376 : memref<128xi32, #tpu.memory_space<vmem>>) semaphore(%arg13 : memref<!tpu.dma_semaphore, #tpu.memory_space<semaphore_mem>>)
        } else {
        }
        %mul3A_325 = arith.constant 128 : i32
        %mul3A_326 = arith.muli %add3A_253, %mul3A_325 : i32
        %dma_start3A_327 = arith.constant 1 : i32
        %dma_start3A_328 = tpu.memref_slice %arg7[%dma_start3A_327, %mul3A_326] : memref<2x768xi32, #tpu.memory_space<vmem>> -> memref<1x128xi32, #tpu.memory_space<vmem>>
        %dma_start3A_329 = tpu.memref_squeeze %dma_start3A_328 : memref<1x128xi32, #tpu.memory_space<vmem>> -> memref<128xi32, #tpu.memory_space<vmem>>
        %dma_start3A_330 = arith.constant 0 : i32
        %dma_start3A_331 = arith.constant 0 : i32
        %dma_start3A_332 = tpu.memref_slice %arg11[%dma_start3A_330, %dma_start3A_331] : memref<10112x128xf32, #tpu.memory_space<vmem_shared>> -> memref<10112x128xf32, #tpu.memory_space<vmem_shared>>
        tpu.enqueue_indirect_dma source(%arg9 : memref<128x128xf32, #tpu.memory_space<vmem>>) target(%dma_start3A_332 : memref<10112x128xf32, #tpu.memory_space<vmem_shared>>) offsets(%dma_start3A_329 : memref<128xi32, #tpu.memory_space<vmem>>) semaphore(%arg17 : memref<!tpu.dma_semaphore, #tpu.memory_space<semaphore_mem>>) {add = true}
        %mul3A_333 = arith.constant 128 : i32
        %mul3A_334 = arith.muli %add3A_253, %mul3A_333 : i32
        %dma_start3A_335 = arith.constant 1 : i32
        %dma_start3A_336 = tpu.memref_slice %arg7[%dma_start3A_335, %mul3A_334] : memref<2x768xi32, #tpu.memory_space<vmem>> -> memref<1x128xi32, #tpu.memory_space<vmem>>
        %dma_start3A_337 = tpu.memref_squeeze %dma_start3A_336 : memref<1x128xi32, #tpu.memory_space<vmem>> -> memref<128xi32, #tpu.memory_space<vmem>>
        %dma_start3A_338 = arith.constant 0 : i32
        %dma_start3A_339 = arith.constant 0 : i32
        %dma_start3A_340 = tpu.memref_slice %arg12[%dma_start3A_338, %dma_start3A_339] : memref<10112x16xf32, #tpu.memory_space<vmem_shared>> -> memref<10112x16xf32, #tpu.memory_space<vmem_shared>>
        tpu.enqueue_indirect_dma source(%arg10 : memref<128x16xf32, #tpu.memory_space<vmem>>) target(%dma_start3A_340 : memref<10112x16xf32, #tpu.memory_space<vmem_shared>>) offsets(%dma_start3A_337 : memref<128xi32, #tpu.memory_space<vmem>>) semaphore(%arg17 : memref<!tpu.dma_semaphore, #tpu.memory_space<semaphore_mem>>) {add = true}
      }
      %scan3A_244 = arith.constant 3 : i32
    }
    %scan3A_132 = arith.constant 6 : i32
    %scan3A_133 = arith.constant 0 : i32
    %scan3A_134 = arith.constant 3 : i32
    %scan3A_135 = arith.addi %scan3A_133, %scan3A_134 : i32
    %scan3A_136 = arith.constant 1 : i32
    scf.for %scan3A_224 = %scan3A_133 to %scan3A_135 step %scan3A_136  : i32 {
      %mul3A_225 = arith.constant 1 : i32
      %mul3A_226 = arith.muli %scan3A_224, %mul3A_225 : i32
      %add3A_227 = arith.constant 0 : i32
      %add3A_228 = arith.addi %add3A_227, %mul3A_226 : i32
      %mul3A_229 = arith.constant 2 : i32
      %mul3A_230 = arith.muli %mul3A_229, %add3A_228 : i32
      %add3A_231 = arith.constant 1 : i32
      %add3A_232 = arith.addi %mul3A_230, %add3A_231 : i32
      %mul3A_233 = arith.constant 128 : i32
      %mul3A_234 = arith.muli %mul3A_230, %mul3A_233 : i32
      %dma_wait3A_235 = arith.constant 0 : i32
      %dma_wait3A_236 = tpu.memref_slice %arg6[%dma_wait3A_235, %mul3A_234] : memref<2x768xi32, #tpu.memory_space<vmem>> -> memref<1x128xi32, #tpu.memory_space<vmem>>
      %dma_wait3A_237 = tpu.memref_squeeze %dma_wait3A_236 : memref<1x128xi32, #tpu.memory_space<vmem>> -> memref<128xi32, #tpu.memory_space<vmem>>
      %dma_wait3A_238 = arith.constant 0 : i32
      %dma_wait3A_239 = arith.constant 0 : i32
      %dma_wait3A_240 = tpu.memref_slice %arg2[%dma_wait3A_238, %dma_wait3A_239] : memref<10000x128xf32, #tpu.memory_space<hbm>> -> memref<10000x128xf32, #tpu.memory_space<hbm>>
      tpu.wait_indirect_dma semaphore(%arg13 : memref<!tpu.dma_semaphore, #tpu.memory_space<semaphore_mem>>) src(%dma_wait3A_240 : memref<10000x128xf32, #tpu.memory_space<hbm>>) dst(%arg8 : memref<128x128xf32, #tpu.memory_space<vmem>>)
      %eq3A = arith.constant 0 : i32
      %eq3A_241 = arith.cmpi eq, %add3A_228, %eq3A : i32
      %convert_element_type3A = arith.extui %eq3A_241 : i1 to i32
      %cond3A = arith.constant 0 : i32
      %cond3A_242 = arith.cmpi ne, %convert_element_type3A, %cond3A : i32
      scf.if %cond3A_242 {
        %dma_wait3A_315 = arith.constant 1 : i32
        %dma_wait3A_316 = arith.constant 640 : i32
        %dma_wait3A_317 = tpu.memref_slice %arg7[%dma_wait3A_315, %dma_wait3A_316] : memref<2x768xi32, #tpu.memory_space<vmem>> -> memref<1x128xi32, #tpu.memory_space<vmem>>
        %dma_wait3A_318 = tpu.memref_squeeze %dma_wait3A_317 : memref<1x128xi32, #tpu.memory_space<vmem>> -> memref<128xi32, #tpu.memory_space<vmem>>
        %dma_wait3A_319 = arith.constant 0 : i32
        %dma_wait3A_320 = arith.constant 0 : i32
        %dma_wait3A_321 = tpu.memref_slice %arg11[%dma_wait3A_319, %dma_wait3A_320] : memref<10112x128xf32, #tpu.memory_space<vmem_shared>> -> memref<10112x128xf32, #tpu.memory_space<vmem_shared>>
        tpu.wait_indirect_dma semaphore(%arg17 : memref<!tpu.dma_semaphore, #tpu.memory_space<semaphore_mem>>) src(%arg9 : memref<128x128xf32, #tpu.memory_space<vmem>>) dst(%dma_wait3A_321 : memref<10112x128xf32, #tpu.memory_space<vmem_shared>>)
        %dma_wait3A_322 = arith.constant 1 : i32
        %dma_wait3A_323 = arith.constant 640 : i32
        %dma_wait3A_324 = tpu.memref_slice %arg7[%dma_wait3A_322, %dma_wait3A_323] : memref<2x768xi32, #tpu.memory_space<vmem>> -> memref<1x128xi32, #tpu.memory_space<vmem>>
        %dma_wait3A_325 = tpu.memref_squeeze %dma_wait3A_324 : memref<1x128xi32, #tpu.memory_space<vmem>> -> memref<128xi32, #tpu.memory_space<vmem>>
        %dma_wait3A_326 = arith.constant 0 : i32
        %dma_wait3A_327 = arith.constant 0 : i32
        %dma_wait3A_328 = tpu.memref_slice %arg12[%dma_wait3A_326, %dma_wait3A_327] : memref<10112x16xf32, #tpu.memory_space<vmem_shared>> -> memref<10112x16xf32, #tpu.memory_space<vmem_shared>>
        tpu.wait_indirect_dma semaphore(%arg17 : memref<!tpu.dma_semaphore, #tpu.memory_space<semaphore_mem>>) src(%arg10 : memref<128x16xf32, #tpu.memory_space<vmem>>) dst(%dma_wait3A_328 : memref<10112x16xf32, #tpu.memory_space<vmem_shared>>)
      } else {
      }
      %gt3A = arith.constant 0 : i32
      %gt3A_243 = arith.cmpi sgt, %add3A_228, %gt3A : i32
      %convert_element_type3A_244 = arith.extui %gt3A_243 : i1 to i32
      %cond3A_245 = arith.constant 0 : i32
      %cond3A_246 = arith.cmpi ne, %convert_element_type3A_244, %cond3A_245 : i32
      scf.if %cond3A_246 {
        %sub3A = arith.constant 1 : i32
        %sub3A_315 = arith.subi %mul3A_230, %sub3A : i32
        %mul3A_316 = arith.constant 128 : i32
        %mul3A_317 = arith.muli %sub3A_315, %mul3A_316 : i32
        %dma_wait3A_318 = arith.constant 1 : i32
        %dma_wait3A_319 = tpu.memref_slice %arg6[%dma_wait3A_318, %mul3A_317] : memref<2x768xi32, #tpu.memory_space<vmem>> -> memref<1x128xi32, #tpu.memory_space<vmem>>
        %dma_wait3A_320 = tpu.memref_squeeze %dma_wait3A_319 : memref<1x128xi32, #tpu.memory_space<vmem>> -> memref<128xi32, #tpu.memory_space<vmem>>
        %dma_wait3A_321 = arith.constant 0 : i32
        %dma_wait3A_322 = arith.constant 0 : i32
        %dma_wait3A_323 = tpu.memref_slice %arg11[%dma_wait3A_321, %dma_wait3A_322] : memref<10112x128xf32, #tpu.memory_space<vmem_shared>> -> memref<10112x128xf32, #tpu.memory_space<vmem_shared>>
        tpu.wait_indirect_dma semaphore(%arg17 : memref<!tpu.dma_semaphore, #tpu.memory_space<semaphore_mem>>) src(%arg9 : memref<128x128xf32, #tpu.memory_space<vmem>>) dst(%dma_wait3A_323 : memref<10112x128xf32, #tpu.memory_space<vmem_shared>>)
        %mul3A_324 = arith.constant 128 : i32
        %mul3A_325 = arith.muli %sub3A_315, %mul3A_324 : i32
        %dma_wait3A_326 = arith.constant 1 : i32
        %dma_wait3A_327 = tpu.memref_slice %arg6[%dma_wait3A_326, %mul3A_325] : memref<2x768xi32, #tpu.memory_space<vmem>> -> memref<1x128xi32, #tpu.memory_space<vmem>>
        %dma_wait3A_328 = tpu.memref_squeeze %dma_wait3A_327 : memref<1x128xi32, #tpu.memory_space<vmem>> -> memref<128xi32, #tpu.memory_space<vmem>>
        %dma_wait3A_329 = arith.constant 0 : i32
        %dma_wait3A_330 = arith.constant 0 : i32
        %dma_wait3A_331 = tpu.memref_slice %arg12[%dma_wait3A_329, %dma_wait3A_330] : memref<10112x16xf32, #tpu.memory_space<vmem_shared>> -> memref<10112x16xf32, #tpu.memory_space<vmem_shared>>
        tpu.wait_indirect_dma semaphore(%arg17 : memref<!tpu.dma_semaphore, #tpu.memory_space<semaphore_mem>>) src(%arg10 : memref<128x16xf32, #tpu.memory_space<vmem>>) dst(%dma_wait3A_331 : memref<10112x16xf32, #tpu.memory_space<vmem_shared>>)
      } else {
      }
      %mul3A_247 = arith.constant 128 : i32
      %mul3A_248 = arith.muli %add3A_232, %mul3A_247 : i32
      %dma_start3A_249 = arith.constant 0 : i32
      %dma_start3A_250 = tpu.memref_slice %arg6[%dma_start3A_249, %mul3A_248] : memref<2x768xi32, #tpu.memory_space<vmem>> -> memref<1x128xi32, #tpu.memory_space<vmem>>
      %dma_start3A_251 = tpu.memref_squeeze %dma_start3A_250 : memref<1x128xi32, #tpu.memory_space<vmem>> -> memref<128xi32, #tpu.memory_space<vmem>>
      %dma_start3A_252 = arith.constant 0 : i32
      %dma_start3A_253 = arith.constant 0 : i32
      %dma_start3A_254 = tpu.memref_slice %arg2[%dma_start3A_252, %dma_start3A_253] : memref<10000x128xf32, #tpu.memory_space<hbm>> -> memref<10000x128xf32, #tpu.memory_space<hbm>>
      tpu.enqueue_indirect_dma source(%dma_start3A_254 : memref<10000x128xf32, #tpu.memory_space<hbm>>) target(%arg9 : memref<128x128xf32, #tpu.memory_space<vmem>>) offsets(%dma_start3A_251 : memref<128xi32, #tpu.memory_space<vmem>>) semaphore(%arg14 : memref<!tpu.dma_semaphore, #tpu.memory_space<semaphore_mem>>)
      %mul3A_255 = arith.constant 128 : i32
      %mul3A_256 = arith.muli %mul3A_230, %mul3A_255 : i32
      %dma_start3A_257 = arith.constant 1 : i32
      %dma_start3A_258 = tpu.memref_slice %arg6[%dma_start3A_257, %mul3A_256] : memref<2x768xi32, #tpu.memory_space<vmem>> -> memref<1x128xi32, #tpu.memory_space<vmem>>
      %dma_start3A_259 = tpu.memref_squeeze %dma_start3A_258 : memref<1x128xi32, #tpu.memory_space<vmem>> -> memref<128xi32, #tpu.memory_space<vmem>>
      %dma_start3A_260 = arith.constant 0 : i32
      %dma_start3A_261 = arith.constant 0 : i32
      %dma_start3A_262 = tpu.memref_slice %arg11[%dma_start3A_260, %dma_start3A_261] : memref<10112x128xf32, #tpu.memory_space<vmem_shared>> -> memref<10112x128xf32, #tpu.memory_space<vmem_shared>>
      tpu.enqueue_indirect_dma source(%arg8 : memref<128x128xf32, #tpu.memory_space<vmem>>) target(%dma_start3A_262 : memref<10112x128xf32, #tpu.memory_space<vmem_shared>>) offsets(%dma_start3A_259 : memref<128xi32, #tpu.memory_space<vmem>>) semaphore(%arg16 : memref<!tpu.dma_semaphore, #tpu.memory_space<semaphore_mem>>) {add = true}
      %mul3A_263 = arith.constant 128 : i32
      %mul3A_264 = arith.muli %mul3A_230, %mul3A_263 : i32
      %dma_start3A_265 = arith.constant 1 : i32
      %dma_start3A_266 = tpu.memref_slice %arg6[%dma_start3A_265, %mul3A_264] : memref<2x768xi32, #tpu.memory_space<vmem>> -> memref<1x128xi32, #tpu.memory_space<vmem>>
      %dma_start3A_267 = tpu.memref_squeeze %dma_start3A_266 : memref<1x128xi32, #tpu.memory_space<vmem>> -> memref<128xi32, #tpu.memory_space<vmem>>
      %dma_start3A_268 = arith.constant 0 : i32
      %dma_start3A_269 = arith.constant 0 : i32
      %dma_start3A_270 = tpu.memref_slice %arg12[%dma_start3A_268, %dma_start3A_269] : memref<10112x16xf32, #tpu.memory_space<vmem_shared>> -> memref<10112x16xf32, #tpu.memory_space<vmem_shared>>
      tpu.enqueue_indirect_dma source(%arg10 : memref<128x16xf32, #tpu.memory_space<vmem>>) target(%dma_start3A_270 : memref<10112x16xf32, #tpu.memory_space<vmem_shared>>) offsets(%dma_start3A_267 : memref<128xi32, #tpu.memory_space<vmem>>) semaphore(%arg16 : memref<!tpu.dma_semaphore, #tpu.memory_space<semaphore_mem>>) {add = true}
      %mul3A_271 = arith.constant 128 : i32
      %mul3A_272 = arith.muli %add3A_232, %mul3A_271 : i32
      %dma_wait3A_273 = arith.constant 0 : i32
      %dma_wait3A_274 = tpu.memref_slice %arg6[%dma_wait3A_273, %mul3A_272] : memref<2x768xi32, #tpu.memory_space<vmem>> -> memref<1x128xi32, #tpu.memory_space<vmem>>
      %dma_wait3A_275 = tpu.memref_squeeze %dma_wait3A_274 : memref<1x128xi32, #tpu.memory_space<vmem>> -> memref<128xi32, #tpu.memory_space<vmem>>
      %dma_wait3A_276 = arith.constant 0 : i32
      %dma_wait3A_277 = arith.constant 0 : i32
      %dma_wait3A_278 = tpu.memref_slice %arg2[%dma_wait3A_276, %dma_wait3A_277] : memref<10000x128xf32, #tpu.memory_space<hbm>> -> memref<10000x128xf32, #tpu.memory_space<hbm>>
      tpu.wait_indirect_dma semaphore(%arg14 : memref<!tpu.dma_semaphore, #tpu.memory_space<semaphore_mem>>) src(%dma_wait3A_278 : memref<10000x128xf32, #tpu.memory_space<hbm>>) dst(%arg9 : memref<128x128xf32, #tpu.memory_space<vmem>>)
      %mul3A_279 = arith.constant 128 : i32
      %mul3A_280 = arith.muli %mul3A_230, %mul3A_279 : i32
      %dma_wait3A_281 = arith.constant 1 : i32
      %dma_wait3A_282 = tpu.memref_slice %arg6[%dma_wait3A_281, %mul3A_280] : memref<2x768xi32, #tpu.memory_space<vmem>> -> memref<1x128xi32, #tpu.memory_space<vmem>>
      %dma_wait3A_283 = tpu.memref_squeeze %dma_wait3A_282 : memref<1x128xi32, #tpu.memory_space<vmem>> -> memref<128xi32, #tpu.memory_space<vmem>>
      %dma_wait3A_284 = arith.constant 0 : i32
      %dma_wait3A_285 = arith.constant 0 : i32
      %dma_wait3A_286 = tpu.memref_slice %arg11[%dma_wait3A_284, %dma_wait3A_285] : memref<10112x128xf32, #tpu.memory_space<vmem_shared>> -> memref<10112x128xf32, #tpu.memory_space<vmem_shared>>
      tpu.wait_indirect_dma semaphore(%arg16 : memref<!tpu.dma_semaphore, #tpu.memory_space<semaphore_mem>>) src(%arg8 : memref<128x128xf32, #tpu.memory_space<vmem>>) dst(%dma_wait3A_286 : memref<10112x128xf32, #tpu.memory_space<vmem_shared>>)
      %mul3A_287 = arith.constant 128 : i32
      %mul3A_288 = arith.muli %mul3A_230, %mul3A_287 : i32
      %dma_wait3A_289 = arith.constant 1 : i32
      %dma_wait3A_290 = tpu.memref_slice %arg6[%dma_wait3A_289, %mul3A_288] : memref<2x768xi32, #tpu.memory_space<vmem>> -> memref<1x128xi32, #tpu.memory_space<vmem>>
      %dma_wait3A_291 = tpu.memref_squeeze %dma_wait3A_290 : memref<1x128xi32, #tpu.memory_space<vmem>> -> memref<128xi32, #tpu.memory_space<vmem>>
      %dma_wait3A_292 = arith.constant 0 : i32
      %dma_wait3A_293 = arith.constant 0 : i32
      %dma_wait3A_294 = tpu.memref_slice %arg12[%dma_wait3A_292, %dma_wait3A_293] : memref<10112x16xf32, #tpu.memory_space<vmem_shared>> -> memref<10112x16xf32, #tpu.memory_space<vmem_shared>>
      tpu.wait_indirect_dma semaphore(%arg16 : memref<!tpu.dma_semaphore, #tpu.memory_space<semaphore_mem>>) src(%arg10 : memref<128x16xf32, #tpu.memory_space<vmem>>) dst(%dma_wait3A_294 : memref<10112x16xf32, #tpu.memory_space<vmem_shared>>)
      %lt3A = arith.constant 2 : i32
      %lt3A_295 = arith.cmpi slt, %add3A_228, %lt3A : i32
      %convert_element_type3A_296 = arith.extui %lt3A_295 : i1 to i32
      %cond3A_297 = arith.constant 0 : i32
      %cond3A_298 = arith.cmpi ne, %convert_element_type3A_296, %cond3A_297 : i32
      scf.if %cond3A_298 {
        %add3A_315 = arith.constant 2 : i32
        %add3A_316 = arith.addi %mul3A_230, %add3A_315 : i32
        %mul3A_317 = arith.constant 128 : i32
        %mul3A_318 = arith.muli %add3A_316, %mul3A_317 : i32
        %dma_start3A_319 = arith.constant 0 : i32
        %dma_start3A_320 = tpu.memref_slice %arg6[%dma_start3A_319, %mul3A_318] : memref<2x768xi32, #tpu.memory_space<vmem>> -> memref<1x128xi32, #tpu.memory_space<vmem>>
        %dma_start3A_321 = tpu.memref_squeeze %dma_start3A_320 : memref<1x128xi32, #tpu.memory_space<vmem>> -> memref<128xi32, #tpu.memory_space<vmem>>
        %dma_start3A_322 = arith.constant 0 : i32
        %dma_start3A_323 = arith.constant 0 : i32
        %dma_start3A_324 = tpu.memref_slice %arg2[%dma_start3A_322, %dma_start3A_323] : memref<10000x128xf32, #tpu.memory_space<hbm>> -> memref<10000x128xf32, #tpu.memory_space<hbm>>
        tpu.enqueue_indirect_dma source(%dma_start3A_324 : memref<10000x128xf32, #tpu.memory_space<hbm>>) target(%arg8 : memref<128x128xf32, #tpu.memory_space<vmem>>) offsets(%dma_start3A_321 : memref<128xi32, #tpu.memory_space<vmem>>) semaphore(%arg13 : memref<!tpu.dma_semaphore, #tpu.memory_space<semaphore_mem>>)
      } else {
      }
      %mul3A_299 = arith.constant 128 : i32
      %mul3A_300 = arith.muli %add3A_232, %mul3A_299 : i32
      %dma_start3A_301 = arith.constant 1 : i32
      %dma_start3A_302 = tpu.memref_slice %arg6[%dma_start3A_301, %mul3A_300] : memref<2x768xi32, #tpu.memory_space<vmem>> -> memref<1x128xi32, #tpu.memory_space<vmem>>
      %dma_start3A_303 = tpu.memref_squeeze %dma_start3A_302 : memref<1x128xi32, #tpu.memory_space<vmem>> -> memref<128xi32, #tpu.memory_space<vmem>>
      %dma_start3A_304 = arith.constant 0 : i32
      %dma_start3A_305 = arith.constant 0 : i32
      %dma_start3A_306 = tpu.memref_slice %arg11[%dma_start3A_304, %dma_start3A_305] : memref<10112x128xf32, #tpu.memory_space<vmem_shared>> -> memref<10112x128xf32, #tpu.memory_space<vmem_shared>>
      tpu.enqueue_indirect_dma source(%arg9 : memref<128x128xf32, #tpu.memory_space<vmem>>) target(%dma_start3A_306 : memref<10112x128xf32, #tpu.memory_space<vmem_shared>>) offsets(%dma_start3A_303 : memref<128xi32, #tpu.memory_space<vmem>>) semaphore(%arg17 : memref<!tpu.dma_semaphore, #tpu.memory_space<semaphore_mem>>) {add = true}
      %mul3A_307 = arith.constant 128 : i32
      %mul3A_308 = arith.muli %add3A_232, %mul3A_307 : i32
      %dma_start3A_309 = arith.constant 1 : i32
      %dma_start3A_310 = tpu.memref_slice %arg6[%dma_start3A_309, %mul3A_308] : memref<2x768xi32, #tpu.memory_space<vmem>> -> memref<1x128xi32, #tpu.memory_space<vmem>>
      %dma_start3A_311 = tpu.memref_squeeze %dma_start3A_310 : memref<1x128xi32, #tpu.memory_space<vmem>> -> memref<128xi32, #tpu.memory_space<vmem>>
      %dma_start3A_312 = arith.constant 0 : i32
      %dma_start3A_313 = arith.constant 0 : i32
      %dma_start3A_314 = tpu.memref_slice %arg12[%dma_start3A_312, %dma_start3A_313] : memref<10112x16xf32, #tpu.memory_space<vmem_shared>> -> memref<10112x16xf32, #tpu.memory_space<vmem_shared>>
      tpu.enqueue_indirect_dma source(%arg10 : memref<128x16xf32, #tpu.memory_space<vmem>>) target(%dma_start3A_314 : memref<10112x16xf32, #tpu.memory_space<vmem_shared>>) offsets(%dma_start3A_311 : memref<128xi32, #tpu.memory_space<vmem>>) semaphore(%arg17 : memref<!tpu.dma_semaphore, #tpu.memory_space<semaphore_mem>>) {add = true}
    }
    %scan3A_137 = arith.constant 3 : i32
    %add3A_138 = arith.constant 9984 : i32
    %add3A_139 = arith.addi %mul3A_2, %add3A_138 : i32
    %dma_start3A_140 = arith.constant 0 : i32
    %dma_start3A_141 = arith.constant 0 : i32
    %dma_start3A_142 = arith.constant 0 : i32
    %dma_start3A_143 = tpu.memref_slice %arg7[%dma_start3A_141, %dma_start3A_142] : memref<2x768xi32, #tpu.memory_space<vmem>> -> memref<1x16xi32, #tpu.memory_space<vmem>>
    %dma_start3A_144 = tpu.memref_squeeze %dma_start3A_143 : memref<1x16xi32, #tpu.memory_space<vmem>> -> memref<16xi32, #tpu.memory_space<vmem>>
    %dma_start3A_145 = tpu.memref_slice %arg3[%dma_start3A_140, %add3A_139] : memref<2x320000xi32, #tpu.memory_space<hbm>> -> memref<1x16xi32, #tpu.memory_space<hbm>>
    %dma_start3A_146 = tpu.memref_squeeze %dma_start3A_145 : memref<1x16xi32, #tpu.memory_space<hbm>> -> memref<16xi32, #tpu.memory_space<hbm>>
    %dma_start3A_147 = arith.constant 0 : i32
    %dma_start3A_148 = tpu.memref_slice %arg7[%dma_start3A_141, %dma_start3A_147] : memref<2x768xi32, #tpu.memory_space<vmem>> -> memref<1x16xi32, #tpu.memory_space<vmem>>
    %dma_start3A_149 = tpu.memref_squeeze %dma_start3A_148 : memref<1x16xi32, #tpu.memory_space<vmem>> -> memref<16xi32, #tpu.memory_space<vmem>>
    %dma_start3A_150 = tpu.memref_slice %arg3[%dma_start3A_140, %add3A_139] : memref<2x320000xi32, #tpu.memory_space<hbm>> -> memref<1x16xi32, #tpu.memory_space<hbm>>
    %dma_start3A_151 = tpu.memref_squeeze %dma_start3A_150 : memref<1x16xi32, #tpu.memory_space<hbm>> -> memref<16xi32, #tpu.memory_space<hbm>>
    tpu.enqueue_dma source(%dma_start3A_151 : memref<16xi32, #tpu.memory_space<hbm>>) target(%dma_start3A_149 : memref<16xi32, #tpu.memory_space<vmem>>) target_semaphore(%arg15 : memref<!tpu.dma_semaphore, #tpu.memory_space<semaphore_mem>>)
    %dma_start3A_152 = arith.constant 1 : i32
    %dma_start3A_153 = arith.constant 1 : i32
    %dma_start3A_154 = arith.constant 0 : i32
    %dma_start3A_155 = tpu.memref_slice %arg7[%dma_start3A_153, %dma_start3A_154] : memref<2x768xi32, #tpu.memory_space<vmem>> -> memref<1x16xi32, #tpu.memory_space<vmem>>
    %dma_start3A_156 = tpu.memref_squeeze %dma_start3A_155 : memref<1x16xi32, #tpu.memory_space<vmem>> -> memref<16xi32, #tpu.memory_space<vmem>>
    %dma_start3A_157 = tpu.memref_slice %arg3[%dma_start3A_152, %add3A_139] : memref<2x320000xi32, #tpu.memory_space<hbm>> -> memref<1x16xi32, #tpu.memory_space<hbm>>
    %dma_start3A_158 = tpu.memref_squeeze %dma_start3A_157 : memref<1x16xi32, #tpu.memory_space<hbm>> -> memref<16xi32, #tpu.memory_space<hbm>>
    %dma_start3A_159 = arith.constant 0 : i32
    %dma_start3A_160 = tpu.memref_slice %arg7[%dma_start3A_153, %dma_start3A_159] : memref<2x768xi32, #tpu.memory_space<vmem>> -> memref<1x16xi32, #tpu.memory_space<vmem>>
    %dma_start3A_161 = tpu.memref_squeeze %dma_start3A_160 : memref<1x16xi32, #tpu.memory_space<vmem>> -> memref<16xi32, #tpu.memory_space<vmem>>
    %dma_start3A_162 = tpu.memref_slice %arg3[%dma_start3A_152, %add3A_139] : memref<2x320000xi32, #tpu.memory_space<hbm>> -> memref<1x16xi32, #tpu.memory_space<hbm>>
    %dma_start3A_163 = tpu.memref_squeeze %dma_start3A_162 : memref<1x16xi32, #tpu.memory_space<hbm>> -> memref<16xi32, #tpu.memory_space<hbm>>
    tpu.enqueue_dma source(%dma_start3A_163 : memref<16xi32, #tpu.memory_space<hbm>>) target(%dma_start3A_161 : memref<16xi32, #tpu.memory_space<vmem>>) target_semaphore(%arg15 : memref<!tpu.dma_semaphore, #tpu.memory_space<semaphore_mem>>)
    %dma_wait3A_164 = arith.constant 0 : i32
    %dma_wait3A_165 = arith.constant 0 : i32
    %dma_wait3A_166 = arith.constant 0 : i32
    %dma_wait3A_167 = tpu.memref_slice %arg7[%dma_wait3A_165, %dma_wait3A_166] : memref<2x768xi32, #tpu.memory_space<vmem>> -> memref<1x16xi32, #tpu.memory_space<vmem>>
    %dma_wait3A_168 = tpu.memref_squeeze %dma_wait3A_167 : memref<1x16xi32, #tpu.memory_space<vmem>> -> memref<16xi32, #tpu.memory_space<vmem>>
    %dma_wait3A_169 = tpu.memref_slice %arg3[%dma_wait3A_164, %add3A_139] : memref<2x320000xi32, #tpu.memory_space<hbm>> -> memref<1x16xi32, #tpu.memory_space<hbm>>
    %dma_wait3A_170 = tpu.memref_squeeze %dma_wait3A_169 : memref<1x16xi32, #tpu.memory_space<hbm>> -> memref<16xi32, #tpu.memory_space<hbm>>
    %dma_wait3A_171 = arith.constant 0 : i32
    %dma_wait3A_172 = tpu.memref_slice %arg7[%dma_wait3A_165, %dma_wait3A_171] : memref<2x768xi32, #tpu.memory_space<vmem>> -> memref<1x16xi32, #tpu.memory_space<vmem>>
    %dma_wait3A_173 = tpu.memref_squeeze %dma_wait3A_172 : memref<1x16xi32, #tpu.memory_space<vmem>> -> memref<16xi32, #tpu.memory_space<vmem>>
    %dma_wait3A_174 = tpu.memref_slice %arg3[%dma_wait3A_164, %add3A_139] : memref<2x320000xi32, #tpu.memory_space<hbm>> -> memref<1x16xi32, #tpu.memory_space<hbm>>
    %dma_wait3A_175 = tpu.memref_squeeze %dma_wait3A_174 : memref<1x16xi32, #tpu.memory_space<hbm>> -> memref<16xi32, #tpu.memory_space<hbm>>
    tpu.wait_dma2 semaphore(%arg15 : memref<!tpu.dma_semaphore, #tpu.memory_space<semaphore_mem>>) src(%dma_wait3A_175 : memref<16xi32, #tpu.memory_space<hbm>>) dst(%dma_wait3A_173 : memref<16xi32, #tpu.memory_space<vmem>>)
    %dma_wait3A_176 = arith.constant 1 : i32
    %dma_wait3A_177 = arith.constant 1 : i32
    %dma_wait3A_178 = arith.constant 0 : i32
    %dma_wait3A_179 = tpu.memref_slice %arg7[%dma_wait3A_177, %dma_wait3A_178] : memref<2x768xi32, #tpu.memory_space<vmem>> -> memref<1x16xi32, #tpu.memory_space<vmem>>
    %dma_wait3A_180 = tpu.memref_squeeze %dma_wait3A_179 : memref<1x16xi32, #tpu.memory_space<vmem>> -> memref<16xi32, #tpu.memory_space<vmem>>
    %dma_wait3A_181 = tpu.memref_slice %arg3[%dma_wait3A_176, %add3A_139] : memref<2x320000xi32, #tpu.memory_space<hbm>> -> memref<1x16xi32, #tpu.memory_space<hbm>>
    %dma_wait3A_182 = tpu.memref_squeeze %dma_wait3A_181 : memref<1x16xi32, #tpu.memory_space<hbm>> -> memref<16xi32, #tpu.memory_space<hbm>>
    %dma_wait3A_183 = arith.constant 0 : i32
    %dma_wait3A_184 = tpu.memref_slice %arg7[%dma_wait3A_177, %dma_wait3A_183] : memref<2x768xi32, #tpu.memory_space<vmem>> -> memref<1x16xi32, #tpu.memory_space<vmem>>
    %dma_wait3A_185 = tpu.memref_squeeze %dma_wait3A_184 : memref<1x16xi32, #tpu.memory_space<vmem>> -> memref<16xi32, #tpu.memory_space<vmem>>
    %dma_wait3A_186 = tpu.memref_slice %arg3[%dma_wait3A_176, %add3A_139] : memref<2x320000xi32, #tpu.memory_space<hbm>> -> memref<1x16xi32, #tpu.memory_space<hbm>>
    %dma_wait3A_187 = tpu.memref_squeeze %dma_wait3A_186 : memref<1x16xi32, #tpu.memory_space<hbm>> -> memref<16xi32, #tpu.memory_space<hbm>>
    tpu.wait_dma2 semaphore(%arg15 : memref<!tpu.dma_semaphore, #tpu.memory_space<semaphore_mem>>) src(%dma_wait3A_187 : memref<16xi32, #tpu.memory_space<hbm>>) dst(%dma_wait3A_185 : memref<16xi32, #tpu.memory_space<vmem>>)
    %dma_wait3A_188 = arith.constant 1 : i32
    %dma_wait3A_189 = arith.constant 640 : i32
    %dma_wait3A_190 = tpu.memref_slice %arg6[%dma_wait3A_188, %dma_wait3A_189] : memref<2x768xi32, #tpu.memory_space<vmem>> -> memref<1x128xi32, #tpu.memory_space<vmem>>
    %dma_wait3A_191 = tpu.memref_squeeze %dma_wait3A_190 : memref<1x128xi32, #tpu.memory_space<vmem>> -> memref<128xi32, #tpu.memory_space<vmem>>
    %dma_wait3A_192 = arith.constant 0 : i32
    %dma_wait3A_193 = arith.constant 0 : i32
    %dma_wait3A_194 = tpu.memref_slice %arg11[%dma_wait3A_192, %dma_wait3A_193] : memref<10112x128xf32, #tpu.memory_space<vmem_shared>> -> memref<10112x128xf32, #tpu.memory_space<vmem_shared>>
    tpu.wait_indirect_dma semaphore(%arg17 : memref<!tpu.dma_semaphore, #tpu.memory_space<semaphore_mem>>) src(%arg9 : memref<128x128xf32, #tpu.memory_space<vmem>>) dst(%dma_wait3A_194 : memref<10112x128xf32, #tpu.memory_space<vmem_shared>>)
    %dma_wait3A_195 = arith.constant 1 : i32
    %dma_wait3A_196 = arith.constant 640 : i32
    %dma_wait3A_197 = tpu.memref_slice %arg6[%dma_wait3A_195, %dma_wait3A_196] : memref<2x768xi32, #tpu.memory_space<vmem>> -> memref<1x128xi32, #tpu.memory_space<vmem>>
    %dma_wait3A_198 = tpu.memref_squeeze %dma_wait3A_197 : memref<1x128xi32, #tpu.memory_space<vmem>> -> memref<128xi32, #tpu.memory_space<vmem>>
    %dma_wait3A_199 = arith.constant 0 : i32
    %dma_wait3A_200 = arith.constant 0 : i32
    %dma_wait3A_201 = tpu.memref_slice %arg12[%dma_wait3A_199, %dma_wait3A_200] : memref<10112x16xf32, #tpu.memory_space<vmem_shared>> -> memref<10112x16xf32, #tpu.memory_space<vmem_shared>>
    tpu.wait_indirect_dma semaphore(%arg17 : memref<!tpu.dma_semaphore, #tpu.memory_space<semaphore_mem>>) src(%arg10 : memref<128x16xf32, #tpu.memory_space<vmem>>) dst(%dma_wait3A_201 : memref<10112x16xf32, #tpu.memory_space<vmem_shared>>)
    %dma_start3A_202 = arith.constant 0 : i32
    %dma_start3A_203 = arith.constant 0 : i32
    %dma_start3A_204 = arith.constant 0 : i32
    %dma_start3A_205 = tpu.memref_slice %arg9[%dma_start3A_203, %dma_start3A_204] : memref<128x128xf32, #tpu.memory_space<vmem>> -> memref<16x128xf32, #tpu.memory_space<vmem>>
    %dma_start3A_206 = arith.constant 0 : i32
    %dma_start3A_207 = tpu.memref_slice %arg7[%dma_start3A_202, %dma_start3A_206] : memref<2x768xi32, #tpu.memory_space<vmem>> -> memref<1x16xi32, #tpu.memory_space<vmem>>
    %dma_start3A_208 = tpu.memref_squeeze %dma_start3A_207 : memref<1x16xi32, #tpu.memory_space<vmem>> -> memref<16xi32, #tpu.memory_space<vmem>>
    %dma_start3A_209 = arith.constant 0 : i32
    %dma_start3A_210 = arith.constant 0 : i32
    %dma_start3A_211 = tpu.memref_slice %arg2[%dma_start3A_209, %dma_start3A_210] : memref<10000x128xf32, #tpu.memory_space<hbm>> -> memref<10000x128xf32, #tpu.memory_space<hbm>>
    tpu.enqueue_indirect_dma source(%dma_start3A_211 : memref<10000x128xf32, #tpu.memory_space<hbm>>) target(%dma_start3A_205 : memref<16x128xf32, #tpu.memory_space<vmem>>) offsets(%dma_start3A_208 : memref<16xi32, #tpu.memory_space<vmem>>) semaphore(%arg13 : memref<!tpu.dma_semaphore, #tpu.memory_space<semaphore_mem>>)
    %dma_wait3A_212 = arith.constant 0 : i32
    %dma_wait3A_213 = arith.constant 0 : i32
    %dma_wait3A_214 = arith.constant 0 : i32
    %dma_wait3A_215 = tpu.memref_slice %arg9[%dma_wait3A_213, %dma_wait3A_214] : memref<128x128xf32, #tpu.memory_space<vmem>> -> memref<16x128xf32, #tpu.memory_space<vmem>>
    %dma_wait3A_216 = arith.constant 0 : i32
    %dma_wait3A_217 = tpu.memref_slice %arg7[%dma_wait3A_212, %dma_wait3A_216] : memref<2x768xi32, #tpu.memory_space<vmem>> -> memref<1x16xi32, #tpu.memory_space<vmem>>
    %dma_wait3A_218 = tpu.memref_squeeze %dma_wait3A_217 : memref<1x16xi32, #tpu.memory_space<vmem>> -> memref<16xi32, #tpu.memory_space<vmem>>
    %dma_wait3A_219 = arith.constant 0 : i32
    %dma_wait3A_220 = arith.constant 0 : i32
    %dma_wait3A_221 = tpu.memref_slice %arg2[%dma_wait3A_219, %dma_wait3A_220] : memref<10000x128xf32, #tpu.memory_space<hbm>> -> memref<10000x128xf32, #tpu.memory_space<hbm>>
    tpu.wait_indirect_dma semaphore(%arg13 : memref<!tpu.dma_semaphore, #tpu.memory_space<semaphore_mem>>) src(%dma_wait3A_221 : memref<10000x128xf32, #tpu.memory_space<hbm>>) dst(%dma_wait3A_215 : memref<16x128xf32, #tpu.memory_space<vmem>>)
    %run_scoped3A = arith.constant 1 : i32
    "tpu.region"() ({
      %run_scoped3A_224 = tpu.sem_alloc : memref<!tpu.dma_semaphore, #tpu.memory_space<semaphore_mem>>
      %dma_start3A_225 = arith.constant 0 : i32
      %dma_start3A_226 = arith.constant 0 : i32
      %dma_start3A_227 = tpu.memref_slice %arg9[%dma_start3A_225, %dma_start3A_226] : memref<128x128xf32, #tpu.memory_space<vmem>> -> memref<16x128xf32, #tpu.memory_space<vmem>>
      %dma_start3A_228 = arith.constant 0 : i32
      %dma_start3A_229 = tpu.memref_slice %arg7[%run_scoped3A, %dma_start3A_228] : memref<2x768xi32, #tpu.memory_space<vmem>> -> memref<1x16xi32, #tpu.memory_space<vmem>>
      %dma_start3A_230 = tpu.memref_squeeze %dma_start3A_229 : memref<1x16xi32, #tpu.memory_space<vmem>> -> memref<16xi32, #tpu.memory_space<vmem>>
      %dma_start3A_231 = arith.constant 0 : i32
      %dma_start3A_232 = arith.constant 0 : i32
      %dma_start3A_233 = tpu.memref_slice %arg11[%dma_start3A_231, %dma_start3A_232] : memref<10112x128xf32, #tpu.memory_space<vmem_shared>> -> memref<10112x128xf32, #tpu.memory_space<vmem_shared>>
      tpu.enqueue_indirect_dma source(%dma_start3A_227 : memref<16x128xf32, #tpu.memory_space<vmem>>) target(%dma_start3A_233 : memref<10112x128xf32, #tpu.memory_space<vmem_shared>>) offsets(%dma_start3A_230 : memref<16xi32, #tpu.memory_space<vmem>>) semaphore(%run_scoped3A_224 : memref<!tpu.dma_semaphore, #tpu.memory_space<semaphore_mem>>) {add = true}
      %dma_wait3A_234 = arith.constant 0 : i32
      %dma_wait3A_235 = arith.constant 0 : i32
      %dma_wait3A_236 = tpu.memref_slice %arg9[%dma_wait3A_234, %dma_wait3A_235] : memref<128x128xf32, #tpu.memory_space<vmem>> -> memref<16x128xf32, #tpu.memory_space<vmem>>
      %dma_wait3A_237 = arith.constant 0 : i32
      %dma_wait3A_238 = tpu.memref_slice %arg7[%run_scoped3A, %dma_wait3A_237] : memref<2x768xi32, #tpu.memory_space<vmem>> -> memref<1x16xi32, #tpu.memory_space<vmem>>
      %dma_wait3A_239 = tpu.memref_squeeze %dma_wait3A_238 : memref<1x16xi32, #tpu.memory_space<vmem>> -> memref<16xi32, #tpu.memory_space<vmem>>
      %dma_wait3A_240 = arith.constant 0 : i32
      %dma_wait3A_241 = arith.constant 0 : i32
      %dma_wait3A_242 = tpu.memref_slice %arg11[%dma_wait3A_240, %dma_wait3A_241] : memref<10112x128xf32, #tpu.memory_space<vmem_shared>> -> memref<10112x128xf32, #tpu.memory_space<vmem_shared>>
      tpu.wait_indirect_dma semaphore(%run_scoped3A_224 : memref<!tpu.dma_semaphore, #tpu.memory_space<semaphore_mem>>) src(%dma_wait3A_236 : memref<16x128xf32, #tpu.memory_space<vmem>>) dst(%dma_wait3A_242 : memref<10112x128xf32, #tpu.memory_space<vmem_shared>>)
      tpu.yield
    }) : () -> ()
    %run_scoped3A_222 = arith.constant 1 : i32
    "tpu.region"() ({
      %run_scoped3A_224 = tpu.sem_alloc : memref<!tpu.dma_semaphore, #tpu.memory_space<semaphore_mem>>
      %dma_start3A_225 = arith.constant 0 : i32
      %dma_start3A_226 = arith.constant 0 : i32
      %dma_start3A_227 = tpu.memref_slice %arg10[%dma_start3A_225, %dma_start3A_226] : memref<128x16xf32, #tpu.memory_space<vmem>> -> memref<16x16xf32, #tpu.memory_space<vmem>>
      %dma_start3A_228 = arith.constant 0 : i32
      %dma_start3A_229 = tpu.memref_slice %arg7[%run_scoped3A_222, %dma_start3A_228] : memref<2x768xi32, #tpu.memory_space<vmem>> -> memref<1x16xi32, #tpu.memory_space<vmem>>
      %dma_start3A_230 = tpu.memref_squeeze %dma_start3A_229 : memref<1x16xi32, #tpu.memory_space<vmem>> -> memref<16xi32, #tpu.memory_space<vmem>>
      %dma_start3A_231 = arith.constant 0 : i32
      %dma_start3A_232 = arith.constant 0 : i32
      %dma_start3A_233 = tpu.memref_slice %arg12[%dma_start3A_231, %dma_start3A_232] : memref<10112x16xf32, #tpu.memory_space<vmem_shared>> -> memref<10112x16xf32, #tpu.memory_space<vmem_shared>>
      tpu.enqueue_indirect_dma source(%dma_start3A_227 : memref<16x16xf32, #tpu.memory_space<vmem>>) target(%dma_start3A_233 : memref<10112x16xf32, #tpu.memory_space<vmem_shared>>) offsets(%dma_start3A_230 : memref<16xi32, #tpu.memory_space<vmem>>) semaphore(%run_scoped3A_224 : memref<!tpu.dma_semaphore, #tpu.memory_space<semaphore_mem>>) {add = true}
      %dma_wait3A_234 = arith.constant 0 : i32
      %dma_wait3A_235 = arith.constant 0 : i32
      %dma_wait3A_236 = tpu.memref_slice %arg10[%dma_wait3A_234, %dma_wait3A_235] : memref<128x16xf32, #tpu.memory_space<vmem>> -> memref<16x16xf32, #tpu.memory_space<vmem>>
      %dma_wait3A_237 = arith.constant 0 : i32
      %dma_wait3A_238 = tpu.memref_slice %arg7[%run_scoped3A_222, %dma_wait3A_237] : memref<2x768xi32, #tpu.memory_space<vmem>> -> memref<1x16xi32, #tpu.memory_space<vmem>>
      %dma_wait3A_239 = tpu.memref_squeeze %dma_wait3A_238 : memref<1x16xi32, #tpu.memory_space<vmem>> -> memref<16xi32, #tpu.memory_space<vmem>>
      %dma_wait3A_240 = arith.constant 0 : i32
      %dma_wait3A_241 = arith.constant 0 : i32
      %dma_wait3A_242 = tpu.memref_slice %arg12[%dma_wait3A_240, %dma_wait3A_241] : memref<10112x16xf32, #tpu.memory_space<vmem_shared>> -> memref<10112x16xf32, #tpu.memory_space<vmem_shared>>
      tpu.wait_indirect_dma semaphore(%run_scoped3A_224 : memref<!tpu.dma_semaphore, #tpu.memory_space<semaphore_mem>>) src(%dma_wait3A_236 : memref<16x16xf32, #tpu.memory_space<vmem>>) dst(%dma_wait3A_242 : memref<10112x16xf32, #tpu.memory_space<vmem_shared>>)
      tpu.yield
    }) : () -> ()
    %barrier3A_223 = arith.constant 0 : index
    tpu.barrier barrier_id(%barrier3A_223)
    "tpu.region"() ({
      %run_scoped3A_224 = tpu.sem_alloc : memref<!tpu.dma_semaphore, #tpu.memory_space<semaphore_mem>>
      %dma_start3A_225 = arith.constant 0 : i32
      %dma_start3A_226 = arith.constant 0 : i32
      %dma_start3A_227 = tpu.memref_slice %arg4[%arg0, %dma_start3A_225, %dma_start3A_226] : memref<2x10112x128xf32, #tpu.memory_space<hbm>> -> memref<1x10112x128xf32, #tpu.memory_space<hbm>>
      %dma_start3A_228 = tpu.memref_squeeze %dma_start3A_227 : memref<1x10112x128xf32, #tpu.memory_space<hbm>> -> memref<10112x128xf32, #tpu.memory_space<hbm>>
      %dma_start3A_229 = arith.constant 0 : i32
      %dma_start3A_230 = tpu.memref_slice %dma_start3A_228[%mul3A_4, %dma_start3A_229] : memref<10112x128xf32, #tpu.memory_space<hbm>> -> memref<632x128xf32, #tpu.memory_space<hbm>>
      %dma_start3A_231 = arith.constant 0 : i32
      %dma_start3A_232 = tpu.memref_slice %arg11[%mul3A_4, %dma_start3A_231] : memref<10112x128xf32, #tpu.memory_space<vmem_shared>> -> memref<632x128xf32, #tpu.memory_space<vmem_shared>>
      tpu.enqueue_dma source(%dma_start3A_232 : memref<632x128xf32, #tpu.memory_space<vmem_shared>>) target(%dma_start3A_230 : memref<632x128xf32, #tpu.memory_space<hbm>>) target_semaphore(%run_scoped3A_224 : memref<!tpu.dma_semaphore, #tpu.memory_space<semaphore_mem>>)
      %dma_wait3A_233 = arith.constant 0 : i32
      %dma_wait3A_234 = arith.constant 0 : i32
      %dma_wait3A_235 = tpu.memref_slice %arg4[%arg0, %dma_wait3A_233, %dma_wait3A_234] : memref<2x10112x128xf32, #tpu.memory_space<hbm>> -> memref<1x10112x128xf32, #tpu.memory_space<hbm>>
      %dma_wait3A_236 = tpu.memref_squeeze %dma_wait3A_235 : memref<1x10112x128xf32, #tpu.memory_space<hbm>> -> memref<10112x128xf32, #tpu.memory_space<hbm>>
      %dma_wait3A_237 = arith.constant 0 : i32
      %dma_wait3A_238 = tpu.memref_slice %dma_wait3A_236[%mul3A_4, %dma_wait3A_237] : memref<10112x128xf32, #tpu.memory_space<hbm>> -> memref<632x128xf32, #tpu.memory_space<hbm>>
      %dma_wait3A_239 = arith.constant 0 : i32
      %dma_wait3A_240 = tpu.memref_slice %arg11[%mul3A_4, %dma_wait3A_239] : memref<10112x128xf32, #tpu.memory_space<vmem_shared>> -> memref<632x128xf32, #tpu.memory_space<vmem_shared>>
      tpu.wait_dma2 semaphore(%run_scoped3A_224 : memref<!tpu.dma_semaphore, #tpu.memory_space<semaphore_mem>>) src(%dma_wait3A_240 : memref<632x128xf32, #tpu.memory_space<vmem_shared>>) dst(%dma_wait3A_238 : memref<632x128xf32, #tpu.memory_space<hbm>>)
      tpu.yield
    }) : () -> ()
    "tpu.region"() ({
      %run_scoped3A_224 = tpu.sem_alloc : memref<!tpu.dma_semaphore, #tpu.memory_space<semaphore_mem>>
      %dma_start3A_225 = arith.constant 0 : i32
      %dma_start3A_226 = arith.constant 0 : i32
      %dma_start3A_227 = tpu.memref_slice %arg5[%arg0, %dma_start3A_225, %dma_start3A_226] : memref<2x10112x16xf32, #tpu.memory_space<hbm>> -> memref<1x10112x16xf32, #tpu.memory_space<hbm>>
      %dma_start3A_228 = tpu.memref_squeeze %dma_start3A_227 : memref<1x10112x16xf32, #tpu.memory_space<hbm>> -> memref<10112x16xf32, #tpu.memory_space<hbm>>
      %dma_start3A_229 = arith.constant 0 : i32
      %dma_start3A_230 = tpu.memref_slice %dma_start3A_228[%mul3A_4, %dma_start3A_229] : memref<10112x16xf32, #tpu.memory_space<hbm>> -> memref<632x16xf32, #tpu.memory_space<hbm>>
      %dma_start3A_231 = arith.constant 0 : i32
      %dma_start3A_232 = tpu.memref_slice %arg12[%mul3A_4, %dma_start3A_231] : memref<10112x16xf32, #tpu.memory_space<vmem_shared>> -> memref<632x16xf32, #tpu.memory_space<vmem_shared>>
      tpu.enqueue_dma source(%dma_start3A_232 : memref<632x16xf32, #tpu.memory_space<vmem_shared>>) target(%dma_start3A_230 : memref<632x16xf32, #tpu.memory_space<hbm>>) target_semaphore(%run_scoped3A_224 : memref<!tpu.dma_semaphore, #tpu.memory_space<semaphore_mem>>)
      %dma_wait3A_233 = arith.constant 0 : i32
      %dma_wait3A_234 = arith.constant 0 : i32
      %dma_wait3A_235 = tpu.memref_slice %arg5[%arg0, %dma_wait3A_233, %dma_wait3A_234] : memref<2x10112x16xf32, #tpu.memory_space<hbm>> -> memref<1x10112x16xf32, #tpu.memory_space<hbm>>
      %dma_wait3A_236 = tpu.memref_squeeze %dma_wait3A_235 : memref<1x10112x16xf32, #tpu.memory_space<hbm>> -> memref<10112x16xf32, #tpu.memory_space<hbm>>
      %dma_wait3A_237 = arith.constant 0 : i32
      %dma_wait3A_238 = tpu.memref_slice %dma_wait3A_236[%mul3A_4, %dma_wait3A_237] : memref<10112x16xf32, #tpu.memory_space<hbm>> -> memref<632x16xf32, #tpu.memory_space<hbm>>
      %dma_wait3A_239 = arith.constant 0 : i32
      %dma_wait3A_240 = tpu.memref_slice %arg12[%mul3A_4, %dma_wait3A_239] : memref<10112x16xf32, #tpu.memory_space<vmem_shared>> -> memref<632x16xf32, #tpu.memory_space<vmem_shared>>
      tpu.wait_dma2 semaphore(%run_scoped3A_224 : memref<!tpu.dma_semaphore, #tpu.memory_space<semaphore_mem>>) src(%dma_wait3A_240 : memref<632x16xf32, #tpu.memory_space<vmem_shared>>) dst(%dma_wait3A_238 : memref<632x16xf32, #tpu.memory_space<hbm>>)
      tpu.yield
    }) : () -> ()
    return
  }
}

module attributes {stable_mosaic.version = 14 : i64} {
  func.func @body(%arg0: i32, %arg1: memref<2000x128xf32, #tpu.memory_space<vmem>>, %arg2: memref<2000x128xf32, #tpu.memory_space<vmem>>, %arg3: memref<128x128xf32, #tpu.memory_space<vmem>>, %arg4: memref<1x128xf32, #tpu.memory_space<vmem>>, %arg5: memref<128x128xf32, #tpu.memory_space<vmem>>, %arg6: memref<1x128xf32, #tpu.memory_space<vmem>>, %arg7: memref<2000x128xf32, #tpu.memory_space<vmem>>, %arg8: memref<2000x128xf32, #tpu.memory_space<vmem>>) attributes {dimension_semantics = [#tpu.dimension_semantics<arbitrary>], iteration_bounds = array<i64: 5>, scalar_prefetch = 0 : i64, scratch_operands = 0 : i64, tpu.core_type = #tpu.core_type<tc>, window_params = [{transform_indices = @transform_0, window_bounds = array<i64: 2000, 128>}, {transform_indices = @transform_1, window_bounds = array<i64: 2000, 128>}, {pipeline_mode = #tpu.pipeline_mode<synchronous>, transform_indices = @transform_2, window_bounds = array<i64: 128, 128>}, {pipeline_mode = #tpu.pipeline_mode<synchronous>, transform_indices = @transform_3, window_bounds = array<i64: 1, 128>}, {pipeline_mode = #tpu.pipeline_mode<synchronous>, transform_indices = @transform_4, window_bounds = array<i64: 128, 128>}, {pipeline_mode = #tpu.pipeline_mode<synchronous>, transform_indices = @transform_5, window_bounds = array<i64: 1, 128>}, {transform_indices = @transform_6, window_bounds = array<i64: 2000, 128>}, {transform_indices = @transform_7, window_bounds = array<i64: 2000, 128>}]} {
    %get3A = arith.constant 0 : index
    %get3A_0 = arith.constant 0 : index
    %get3A_1 = vector.load %arg1[%get3A, %get3A_0] : memref<2000x128xf32, #tpu.memory_space<vmem>>, vector<2000x128xf32>
    %get3A_2 = arith.constant 0 : index
    %get3A_3 = arith.constant 0 : index
    %get3A_4 = vector.load %arg3[%get3A_2, %get3A_3] : memref<128x128xf32, #tpu.memory_space<vmem>>, vector<128x128xf32>
    %dot_general3A = arith.constant dense<0.000000e+00> : vector<2000x128xf32>
    %dot_general3A_5 = tpu.matmul %get3A_1, %get3A_4, %dot_general3A {dimension_numbers = #tpu.dot_dimension_numbers<[1], [0], [0], [1], [0, 0, 1, 1], [], []>, transpose_lhs_hint = false} : vector<2000x128xf32>, vector<128x128xf32>, vector<2000x128xf32> -> vector<2000x128xf32>
    %get3A_6 = arith.constant 0 : index
    %get3A_7 = arith.constant 0 : index
    %get3A_8 = vector.load %arg4[%get3A_6, %get3A_7] : memref<1x128xf32, #tpu.memory_space<vmem>>, vector<1x128xf32>
    %add3A = vector.broadcast %get3A_8 : vector<1x128xf32> to vector<2000x128xf32>
    %add3A_9 = arith.addf %dot_general3A_5, %add3A : vector<2000x128xf32>
    %swap3A = arith.constant 0 : index
    %swap3A_10 = arith.constant 0 : index
    %swap3A_11 = vector.load %arg7[%swap3A, %swap3A_10] : memref<2000x128xf32, #tpu.memory_space<vmem>>, vector<2000x128xf32>
    tpu.vector_store %arg7[%swap3A, %swap3A_10], %add3A_9 {strides = array<i32>} : memref<2000x128xf32, #tpu.memory_space<vmem>>, vector<2000x128xf32>,
    %get3A_12 = arith.constant 0 : index
    %get3A_13 = arith.constant 0 : index
    %get3A_14 = vector.load %arg2[%get3A_12, %get3A_13] : memref<2000x128xf32, #tpu.memory_space<vmem>>, vector<2000x128xf32>
    %get3A_15 = arith.constant 0 : index
    %get3A_16 = arith.constant 0 : index
    %get3A_17 = vector.load %arg5[%get3A_15, %get3A_16] : memref<128x128xf32, #tpu.memory_space<vmem>>, vector<128x128xf32>
    %dot_general3A_18 = arith.constant dense<0.000000e+00> : vector<2000x128xf32>
    %dot_general3A_19 = tpu.matmul %get3A_14, %get3A_17, %dot_general3A_18 {dimension_numbers = #tpu.dot_dimension_numbers<[1], [0], [0], [1], [0, 0, 1, 1], [], []>, transpose_lhs_hint = false} : vector<2000x128xf32>, vector<128x128xf32>, vector<2000x128xf32> -> vector<2000x128xf32>
    %get3A_20 = arith.constant 0 : index
    %get3A_21 = arith.constant 0 : index
    %get3A_22 = vector.load %arg6[%get3A_20, %get3A_21] : memref<1x128xf32, #tpu.memory_space<vmem>>, vector<1x128xf32>
    %add3A_23 = vector.broadcast %get3A_22 : vector<1x128xf32> to vector<2000x128xf32>
    %add3A_24 = arith.addf %dot_general3A_19, %add3A_23 : vector<2000x128xf32>
    %swap3A_25 = arith.constant 0 : index
    %swap3A_26 = arith.constant 0 : index
    %swap3A_27 = vector.load %arg8[%swap3A_25, %swap3A_26] : memref<2000x128xf32, #tpu.memory_space<vmem>>, vector<2000x128xf32>
    tpu.vector_store %arg8[%swap3A_25, %swap3A_26], %add3A_24 {strides = array<i32>} : memref<2000x128xf32, #tpu.memory_space<vmem>>, vector<2000x128xf32>,
    return
  }
  func.func @transform_0(%arg0: i32) -> (i32, i32) {
    %c0_i32 = arith.constant 0 : i32
    %c0_i32_0 = arith.constant 0 : i32
    return %arg0, %c0_i32 : i32, i32
  }
  func.func @transform_1(%arg0: i32) -> (i32, i32) {
    %c0_i32 = arith.constant 0 : i32
    %c0_i32_0 = arith.constant 0 : i32
    return %arg0, %c0_i32 : i32, i32
  }
  func.func @transform_2(%arg0: i32) -> (i32, i32) {
    %c0_i32 = arith.constant 0 : i32
    %c0_i32_0 = arith.constant 0 : i32
    %c0_i32_1 = arith.constant 0 : i32
    return %c0_i32, %c0_i32_0 : i32, i32
  }
  func.func @transform_3(%arg0: i32) -> (i32, i32) {
    %c0_i32 = arith.constant 0 : i32
    %c0_i32_0 = arith.constant 0 : i32
    %c0_i32_1 = arith.constant 0 : i32
    return %c0_i32, %c0_i32_0 : i32, i32
  }
  func.func @transform_4(%arg0: i32) -> (i32, i32) {
    %c0_i32 = arith.constant 0 : i32
    %c0_i32_0 = arith.constant 0 : i32
    %c0_i32_1 = arith.constant 0 : i32
    return %c0_i32, %c0_i32_0 : i32, i32
  }
  func.func @transform_5(%arg0: i32) -> (i32, i32) {
    %c0_i32 = arith.constant 0 : i32
    %c0_i32_0 = arith.constant 0 : i32
    %c0_i32_1 = arith.constant 0 : i32
    return %c0_i32, %c0_i32_0 : i32, i32
  }
  func.func @transform_6(%arg0: i32) -> (i32, i32) {
    %c0_i32 = arith.constant 0 : i32
    %c0_i32_0 = arith.constant 0 : i32
    return %arg0, %c0_i32 : i32, i32
  }
  func.func @transform_7(%arg0: i32) -> (i32, i32) {
    %c0_i32 = arith.constant 0 : i32
    %c0_i32_0 = arith.constant 0 : i32
    return %arg0, %c0_i32 : i32, i32
  }
}

module attributes {stable_mosaic.version = 14 : i64} {
  func.func @body(%arg0: i32, %arg1: memref<2000x128xf32, #tpu.memory_space<vmem>>, %arg2: memref<2000x128xf32, #tpu.memory_space<vmem>>, %arg3: memref<1x2000x128xf32, #tpu.memory_space<vmem>>, %arg4: memref<1x2000x128xf32, #tpu.memory_space<vmem>>, %arg5: memref<1x2000x16xf32, #tpu.memory_space<vmem>>, %arg6: memref<1x2000x16xf32, #tpu.memory_space<vmem>>, %arg7: memref<128x128xf32, #tpu.memory_space<vmem>>, %arg8: memref<1x128xf32, #tpu.memory_space<vmem>>, %arg9: memref<2000x128xf32, #tpu.memory_space<vmem>>) attributes {dimension_semantics = [#tpu.dimension_semantics<arbitrary>], iteration_bounds = array<i64: 5>, scalar_prefetch = 0 : i64, scratch_operands = 0 : i64, tpu.core_type = #tpu.core_type<tc>, window_params = [{transform_indices = @transform_0, window_bounds = array<i64: 2000, 128>}, {transform_indices = @transform_1, window_bounds = array<i64: 2000, 128>}, {transform_indices = @transform_2, window_bounds = array<i64: 1, 2000, 128>}, {transform_indices = @transform_3, window_bounds = array<i64: 1, 2000, 128>}, {transform_indices = @transform_4, window_bounds = array<i64: 1, 2000, 16>}, {transform_indices = @transform_5, window_bounds = array<i64: 1, 2000, 16>}, {pipeline_mode = #tpu.pipeline_mode<synchronous>, transform_indices = @transform_6, window_bounds = array<i64: 128, 128>}, {pipeline_mode = #tpu.pipeline_mode<synchronous>, transform_indices = @transform_7, window_bounds = array<i64: 1, 128>}, {transform_indices = @transform_8, window_bounds = array<i64: 2000, 128>}]} {
    %get3A = arith.constant 0 : index
    %get3A_0 = arith.constant 0 : index
    %get3A_1 = arith.constant 0 : index
    %get3A_2 = vector.load %arg3[%get3A, %get3A_0, %get3A_1] : memref<1x2000x128xf32, #tpu.memory_space<vmem>>, vector<1x2000x128xf32>
    %get3A_3 = vector.shape_cast %get3A_2 : vector<1x2000x128xf32> to vector<2000x128xf32>
    %get3A_4 = arith.constant 0 : index
    %get3A_5 = arith.constant 0 : index
    %get3A_6 = arith.constant 0 : index
    %get3A_7 = vector.load %arg4[%get3A_4, %get3A_5, %get3A_6] : memref<1x2000x128xf32, #tpu.memory_space<vmem>>, vector<1x2000x128xf32>
    %get3A_8 = vector.shape_cast %get3A_7 : vector<1x2000x128xf32> to vector<2000x128xf32>
    %add3A = arith.addf %get3A_3, %get3A_8 : vector<2000x128xf32>
    %get3A_9 = arith.constant 0 : index
    %get3A_10 = arith.constant 0 : index
    %get3A_11 = arith.constant 0 : index
    %get3A_12 = vector.load %arg5[%get3A_9, %get3A_10, %get3A_11] : memref<1x2000x16xf32, #tpu.memory_space<vmem>>, vector<1x2000x1xf32>
    %get3A_13 = vector.shape_cast %get3A_12 : vector<1x2000x1xf32> to vector<2000x1xf32>
    %get3A_14 = arith.constant 0 : index
    %get3A_15 = arith.constant 0 : index
    %get3A_16 = arith.constant 0 : index
    %get3A_17 = vector.load %arg6[%get3A_14, %get3A_15, %get3A_16] : memref<1x2000x16xf32, #tpu.memory_space<vmem>>, vector<1x2000x1xf32>
    %get3A_18 = vector.shape_cast %get3A_17 : vector<1x2000x1xf32> to vector<2000x1xf32>
    %add3A_19 = arith.addf %get3A_13, %get3A_18 : vector<2000x1xf32>
    %get3A_20 = arith.constant 0 : index
    %get3A_21 = arith.constant 0 : index
    %get3A_22 = vector.load %arg7[%get3A_20, %get3A_21] : memref<128x128xf32, #tpu.memory_space<vmem>>, vector<128x128xf32>
    %dot_general3A = arith.constant dense<0.000000e+00> : vector<2000x128xf32>
    %dot_general3A_23 = tpu.matmul %add3A, %get3A_22, %dot_general3A {dimension_numbers = #tpu.dot_dimension_numbers<[1], [0], [0], [1], [0, 0, 1, 1], [], []>, transpose_lhs_hint = false} : vector<2000x128xf32>, vector<128x128xf32>, vector<2000x128xf32> -> vector<2000x128xf32>
    %get3A_24 = arith.constant 0 : index
    %get3A_25 = arith.constant 0 : index
    %get3A_26 = vector.load %arg8[%get3A_24, %get3A_25] : memref<1x128xf32, #tpu.memory_space<vmem>>, vector<1x128xf32>
    %mul3A = vector.broadcast %add3A_19 : vector<2000x1xf32> to vector<2000x128xf32>
    %mul3A_27 = vector.broadcast %get3A_26 : vector<1x128xf32> to vector<2000x128xf32>
    %mul3A_28 = arith.mulf %mul3A, %mul3A_27 : vector<2000x128xf32>
    %add3A_29 = arith.addf %dot_general3A_23, %mul3A_28 : vector<2000x128xf32>
    %get3A_30 = arith.constant 0 : index
    %get3A_31 = arith.constant 0 : index
    %get3A_32 = vector.load %arg1[%get3A_30, %get3A_31] : memref<2000x128xf32, #tpu.memory_space<vmem>>, vector<2000x128xf32>
    %mul3A_33 = vector.broadcast %add3A_19 : vector<2000x1xf32> to vector<2000x128xf32>
    %mul3A_34 = arith.mulf %mul3A_33, %get3A_32 : vector<2000x128xf32>
    %sub3A = arith.subf %mul3A_34, %add3A_29 : vector<2000x128xf32>
    %max3A = arith.constant 1.000000e+00 : f32
    %max3A_35 = vector.broadcast %max3A : f32 to vector<2000x1xf32>
    %max3A_36 = arith.maximumf %add3A_19, %max3A_35 : vector<2000x1xf32>
    %div3A = vector.broadcast %max3A_36 : vector<2000x1xf32> to vector<2000x128xf32>
    %div3A_37 = arith.divf %sub3A, %div3A : vector<2000x128xf32>
    %get3A_38 = arith.constant 0 : index
    %get3A_39 = arith.constant 0 : index
    %get3A_40 = vector.load %arg2[%get3A_38, %get3A_39] : memref<2000x128xf32, #tpu.memory_space<vmem>>, vector<2000x128xf32>
    %add3A_41 = arith.addf %div3A_37, %get3A_40 : vector<2000x128xf32>
    %max3A_42 = arith.constant 0.000000e+00 : f32
    %max3A_43 = vector.broadcast %max3A_42 : f32 to vector<2000x128xf32>
    %max3A_44 = arith.maximumf %add3A_41, %max3A_43 : vector<2000x128xf32>
    %swap3A = arith.constant 0 : index
    %swap3A_45 = arith.constant 0 : index
    %swap3A_46 = vector.load %arg9[%swap3A, %swap3A_45] : memref<2000x128xf32, #tpu.memory_space<vmem>>, vector<2000x128xf32>
    tpu.vector_store %arg9[%swap3A, %swap3A_45], %max3A_44 {strides = array<i32>} : memref<2000x128xf32, #tpu.memory_space<vmem>>, vector<2000x128xf32>,
    return
  }
  func.func @transform_0(%arg0: i32) -> (i32, i32) {
    %c0_i32 = arith.constant 0 : i32
    %c0_i32_0 = arith.constant 0 : i32
    return %arg0, %c0_i32 : i32, i32
  }
  func.func @transform_1(%arg0: i32) -> (i32, i32) {
    %c0_i32 = arith.constant 0 : i32
    %c0_i32_0 = arith.constant 0 : i32
    return %arg0, %c0_i32 : i32, i32
  }
  func.func @transform_2(%arg0: i32) -> (i32, i32, i32) {
    %c0_i32 = arith.constant 0 : i32
    %c0_i32_0 = arith.constant 0 : i32
    %c0_i32_1 = arith.constant 0 : i32
    return %c0_i32, %arg0, %c0_i32_0 : i32, i32, i32
  }
  func.func @transform_3(%arg0: i32) -> (i32, i32, i32) {
    %c1_i32 = arith.constant 1 : i32
    %c0_i32 = arith.constant 0 : i32
    %c0_i32_0 = arith.constant 0 : i32
    return %c1_i32, %arg0, %c0_i32 : i32, i32, i32
  }
  func.func @transform_4(%arg0: i32) -> (i32, i32, i32) {
    %c0_i32 = arith.constant 0 : i32
    %c0_i32_0 = arith.constant 0 : i32
    %c0_i32_1 = arith.constant 0 : i32
    return %c0_i32, %arg0, %c0_i32_0 : i32, i32, i32
  }
  func.func @transform_5(%arg0: i32) -> (i32, i32, i32) {
    %c1_i32 = arith.constant 1 : i32
    %c0_i32 = arith.constant 0 : i32
    %c0_i32_0 = arith.constant 0 : i32
    return %c1_i32, %arg0, %c0_i32 : i32, i32, i32
  }
  func.func @transform_6(%arg0: i32) -> (i32, i32) {
    %c0_i32 = arith.constant 0 : i32
    %c0_i32_0 = arith.constant 0 : i32
    %c0_i32_1 = arith.constant 0 : i32
    return %c0_i32, %c0_i32_0 : i32, i32
  }
  func.func @transform_7(%arg0: i32) -> (i32, i32) {
    %c0_i32 = arith.constant 0 : i32
    %c0_i32_0 = arith.constant 0 : i32
    %c0_i32_1 = arith.constant 0 : i32
    return %c0_i32, %c0_i32_0 : i32, i32
  }
  func.func @transform_8(%arg0: i32) -> (i32, i32) {
    %c0_i32 = arith.constant 0 : i32
    %c0_i32_0 = arith.constant 0 : i32
    return %arg0, %c0_i32 : i32, i32
  }
}

</mosaic_0001>

<sc_bundles>
// kernel: kernel.5.cloned.1.call-start
scs
__scs_entry_jumppad:
0x0: {  	(pc) =	sbr.rel $0x88, $3  }
0x1: {  	(tag) =	ssettag $0x0;
	lr =	simm.s32 $0x1  }
0x2: {  	[smem:$0x3F9A] =	sst lr;
	_ =	strace $0xD0000000  }
0x3: {  	_ = 	snop  }
0x4: {  	_ = 	snop  }
0x5: {  	_ = 	snop  }
0x6: {  	_ = 	snop  }
0x7: {  	_ = 	snop  }
__scs_overlays_trampoline_lowered:
0x8: {  	[smem:$0x3FA9] =	sst s0  }
0x9: {  	[smem:$0x3FAA] =	sst s1  }
0xa: {  	[smem:$0x3FAB] =	sst s2  }
0xb: {  	[smem:$0x3FAC] =	sst s3  }
0xc: {  	[smem:$0x3FAD] =	sst s4  }
0xd: {  	[smem:$0x3FAE] =	sst s5  }
0xe: {  	[smem:$0x3FAF] =	sst s6  }
0xf: {  	[smem:$0x3FB0] =	sst s7  }
0x10: {  	[smem:$0x3FB1] =	sst s8  }
0x11: {  	[smem:$0x3FB2] =	sst s9;
	s0 =	simm.s32 @!p0 $0x0  }
0x12: {  	s1 =	sld [smem:$0x3F98];
	s0 =	simm.s32 @p0 $0x1  }
0x13: {  	[smem:$0x3FB3] =	sst s0;
	s0 =	simm.s32 @!p1 $0x0  }
0x14: {  	s2 =	sld [smem:$0x3F97];
	s0 =	simm.s32 @p1 $0x1  }
0x15: {  	[smem:$0x3FB4] =	sst s0;
	s0 =	simm.s32 @!p2 $0x0  }
0x16: {  	s3 =	sld [smem:$0x3FDB];
	s0 =	simm.s32 @p2 $0x1  }
0x17: {  	s4 =	simm.s32 $0x1BF5;
	[smem:$0x3FB6] =	sst s0  }
0x18: {  	s0 =	sld [smem:$0x3F99];
	_ =	swait.ge [sflag:s4], $0x0  }
0x19: {  	s7 =	sld [smem:$0x3F9A]  }
0x1a: {  	s8 =	sadd.s32 $0xFFFFE003, lr  }
0x1b: {  	s9 =	sadd.s32 $0xFFFFFEF7, lr;
	s5 =	simm.s32 $0xFFFFFFFF;
	p2 =	slt.u32 s8, $0xFFFFF086  }
0x1c: {  	p1 =	slt.u32 s9, $0xF7A;
	s5 =	simm.s32 @!p2 $0x0  }
0x1d: {  	s5 =	simm.s32 @p1 $0x1;
	p0 =	seq.s32 s7, s2  }
0x1e: {  	s7 =	smul.u32 @!p0 $0xF7A, s2;
	p2 =	seq.s32 @!p0 s5, $0x0  }
0x1f: {  	s9 =	smul.u32 $0xF7A, s1;
	s8 =	simm.s32 @!p0 $0x1BF5;
	p2 =	por !p2, p0  }
0x20: {  	[sflag:s8] =	ssyncset.s32 @!p0 $0xFFFFF086;
	s6 =	sadd.s32 @!p0 s3, s7;
	s7 =	simm.s32 @!p0 $0x108  }
0x21: {  	s3 =	sadd.s32 s3, s9;
	s6 =	sadd.s32 @!p0 $0x88, s6;
	s7 =	simm.s32 @p2 $0x1082  }
0x22: {  	[simem:s7], [sflag:s8] =	dma.local @!p0 [hbm:s6], $0xF7A  }
0x23: {  	s9 =	sor.u32 $0xD0000000, s2;
	s6 =	simm.s32 $0x108;
	_ =	swait.ge @!p0 [sflag:s8], $0x0  }
0x24: {  	s3 =	sadd.s32 $0x88, s3;
	s6 =	simm.s32 @!p1 $0x1082;
	[sflag:s4] =	ssyncset.s32 $0xFFFFF086  }
0x25: {  	[simem:s6], [sflag:s4] =	dma.local [hbm:s3], $0xF7A  }
0x26: {  	[smem:$0x3F9A] =	sst s1;
	(tag) =	ssettag s2;
	_ =	strace s9  }
0x27: {  	s1 =	sld [smem:$0x3FAA]  }
0x28: {  	s2 =	sld [smem:$0x3FAB]  }
0x29: {  	s4 =	sld [smem:$0x3FAD]  }
0x2a: {  	p0 =	seq.s32 s5, $0x0;
	s5 =	sld [smem:$0x3FAE]  }
0x2b: {  	s6 =	sld [smem:$0x3FAF]  }
0x2c: {  	s7 =	sld [smem:$0x3FB0]  }
0x2d: {  	s3 =	simm.s32 $0x108;
	s8 =	sld [smem:$0x3FB1]  }
0x2e: {  	s3 =	simm.s32 @!p0 $0x1082;
	s9 =	sld [smem:$0x3FB2]  }
0x2f: {  	lr =	sadd.s32 s0, s3;
	s0 =	sld [smem:$0x3FA9]  }
0x30: {  	s3 =	sld [smem:$0x3FAC]  }
0x31: {  	[smem:$0x3FB5] =	sst s10  }
0x32: {  	s10 =	sld [smem:$0x3FB3];
	_ =	sdelay $0x3  }
0x33: {  	p0 =	seq.s32 s10, $0x1;
	s10 =	sld [smem:$0x3FB5];
	_ =	sdelay $0x3  }
0x34: {  	[smem:$0x3FB5] =	sst s10  }
0x35: {  	s10 =	sld [smem:$0x3FB4];
	_ =	sdelay $0x3  }
0x36: {  	p1 =	seq.s32 s10, $0x1;
	s10 =	sld [smem:$0x3FB5];
	_ =	sdelay $0x3  }
0x37: {  	[smem:$0x3FB5] =	sst s10  }
0x38: {  	s10 =	sld [smem:$0x3FB6]  }
0x39: {  	_ = 	snop;
	(pc) =	sbr.ind lr, $3  }
0x3a: {  	_ = 	snop  }
0x3b: {  	_ = 	snop  }
0x3c: {  	p2 =	seq.s32 s10, $0x1;
	s10 =	sld [smem:$0x3FB5]  }
0x3d: {  	_ =	shalt  }
0x3e: {  	_ =	shalt  }
0x3f: {  	_ =	shalt  }
0x40: {  	_ =	shalt  }
0x41: {  	_ =	shalt  }
0x42: {  	_ =	shalt  }
0x43: {  	_ =	shalt  }
0x44: {  	_ =	shalt  }
0x45: {  	_ =	shalt  }
0x46: {  	_ =	shalt  }
0x47: {  	_ =	shalt  }
0x48: {  	_ =	shalt  }
0x49: {  	_ =	shalt  }
0x4a: {  	_ =	shalt  }
0x4b: {  	_ =	shalt  }
0x4c: {  	_ =	shalt  }
0x4d: {  	_ =	shalt  }
0x4e: {  	_ =	shalt  }
0x4f: {  	_ =	shalt  }
0x50: {  	_ =	shalt  }
0x51: {  	_ =	shalt  }
0x52: {  	_ =	shalt  }
0x53: {  	_ =	shalt  }
0x54: {  	_ =	shalt  }
0x55: {  	_ =	shalt  }
0x56: {  	_ =	shalt  }
0x57: {  	_ =	shalt  }
0x58: {  	_ =	shalt  }
0x59: {  	_ =	shalt  }
0x5a: {  	_ =	shalt  }
0x5b: {  	_ =	shalt  }
0x5c: {  	_ =	shalt  }
0x5d: {  	_ =	shalt  }
0x5e: {  	_ =	shalt  }
0x5f: {  	_ =	shalt  }
0x60: {  	_ =	shalt  }
0x61: {  	_ =	shalt  }
0x62: {  	_ =	shalt  }
0x63: {  	_ =	shalt  }
0x64: {  	_ =	shalt  }
0x65: {  	_ =	shalt  }
0x66: {  	_ =	shalt  }
0x67: {  	_ =	shalt  }
0x68: {  	_ =	shalt  }
0x69: {  	_ =	shalt  }
0x6a: {  	_ =	shalt  }
0x6b: {  	_ =	shalt  }
0x6c: {  	_ =	shalt  }
0x6d: {  	_ =	shalt  }
0x6e: {  	_ =	shalt  }
0x6f: {  	_ =	shalt  }
0x70: {  	_ =	shalt  }
0x71: {  	_ =	shalt  }
0x72: {  	_ =	shalt  }
0x73: {  	_ =	shalt  }
0x74: {  	_ =	shalt  }
0x75: {  	_ =	shalt  }
0x76: {  	_ =	shalt  }
0x77: {  	_ =	shalt  }
0x78: {  	_ =	shalt  }
0x79: {  	_ =	shalt  }
0x7a: {  	_ =	shalt  }
0x7b: {  	_ =	shalt  }
0x7c: {  	_ =	shalt  }
0x7d: {  	_ =	shalt  }
0x7e: {  	_ =	shalt  }
0x7f: {  	_ =	shalt  }
0x80: {  	_ =	shalt  }
0x81: {  	_ =	shalt  }
0x82: {  	_ =	shalt  }
0x83: {  	_ =	shalt  }
0x84: {  	_ =	shalt  }
0x85: {  	_ =	shalt  }
0x86: {  	_ =	shalt  }
0x87: {  	_ =	shalt  }
.Lfunc_end0:
.L_simem_size_0:
called_computation_lowered:
.L_overlay_start_0:
0x88: {  	s2 =	sld [smem:$0x3FD9]  }
0x89: {  	s3 =	sld [smem:$0x3FFE];
	_ =	sdelay $0x1  }
0x8a: {  	s1 =	srdreg.scid  }
0x8b: {  	s0 =	sand.u32 $0x1, s1  }
0x8c: {  	s17 =	sshll.u32 s0, $0xA;
	s2 =	sadd.s32 s3, s2  }
0x8d: {  	s2 =	sadd.s32 s2, s17  }
0x8e: {  	[smem:$0x3FC1] =	sst s2  }
0x8f: {  	_ = 	snop  }
0x90: {  	s2 =	sld [smem:$0x3FC9]  }
0x91: {  	s18 =	sld [smem:$0x3FD0];
	(tm) =	ssettm $0x1  }
0x92: {  	s4 =	sld [smem:$0x3FFB];
	_ =	sdelay $0x3  }
0x93: {  	_ =	strace s4  }
0x94: {  	s4 =	sld [smem:$0x3FFC];
	_ =	sdelay $0x3  }
0x95: {  	_ =	strace s4  }
0x96: {  	s4 =	sld [smem:$0x3FFD];
	_ =	sdelay $0x3  }
0x97: {  	_ =	strace s4  }
0x98: {  	_ =	strace $0x8FFFFFFF  }
0x99: {  	s19 =	sld [smem:$0x3FDB];
	_ =	sdelay $0x1  }
0x9a: {  	s5 =	simm.s32 $_scs_section_size  }
0x9b: {  	s6 =	simm.s32 $_size__tile_overlayer_lowered;
	s7 =	simm.s32 $_tile_overlayer_lowered  }
0x9c: {  	s22 =	simm.s32 $0x1BFF;
	s21 =	sshll.u32 s7, $0x1;
	s4 =	sadd.s32 s5, s19  }
0x9d: {  	s8 =	simm.s32 $0x0;
	s20 =	sshll.u32 s6, $0x1;
	s6 =	sadd.s32 s21, s4  }
0x9e: {  	[timem:s8], [sflag:s22] =	dma.local [hbm:s6], s20  }
0x9f: {  	_ =	swait.ge [sflag:s22], s20  }
0xa0: {  	s5 =	ssub.s32 $0x0, s20;
	[sflag:s22] =	ssyncset.done $0x0  }
0xa1: {  	[sflag:s22] =	ssyncadd.s32 s5;
	_ =	sdelay $0x1  }
0xa2: {  	s23 =	simm.s32 $0x1B8B  }
0xa3: {  	_ =	swait.ge [sflag:s23], $0x1  }
0xa4: {  	[sflag:s23] =	ssyncset.done $0x0  }
0xa5: {  	s25 =	simm.s32 $0x1B8E;
	s24 =	sld [smem:$0x3FFE];
	[sflag:s23] =	ssyncadd.s32 $0xFFFFFFFF  }
0xa6: {  	s26 =	simm.s32 $execute0_lowered;
	[smem:$0x3FD2] =	sst s25  }
0xa7: {  	s6 =	sshll.u32 s26, $0x1;
	_ =	strace $0x80000046;
	[dreg:$0x1] =	wrdreg $0xFFFFFFFF  }
0xa8: {  	s28 =	simm.s32 $_size_execute0_lowered;
	s4 =	sadd.s32 s4, s6;
	[dreg:$0x0] =	wrdreg $0x0  }
0xa9: {  	s6 =	sshll.u32 s28, $0x1;
	[dreg:$0x2] =	wrdreg s4  }
0xaa: {  	[dreg:$0x3] =	wrdreg s6  }
0xab: {  	[dreg:$0x4] =	wrdreg $0xC0  }
0xac: {  	_ =	task [dreg:s8], $0x5FFFF  }
0xad: {  	[dreg:$0x1] =	wrdreg $0xFFFFFFFF  }
0xae: {  	[dreg:$0x0] =	wrdreg $0x60  }
0xaf: {  	[dreg:$0x2] =	wrdreg s2  }
0xb0: {  	[dreg:$0x3] =	wrdreg s18  }
0xb1: {  	[dreg:$0x4] =	wrdreg s24  }
0xb2: {  	[dreg:$0x5] =	wrdreg $0x94000  }
0xb3: {  	[dreg:$0x6] =	wrdreg $0x1D0000  }
0xb4: {  	[dreg:$0x7] =	wrdreg $0x9  }
0xb5: {  	_ =	task.clear_ibuf [dreg:s8], $0x8FFFF;
	_ =	strace $0x90000046  }
0xb6: {  	s29 =	simm.s32 $0x9;
	_ =	strace $0x80000048  }
0xb7: {  	_ =	swait.ge [sflag:s29], $0x1  }
0xb8: {  	[sflag:s29] =	ssyncadd.s32 $0xFFFFFFFF  }
0xb9: {  	_ =	strace $0x90000048  }
0xba: {  	_ =	sfence  }
0xbb: {  	s30 =	sld [smem:$0x0];
	_ =	sdelay $0x2  }
0xbc: {  	s31 =	sshll.u32 s1, $0xD;
	s1 =	sshrl.u32 s1, $0x2  }
0xbd: {  	s3 =	sand.u32 $0x4000, s31;
	s1 =	sadd.s32 s1, s30  }
0xbe: {  	s0 =	sor.u32 s3, s0;
	s1 =	sshll.u32 s1, $0x11  }
0xbf: {  	s0 =	sor.u32 s1, s0  }
0xc0: {  	s0 =	sadd.s32 $0x8F2B, s0  }
0xc1: {  	[sflag:s0] =	ssyncadd.remote.s32 $0x1  }
0xc2: {  	_ =	sfence.sel $0xFFFF  }
0xc3: {  	[dreg:$0x0] =	wrdreg $0xFFFFFFFF;
	(pc) =	sbr.abs _section_cstart, $3  }
0xc4: {  	[dreg:$0x1] =	wrdreg $0xFFFFFFFF  }
0xc5: {  	_ =	task.clear_ibuf [dreg:s8], $0x2FFFF;
	_ =	strace $0x9FFFFFFF  }
0xc6: {  	(tm) =	ssettm $0x7FFFFFFF  }
0xc7: {  	_ =	shalt  }
tec
execute0_lowered:
.L_overlay_start_1:
0x0: {  	(tag) =	ssettag $0x1  }
0x1: {  	s1 =	rddreg [dreg:$0x0]  }
0x2: {  	s21 =	rddreg [dreg:$0x1]  }
0x3: {  	s2 =	rddreg [dreg:$0x2]  }
0x4: {  	s3 =	rddreg [dreg:$0x3];
	s15 =	stileid.u32  }
0x5: {  	s4 =	rddreg [dreg:$0x4];
	s11 =	smul.u32 $0x13C00, s15  }
0x6: {  	s0 =	srdreg.scid;
	s6 =	simm.s32 $0x0;
	s18 =	smul.u32 $0x2780, s15  }
0x7: {  	s28 =	simm.s32 $0x300;
	s5 =	sand.u32 $0x1, s0;
	s23 =	smul.u32 $0x9E00, s15  }
0x8: {  	s29 =	simm.s32 $0x3;
	s30 =	simm.s32 $0x80;
	s0 =	smul.u32 $0x27800, s5  }
0x9: {  	[smem:$0x7FF] =	sst s6;
	s7 =	sshll.u32 s5, $0x4;
	s8 =	smul.u32 $0x4F00, s5  }
0xa: {  	s10 =	ssub.s32 $0x2, s5;
	s5 =	smul.u32 $0x27100, s5;
	s7 =	sor.u32 s15, s7  }
0xb: {  	s31 =	simm.s32 $0xC00;
	_ =	strace $0x80000047;
	s7 =	smul.u32 $0x2710, s7  }
0xc: {  	s12 =	sshrl.u32 s10, $0x1;
	s9 =	sadd.s32 s0, s2;
	s0 =	smul.u32 $0x278, s15  }
0xd: {  	s2 =	sadd.s32 s8, s2;
	s8 =	ssub.s32 s10, s12;
	s12 =	smul.u32 $0x2710, s15  }
0xe: {  	s2 =	sadd.s32 $0x2400, s2;
	s8 =	smax.u32 s8, $0x1;
	s7 =	sshrl.u32 s7, $0x3  }
0xf: {  	s13 =	sadd.s32 $0x200, s0;
	s5 =	sadd.s32 s12, s5;
	[dreg:$0x13] =	wrdreg s8  }
0x10: {  	s17 =	sadd.s32 s21, s7;
	s16 =	sshll.u32 s13, $0x7;
	s7 =	sshll.u32 s13, $0x4  }
0x11: {  	s13 =	smul.u32 $0x4F000, s15;
	s12 =	sadd.s32 $0x4E800, s5;
	s24 =	sadd.s32 $0x300, s5  }
0x12: {  	s14 =	sadd.s32 $0x9C40, s17;
	s10 =	sadd.s32 s16, s3;
	[dreg:$0xe] =	wrdreg s17  }
0x13: {  	s20 =	sadd.s32 s7, s4;
	s19 =	sadd.s32 $0x4E0, s17;
	[dreg:$0xf] =	wrdreg s14  }
0x14: {  	s7 =	sadd.s32 $0xC200, s9;
	s9 =	sshrl.u32 s11, $0x3;
	[dreg:$0x10] =	wrdreg s10  }
0x15: {  	s12 =	sshrl.u32 s12, $0x3;
	s15 =	sshrl.u32 s24, $0x3;
	[dreg:$0x12] =	wrdreg s19  }
0x16: {  	s16 =	sadd.s32 $0x4E500, s5;
	s12 =	sadd.s32 s12, s21;
	[dreg:$0x11] =	wrdreg s20  }
0x17: {  	s14 =	sshrl.u32 s18, $0x3;
	s25 =	sadd.s32 s15, s21;
	[dreg:$0x6] =	wrdreg s12  }
0x18: {  	s10 =	sadd.s32 s18, s4;
	s18 =	simm.s32 $0x680;
	[dreg:$0x7] =	wrdreg s25  }
0x19: {  	s26 =	sshrl.u32 s16, $0x3;
	s19 =	simm.s32 $0x700;
	[dreg:$0x9] =	wrdreg s18  }
0x1a: {  	s16 =	sshrl.u32 s23, $0x2;
	s23 =	simm.s32 $0x780;
	[dreg:$0xa] =	wrdreg s19  }
0x1b: {  	s22 =	sshrl.u32 s13, $0x2;
	s7 =	sadd.s32 s9, s7;
	[dreg:$0xb] =	wrdreg s23  }
0x1c: {  	s11 =	sadd.s32 s11, s3;
	s8 =	sadd.s32 s22, s3;
	[dreg:$0x18] =	wrdreg s7  }
0x1d: {  	s9 =	simm.s32 $0x4C00;
	s15 =	sadd.s32 s26, s21;
	[dreg:$0x14] =	wrdreg s8  }
0x1e: {  	s16 =	sadd.s32 s16, s4;
	s25 =	simm.s32 $0x800;
	[dreg:$0x8] =	wrdreg s15  }
0x1f: {  	s22 =	sadd.s32 $0x80, s0;
	s26 =	simm.s32 $0x880;
	[dreg:$0xc] =	wrdreg s25  }
0x20: {  	s2 =	sadd.s32 s14, s2;
	s23 =	sadd.s32 $0x600, s5;
	[dreg:$0xd] =	wrdreg s26  }
0x21: {  	s24 =	sshll.u32 s22, $0x7;
	s12 =	sshll.u32 s22, $0x4;
	[dreg:$0x1a] =	wrdreg s2  }
0x22: {  	[dreg:$0x1e] =	wrdreg s23;
	s25 =	sshrl.u32 s10, $0x3;
	s26 =	sadd.s32 $0xA120, s17  }
0x23: {  	s8 =	simm.s32 $0x900;
	[dreg:$0x15] =	wrdreg s16;
	s23 =	simm.s32 $0x480  }
0x24: {  	s13 =	sadd.s32 s24, s3;
	s22 =	sadd.s32 s12, s4;
	[smem:$0x7FC] =	sst s25  }
0x25: {  	s24 =	sshrl.u32 s11, $0x3;
	[smem:$0x7FD] =	sst s26;
	s11 =	simm.s32 $0x8C00  }
0x26: {  	s12 =	simm.s32 $0x2;
	s26 =	simm.s32 $0xB00;
	[dreg:$0x16] =	wrdreg s13  }
0x27: {  	s25 =	simm.s32 $0xB80;
	s13 =	sadd.s32 $0x100, s0;
	[dreg:$0x1f] =	wrdreg s24  }
0x28: {  	s0 =	sadd.s32 $0x180, s0;
	[dreg:$0x17] =	wrdreg s22;
	s24 =	simm.s32 $0xA80  }
0x29: {  	s15 =	sshll.u32 s13, $0x7;
	s18 =	sshll.u32 s13, $0x4;
	s19 =	sshll.u32 s0, $0x7  }
0x2a: {  	s0 =	sshll.u32 s0, $0x4;
	s13 =	simm.s32 $0x4;
	s7 =	sadd.s32 s15, s3  }
0x2b: {  	s2 =	sadd.s32 s19, s3;
	s0 =	sadd.s32 s0, s4;
	[dreg:$0x19] =	wrdreg s7  }
0x2c: {  	s19 =	simm.s32 $0x500;
	s15 =	simm.s32 $0x580;
	[dreg:$0x1c] =	wrdreg s2  }
0x2d: {  	s7 =	sadd.s32 s18, s4;
	[dreg:$0x1d] =	wrdreg s0;
	s0 =	simm.s32 $0x1  }
0x2e: {  	v0 =	vimm.f32 $1.000000000e+00;
	v1 =	vimm.f32 $0.0e+00;
	s18 =	simm.s32 $0x5;
	s2 =	simm.s32 $0x0;
	[dreg:$0x1b] =	wrdreg s7  }
.LBB2_1:
0x2f: {  	s5 =	rddreg [dreg:$0xe]  }
0x30: {  	[tilespmem:s6], [sflag:$0x3] =	stream.linear.gather [hbm4b:s5+s6], $0x300, $0x38;
	[tilespmem:$0x1F780] =	vst v63  }
0x31: {  	s17 =	rddreg [dreg:$0xf];
	s10 =	simm.s32 $0x0  }
0x32: {  	[tilespmem:s28], [sflag:$0x3] =	stream.linear.gather [hbm4b:s17+s6], $0x300, $0x38;
	[tilespmem:$0x1F780] =	vst v63  }
0x33: {  	s5 =	simm.s32 $0xC40;
	[tilespmem:s10+$0x8C00] =	vst v0;
	s10 =	simm.s32 $0x40  }
.LBB2_2:
0x34: {  	p0 =	sne.s32 s10, $0x1FC0;
	[tilespmem:s5+$0xFFFFFFC0] =	vst v1  }
0x35: {  	[tilespmem:s5+$0xFFFFFFD0] =	vst v1  }
0x36: {  	[tilespmem:s5+$0xFFFFFFE0] =	vst v1  }
0x37: {  	[tilespmem:s5+$0xFFFFFFF0] =	vst v1  }
.Ltmp0:
0x38: {  	[tilespmem:s5+$0x0] =	vst v1;
	(pc) =	sbr.rel @p0 .LBB2_2-.Ltmp0, $4  }
0x39: {  	[tilespmem:s5+$0x10] =	vst v1  }
0x3a: {  	[tilespmem:s5+$0x20] =	vst v1  }
0x3b: {  	s14 =	sshra.s32 s10, $0x2;
	[tilespmem:s5+$0x30] =	vst v1  }
0x3c: {  	s10 =	sadd.s32 $0x40, s10;
	s5 =	sadd.s32 $0x80, s5;
	[tilespmem:s14+$0x8C00] =	vst v0  }
0x3d: {  	[tilespmem:s5+$0xFFFFFFC0] =	vst v1  }
0x3e: {  	[tilespmem:s5+$0xFFFFFFD0] =	vst v1  }
0x3f: {  	[tilespmem:s5+$0xFFFFFFE0] =	vst v1  }
0x40: {  	[tilespmem:s5+$0xFFFFFFF0] =	vst v1  }
0x41: {  	[tilespmem:s5+$0x0] =	vst v1  }
0x42: {  	[tilespmem:s5+$0x10] =	vst v1  }
0x43: {  	[tilespmem:s5+$0x20] =	vst v1  }
0x44: {  	[tilespmem:s5+$0x30] =	vst v1;
	s5 =	simm.s32 $0xC00;
	s10 =	rddreg [dreg:$0x14]  }
0x45: {  	[spmem:s10] =	stream.linear.scatter [tilespmem:s5], [sflag:$0x3], $0x4000, $0x38;
	[tilespmem:$0x1F780] =	vst v63  }
0x46: {  	s17 =	sadd.s32 $0x0, s16  }
0x47: {  	[spmem:s17] =	stream.linear.scatter [tilespmem:s5], [sflag:$0x3], $0x10, $0x38;
	[tilespmem:$0x1F780] =	vst v63  }
0x48: {  	s10 =	simm.s32 $0x40;
	s17 =	rddreg [dreg:$0x1b]  }
.LBB2_4:
0x49: {  	p0 =	sne.s32 s10, $0x1FC0  }
.Ltmp1:
0x4a: {  	_ = 	snop;
	(pc) =	sbr.rel @p0 .LBB2_4-.Ltmp1, $4  }
0x4b: {  	_ = 	snop  }
0x4c: {  	s14 =	sshra.s32 s10, $0x2;
	s10 =	sadd.s32 $0x40, s10  }
0x4d: {  	s5 =	sadd.s32 $0x80, s5;
	s14 =	sadd.s32 s14, s16  }
0x4e: {  	[spmem:s14] =	stream.linear.scatter [tilespmem:s5], [sflag:$0x3], $0x10, $0x38;
	[tilespmem:$0x1F780] =	vst v63  }
0x4f: {  	s5 =	simm.s32 $0xC00;
	s10 =	rddreg [dreg:$0x16]  }
0x50: {  	[spmem:s10] =	stream.linear.scatter [tilespmem:s5], [sflag:$0x3], $0x4000, $0x38;
	[tilespmem:$0x1F780] =	vst v63  }
0x51: {  	s16 =	sadd.s32 $0x0, s22;
	s10 =	simm.s32 $0x40  }
0x52: {  	[spmem:s16] =	stream.linear.scatter [tilespmem:s5], [sflag:$0x3], $0x10, $0x38;
	[tilespmem:$0x1F780] =	vst v63  }
.LBB2_6:
0x53: {  	p0 =	sne.s32 s10, $0x1FC0  }
.Ltmp2:
0x54: {  	_ = 	snop;
	(pc) =	sbr.rel @p0 .LBB2_6-.Ltmp2, $4  }
0x55: {  	_ = 	snop  }
0x56: {  	s14 =	sshra.s32 s10, $0x2;
	s10 =	sadd.s32 $0x40, s10  }
0x57: {  	s5 =	sadd.s32 $0x80, s5;
	s14 =	sadd.s32 s14, s22  }
0x58: {  	[spmem:s14] =	stream.linear.scatter [tilespmem:s5], [sflag:$0x3], $0x10, $0x38;
	[tilespmem:$0x1F780] =	vst v63  }
0x59: {  	s5 =	simm.s32 $0xC00;
	s10 =	rddreg [dreg:$0x19]  }
0x5a: {  	[spmem:s10] =	stream.linear.scatter [tilespmem:s5], [sflag:$0x3], $0x4000, $0x38;
	[tilespmem:$0x1F780] =	vst v63  }
0x5b: {  	s22 =	sadd.s32 $0x0, s17;
	s10 =	simm.s32 $0x40  }
0x5c: {  	[spmem:s22] =	stream.linear.scatter [tilespmem:s5], [sflag:$0x3], $0x10, $0x38;
	[tilespmem:$0x1F780] =	vst v63  }
.LBB2_8:
0x5d: {  	p0 =	sne.s32 s10, $0x1FC0  }
.Ltmp3:
0x5e: {  	_ = 	snop;
	(pc) =	sbr.rel @p0 .LBB2_8-.Ltmp3, $4  }
0x5f: {  	_ = 	snop  }
0x60: {  	s14 =	sshra.s32 s10, $0x2;
	s10 =	sadd.s32 $0x40, s10  }
0x61: {  	s5 =	sadd.s32 $0x80, s5;
	s14 =	sadd.s32 s14, s17  }
0x62: {  	[spmem:s14] =	stream.linear.scatter [tilespmem:s5], [sflag:$0x3], $0x10, $0x38;
	[tilespmem:$0x1F780] =	vst v63  }
0x63: {  	s10 =	rddreg [dreg:$0x1c]  }
0x64: {  	s5 =	simm.s32 $0xC00;
	s17 =	rddreg [dreg:$0x1d]  }
0x65: {  	[spmem:s10] =	stream.linear.scatter [tilespmem:s5], [sflag:$0x3], $0x4000, $0x38;
	[tilespmem:$0x1F780] =	vst v63  }
0x66: {  	s22 =	sadd.s32 $0x0, s17;
	s10 =	simm.s32 $0x40  }
0x67: {  	[spmem:s22] =	stream.linear.scatter [tilespmem:s5], [sflag:$0x3], $0x10, $0x38;
	[tilespmem:$0x1F780] =	vst v63  }
.LBB2_10:
0x68: {  	p0 =	sne.s32 s10, $0x1FC0  }
.Ltmp4:
0x69: {  	_ = 	snop;
	(pc) =	sbr.rel @p0 .LBB2_10-.Ltmp4, $4  }
0x6a: {  	_ = 	snop  }
0x6b: {  	s14 =	sshra.s32 s10, $0x2;
	s10 =	sadd.s32 $0x40, s10  }
0x6c: {  	s5 =	sadd.s32 $0x80, s5;
	s14 =	sadd.s32 s14, s17  }
0x6d: {  	[spmem:s14] =	stream.linear.scatter [tilespmem:s5], [sflag:$0x3], $0x10, $0x38;
	[tilespmem:$0x1F780] =	vst v63  }
0x6e: {  	s5 =	simm.s32 $0xC00;
	s10 =	rddreg [dreg:$0x10]  }
0x6f: {  	[spmem:s10] =	stream.linear.scatter [tilespmem:s5], [sflag:$0x3], $0x3C00, $0x38;
	[tilespmem:$0x1F780] =	vst v63  }
0x70: {  	[smem:$0x7FB] =	sst s2;
	s22 =	sadd.s32 $0x0, s20;
	s10 =	simm.s32 $0x40  }
0x71: {  	[spmem:s22] =	stream.linear.scatter [tilespmem:s5], [sflag:$0x3], $0x10, $0x38;
	[tilespmem:$0x1F780] =	vst v63  }
.LBB2_12:
0x72: {  	p0 =	sne.s32 s10, $0x1DC0  }
.Ltmp5:
0x73: {  	_ = 	snop;
	(pc) =	sbr.rel @p0 .LBB2_12-.Ltmp5, $4  }
0x74: {  	_ = 	snop  }
0x75: {  	s14 =	sshra.s32 s10, $0x2;
	s10 =	sadd.s32 $0x40, s10  }
0x76: {  	s5 =	sadd.s32 $0x80, s5;
	s14 =	sadd.s32 s14, s20  }
0x77: {  	[spmem:s14] =	stream.linear.scatter [tilespmem:s5], [sflag:$0x3], $0x10, $0x38;
	[tilespmem:$0x1F780] =	vst v63  }
0x78: {  	_ =	swait.ge [sflag:s29], $0x4000  }
0x79: {  	[sflag:s29] =	ssyncset.done $0x0  }
0x7a: {  	[sflag:s29] =	ssyncadd.s32 $0xFFFFC000  }
0x7b: {  	_ =	swait.ge [sflag:s29], $0x800  }
0x7c: {  	[sflag:s29] =	ssyncset.done $0x0  }
0x7d: {  	[sflag:s29] =	ssyncadd.s32 $0xFFFFF800  }
0x7e: {  	_ =	swait.ge [sflag:s29], $0x4000  }
0x7f: {  	[sflag:s29] =	ssyncset.done $0x0  }
0x80: {  	[sflag:s29] =	ssyncadd.s32 $0xFFFFC000  }
0x81: {  	_ =	swait.ge [sflag:s29], $0x800  }
0x82: {  	[sflag:s29] =	ssyncset.done $0x0  }
0x83: {  	[sflag:s29] =	ssyncadd.s32 $0xFFFFF800  }
0x84: {  	_ =	swait.ge [sflag:s29], $0x4000  }
0x85: {  	[sflag:s29] =	ssyncset.done $0x0  }
0x86: {  	[sflag:s29] =	ssyncadd.s32 $0xFFFFC000  }
0x87: {  	_ =	swait.ge [sflag:s29], $0x800  }
0x88: {  	[sflag:s29] =	ssyncset.done $0x0  }
0x89: {  	[sflag:s29] =	ssyncadd.s32 $0xFFFFF800  }
0x8a: {  	_ =	swait.ge [sflag:s29], $0x4000  }
0x8b: {  	[sflag:s29] =	ssyncset.done $0x0  }
0x8c: {  	[sflag:s29] =	ssyncadd.s32 $0xFFFFC000  }
0x8d: {  	_ =	swait.ge [sflag:s29], $0x800  }
0x8e: {  	[sflag:s29] =	ssyncset.done $0x0  }
0x8f: {  	[sflag:s29] =	ssyncadd.s32 $0xFFFFF800  }
0x90: {  	_ =	swait.ge [sflag:s29], $0x3C00  }
0x91: {  	[sflag:s29] =	ssyncset.done $0x0  }
0x92: {  	[sflag:s29] =	ssyncadd.s32 $0xFFFFC400  }
0x93: {  	_ =	swait.ge [sflag:s29], $0x780  }
0x94: {  	[sflag:s29] =	ssyncset.done $0x0  }
0x95: {  	[sflag:s29] =	ssyncadd.s32 $0xFFFFF880  }
0x96: {  	_ =	swait.ge [sflag:s29], $0x300  }
0x97: {  	[sflag:s29] =	ssyncset.done $0x0  }
0x98: {  	[sflag:s29] =	ssyncadd.s32 $0xFFFFFD00  }
0x99: {  	_ =	swait.ge [sflag:s29], $0x300  }
0x9a: {  	[sflag:s29] =	ssyncset.done $0x0  }
0x9b: {  	[sflag:s29] =	ssyncadd.s32 $0xFFFFFD00  }
0x9c: {  	s5 =	simm.s32 $0x0;
	[bflag:$0x0] =	sbarrier.arrive $0xFFFF  }
0x9d: {  	[tilespmem:s31], [sflag:$0x1] =	stream.indirect.gather [hbm4b:s1+s30], $0x80, s5, s30, $0xb8;
	[tilespmem:$0x1F780] =	vst v63  }
0x9e: {  	s16 =	rddreg [dreg:$0x8]  }
0x9f: {  	s10 =	rddreg [dreg:$0x7];
	_ =	swait.ge [sflag:s0], $0x4000  }
0xa0: {  	p0 =	por $0x1, $0x1;
	[sflag:s0] =	ssyncset.done $0x0  }
0xa1: {  	s14 =	simm.s32 @!p0 $0x5;
	[sflag:s0] =	ssyncadd.s32 $0xFFFFC000  }
0xa2: {  	_ =	swait.ge @!p0 [sflag:s14], $0x4000  }
0xa3: {  	[sflag:s14] =	ssyncset.done @!p0 $0x0  }
0xa4: {  	[sflag:s14] =	ssyncadd.s32 @!p0 $0xFFFFC000  }
0xa5: {  	_ =	swait.ge @!p0 [sflag:s14], $0x800  }
0xa6: {  	[sflag:s14] =	ssyncset.done @!p0 $0x0  }
0xa7: {  	s17 =	simm.s32 $0x600;
	s10 =	sadd.s32 $0x0, s10;
	[sflag:s14] =	ssyncadd.s32 @!p0 $0xFFFFF800  }
0xa8: {  	[tilespmem:s17], [sflag:$0x3] =	stream.linear.gather [hbm4b:s10+s6], $0x300, $0x38;
	[tilespmem:$0x1F780] =	vst v63  }
0xa9: {  	s5 =	sadd.s32 $0x0, s16  }
0xaa: {  	[tilespmem:s8], [sflag:$0x3] =	stream.linear.gather [hbm4b:s5+s6], $0x300, $0x38;
	[tilespmem:$0x1F780] =	vst v63  }
0xab: {  	_ = 	snop  }
0xac: {  	[tilespmem:s9], [sflag:$0x2] =	stream.indirect.gather [hbm4b:s1+s30], $0x80, s30, s30, $0xb8;
	[tilespmem:$0x1F780] =	vst v63  }
0xad: {  	_ = 	snop  }
0xae: {  	[spmem:s3] =	stream.indirect.scatter.add.f32 [tilespmem:s31], [sflag:$0x4], $0x80, s28, s30, $0xb8;
	[tilespmem:$0x1F780] =	vst v63  }
0xaf: {  	_ = 	snop  }
0xb0: {  	[spmem:s4] =	stream.indirect.scatter.add.f32 [tilespmem:s11], [sflag:$0x4], $0x10, s28, s30, $0xb8;
	[tilespmem:$0x1F780] =	vst v63  }
0xb1: {  	_ =	swait.ge [sflag:s12], $0x4000  }
0xb2: {  	[sflag:s12] =	ssyncset.done $0x0  }
0xb3: {  	[sflag:s12] =	ssyncadd.s32 $0xFFFFC000  }
0xb4: {  	_ =	swait.ge [sflag:s13], $0x4000  }
0xb5: {  	[sflag:s13] =	ssyncset.done $0x0  }
0xb6: {  	[sflag:s13] =	ssyncadd.s32 $0xFFFFC000  }
0xb7: {  	_ =	swait.ge [sflag:s13], $0x800  }
0xb8: {  	[sflag:s13] =	ssyncset.done $0x0  }
0xb9: {  	s2 =	simm.s32 $0x100;
	[sflag:s13] =	ssyncadd.s32 $0xFFFFF800  }
0xba: {  	[tilespmem:s31], [sflag:$0x1] =	stream.indirect.gather [hbm4b:s1+s30], $0x80, s2, s30, $0xb8;
	[tilespmem:$0x1F780] =	vst v63  }
0xbb: {  	s7 =	simm.s32 $0x380  }
0xbc: {  	[spmem:s3] =	stream.indirect.scatter.add.f32 [tilespmem:s9], [sflag:$0x5], $0x80, s7, s30, $0xb8;
	[tilespmem:$0x1F780] =	vst v63  }
0xbd: {  	_ = 	snop  }
0xbe: {  	[spmem:s4] =	stream.indirect.scatter.add.f32 [tilespmem:s11], [sflag:$0x5], $0x10, s7, s30, $0xb8;
	[tilespmem:$0x1F780] =	vst v63  }
0xbf: {  	_ =	swait.ge [sflag:s0], $0x4000  }
0xc0: {  	[sflag:s0] =	ssyncset.done $0x0  }
0xc1: {  	[sflag:s0] =	ssyncadd.s32 $0xFFFFC000  }
0xc2: {  	_ =	swait.ge [sflag:s18], $0x4000  }
0xc3: {  	[sflag:s18] =	ssyncset.done $0x0  }
0xc4: {  	[sflag:s18] =	ssyncadd.s32 $0xFFFFC000  }
0xc5: {  	_ =	swait.ge [sflag:s18], $0x800  }
0xc6: {  	[sflag:s18] =	ssyncset.done $0x0  }
0xc7: {  	s20 =	simm.s32 $0x180;
	[sflag:s18] =	ssyncadd.s32 $0xFFFFF800  }
0xc8: {  	[tilespmem:s9], [sflag:$0x2] =	stream.indirect.gather [hbm4b:s1+s30], $0x80, s20, s30, $0xb8;
	[tilespmem:$0x1F780] =	vst v63  }
0xc9: {  	s2 =	simm.s32 $0x400  }
0xca: {  	[spmem:s3] =	stream.indirect.scatter.add.f32 [tilespmem:s31], [sflag:$0x4], $0x80, s2, s30, $0xb8;
	[tilespmem:$0x1F780] =	vst v63  }
0xcb: {  	_ = 	snop  }
0xcc: {  	[spmem:s4] =	stream.indirect.scatter.add.f32 [tilespmem:s11], [sflag:$0x4], $0x10, s2, s30, $0xb8;
	[tilespmem:$0x1F780] =	vst v63  }
0xcd: {  	_ =	swait.ge [sflag:s12], $0x4000  }
0xce: {  	[sflag:s12] =	ssyncset.done $0x0  }
0xcf: {  	[sflag:s12] =	ssyncadd.s32 $0xFFFFC000  }
0xd0: {  	_ =	swait.ge [sflag:s13], $0x4000  }
0xd1: {  	[sflag:s13] =	ssyncset.done $0x0  }
0xd2: {  	[sflag:s13] =	ssyncadd.s32 $0xFFFFC000  }
0xd3: {  	_ =	swait.ge [sflag:s13], $0x800  }
0xd4: {  	[sflag:s13] =	ssyncset.done $0x0  }
0xd5: {  	s22 =	simm.s32 $0x200;
	[sflag:s13] =	ssyncadd.s32 $0xFFFFF800  }
0xd6: {  	[tilespmem:s31], [sflag:$0x1] =	stream.indirect.gather [hbm4b:s1+s30], $0x80, s22, s30, $0xb8;
	[tilespmem:$0x1F780] =	vst v63  }
0xd7: {  	_ = 	snop  }
0xd8: {  	[spmem:s3] =	stream.indirect.scatter.add.f32 [tilespmem:s9], [sflag:$0x5], $0x80, s23, s30, $0xb8;
	[tilespmem:$0x1F780] =	vst v63  }
0xd9: {  	_ = 	snop  }
0xda: {  	[spmem:s4] =	stream.indirect.scatter.add.f32 [tilespmem:s11], [sflag:$0x5], $0x10, s23, s30, $0xb8;
	[tilespmem:$0x1F780] =	vst v63  }
0xdb: {  	_ =	swait.ge [sflag:s0], $0x4000  }
0xdc: {  	[sflag:s0] =	ssyncset.done $0x0  }
0xdd: {  	[sflag:s0] =	ssyncadd.s32 $0xFFFFC000  }
0xde: {  	_ =	swait.ge [sflag:s18], $0x4000  }
0xdf: {  	[sflag:s18] =	ssyncset.done $0x0  }
0xe0: {  	[sflag:s18] =	ssyncadd.s32 $0xFFFFC000  }
0xe1: {  	_ =	swait.ge [sflag:s18], $0x800  }
0xe2: {  	[sflag:s18] =	ssyncset.done $0x0  }
0xe3: {  	s10 =	simm.s32 $0x280;
	[sflag:s18] =	ssyncadd.s32 $0xFFFFF800  }
0xe4: {  	[tilespmem:s9], [sflag:$0x2] =	stream.indirect.gather [hbm4b:s1+s30], $0x80, s10, s30, $0xb8;
	[tilespmem:$0x1F780] =	vst v63  }
0xe5: {  	_ = 	snop  }
0xe6: {  	[spmem:s3] =	stream.indirect.scatter.add.f32 [tilespmem:s31], [sflag:$0x4], $0x80, s19, s30, $0xb8;
	[tilespmem:$0x1F780] =	vst v63  }
0xe7: {  	_ = 	snop  }
0xe8: {  	[spmem:s4] =	stream.indirect.scatter.add.f32 [tilespmem:s11], [sflag:$0x4], $0x10, s19, s30, $0xb8;
	[tilespmem:$0x1F780] =	vst v63  }
0xe9: {  	_ =	swait.ge [sflag:s12], $0x4000  }
0xea: {  	[sflag:s12] =	ssyncset.done $0x0  }
0xeb: {  	[sflag:s12] =	ssyncadd.s32 $0xFFFFC000  }
0xec: {  	_ =	swait.ge [sflag:s13], $0x4000  }
0xed: {  	[sflag:s13] =	ssyncset.done $0x0  }
0xee: {  	[sflag:s13] =	ssyncadd.s32 $0xFFFFC000  }
0xef: {  	_ =	swait.ge [sflag:s13], $0x800  }
0xf0: {  	[sflag:s13] =	ssyncset.done $0x0  }
0xf1: {  	[sflag:s13] =	ssyncadd.s32 $0xFFFFF800  }
0xf2: {  	_ =	swait.ge [sflag:s29], $0x300  }
0xf3: {  	[sflag:s29] =	ssyncset.done $0x0  }
0xf4: {  	[sflag:s29] =	ssyncadd.s32 $0xFFFFFD00  }
0xf5: {  	_ =	swait.ge [sflag:s29], $0x300  }
0xf6: {  	[sflag:s29] =	ssyncset.done $0x0  }
0xf7: {  	[sflag:s29] =	ssyncadd.s32 $0xFFFFFD00  }
0xf8: {  	[tilespmem:s31], [sflag:$0x1] =	stream.indirect.gather [hbm4b:s1+s30], $0x80, s17, s30, $0xb8;
	[tilespmem:$0x1F780] =	vst v63  }
0xf9: {  	_ = 	snop  }
0xfa: {  	[spmem:s3] =	stream.indirect.scatter.add.f32 [tilespmem:s9], [sflag:$0x5], $0x80, s15, s30, $0xb8;
	[tilespmem:$0x1F780] =	vst v63  }
0xfb: {  	_ = 	snop  }
0xfc: {  	[spmem:s4] =	stream.indirect.scatter.add.f32 [tilespmem:s11], [sflag:$0x5], $0x10, s15, s30, $0xb8;
	[tilespmem:$0x1F780] =	vst v63  }
0xfd: {  	_ =	swait.ge [sflag:s0], $0x4000  }
0xfe: {  	[sflag:s0] =	ssyncset.done $0x0  }
0xff: {  	[sflag:s0] =	ssyncadd.s32 $0xFFFFC000  }
0x100: {  	s16 =	rddreg [dreg:$0x6];
	_ =	swait.ge [sflag:s18], $0x4000  }
0x101: {  	[sflag:s18] =	ssyncset.done $0x0  }
0x102: {  	[sflag:s18] =	ssyncadd.s32 $0xFFFFC000  }
0x103: {  	_ =	swait.ge [sflag:s18], $0x800  }
0x104: {  	s14 =	rddreg [dreg:$0x1e]  }
0x105: {  	[sflag:s18] =	ssyncset.done $0x0;
	s17 =	sshrl.u32 s14, $0x3  }
0x106: {  	[sflag:s18] =	ssyncadd.s32 $0xFFFFF800;
	s10 =	sadd.s32 s21, s17  }
0x107: {  	[tilespmem:s6], [sflag:$0x3] =	stream.linear.gather [hbm4b:s10+s6], $0x300, $0x38;
	[tilespmem:$0x1F780] =	vst v63  }
0x108: {  	s5 =	sadd.s32 $0x0, s16  }
0x109: {  	[tilespmem:s28], [sflag:$0x3] =	stream.linear.gather [hbm4b:s5+s6], $0x300, $0x38;
	[tilespmem:$0x1F780] =	vst v63  }
0x10a: {  	s20 =	rddreg [dreg:$0x9]  }
0x10b: {  	[tilespmem:s9], [sflag:$0x2] =	stream.indirect.gather [hbm4b:s1+s30], $0x80, s20, s30, $0xb8;
	[tilespmem:$0x1F780] =	vst v63  }
0x10c: {  	_ = 	snop  }
0x10d: {  	[spmem:s3] =	stream.indirect.scatter.add.f32 [tilespmem:s31], [sflag:$0x4], $0x80, s8, s30, $0xb8;
	[tilespmem:$0x1F780] =	vst v63  }
0x10e: {  	_ = 	snop  }
0x10f: {  	[spmem:s4] =	stream.indirect.scatter.add.f32 [tilespmem:s11], [sflag:$0x4], $0x10, s8, s30, $0xb8;
	[tilespmem:$0x1F780] =	vst v63  }
0x110: {  	_ =	swait.ge [sflag:s12], $0x4000  }
0x111: {  	[sflag:s12] =	ssyncset.done $0x0  }
0x112: {  	[sflag:s12] =	ssyncadd.s32 $0xFFFFC000  }
0x113: {  	_ =	swait.ge [sflag:s13], $0x4000  }
0x114: {  	[sflag:s13] =	ssyncset.done $0x0  }
0x115: {  	[sflag:s13] =	ssyncadd.s32 $0xFFFFC000  }
0x116: {  	_ =	swait.ge [sflag:s13], $0x800  }
0x117: {  	[sflag:s13] =	ssyncset.done $0x0  }
0x118: {  	s22 =	rddreg [dreg:$0xa];
	[sflag:s13] =	ssyncadd.s32 $0xFFFFF800  }
0x119: {  	[tilespmem:s31], [sflag:$0x1] =	stream.indirect.gather [hbm4b:s1+s30], $0x80, s22, s30, $0xb8;
	[tilespmem:$0x1F780] =	vst v63  }
0x11a: {  	s10 =	simm.s32 $0x980  }
0x11b: {  	[spmem:s3] =	stream.indirect.scatter.add.f32 [tilespmem:s9], [sflag:$0x5], $0x80, s10, s30, $0xb8;
	[tilespmem:$0x1F780] =	vst v63  }
0x11c: {  	_ = 	snop  }
0x11d: {  	[spmem:s4] =	stream.indirect.scatter.add.f32 [tilespmem:s11], [sflag:$0x5], $0x10, s10, s30, $0xb8;
	[tilespmem:$0x1F780] =	vst v63  }
0x11e: {  	_ =	swait.ge [sflag:s0], $0x4000  }
0x11f: {  	[sflag:s0] =	ssyncset.done $0x0  }
0x120: {  	[sflag:s0] =	ssyncadd.s32 $0xFFFFC000  }
0x121: {  	_ =	swait.ge [sflag:s18], $0x4000  }
0x122: {  	[sflag:s18] =	ssyncset.done $0x0  }
0x123: {  	[sflag:s18] =	ssyncadd.s32 $0xFFFFC000  }
0x124: {  	_ =	swait.ge [sflag:s18], $0x800  }
0x125: {  	[sflag:s18] =	ssyncset.done $0x0  }
0x126: {  	s16 =	rddreg [dreg:$0xb];
	[sflag:s18] =	ssyncadd.s32 $0xFFFFF800  }
0x127: {  	[tilespmem:s9], [sflag:$0x2] =	stream.indirect.gather [hbm4b:s1+s30], $0x80, s16, s30, $0xb8;
	[tilespmem:$0x1F780] =	vst v63  }
0x128: {  	s17 =	simm.s32 $0xA00  }
0x129: {  	[spmem:s3] =	stream.indirect.scatter.add.f32 [tilespmem:s31], [sflag:$0x4], $0x80, s17, s30, $0xb8;
	[tilespmem:$0x1F780] =	vst v63  }
0x12a: {  	_ = 	snop  }
0x12b: {  	[spmem:s4] =	stream.indirect.scatter.add.f32 [tilespmem:s11], [sflag:$0x4], $0x10, s17, s30, $0xb8;
	[tilespmem:$0x1F780] =	vst v63  }
0x12c: {  	_ =	swait.ge [sflag:s12], $0x4000  }
0x12d: {  	[sflag:s12] =	ssyncset.done $0x0  }
0x12e: {  	[sflag:s12] =	ssyncadd.s32 $0xFFFFC000  }
0x12f: {  	_ =	swait.ge [sflag:s13], $0x4000  }
0x130: {  	[sflag:s13] =	ssyncset.done $0x0  }
0x131: {  	[sflag:s13] =	ssyncadd.s32 $0xFFFFC000  }
0x132: {  	_ =	swait.ge [sflag:s13], $0x800  }
0x133: {  	[sflag:s13] =	ssyncset.done $0x0  }
0x134: {  	s20 =	rddreg [dreg:$0xc];
	[sflag:s13] =	ssyncadd.s32 $0xFFFFF800  }
0x135: {  	[tilespmem:s31], [sflag:$0x1] =	stream.indirect.gather [hbm4b:s1+s30], $0x80, s20, s30, $0xb8;
	[tilespmem:$0x1F780] =	vst v63  }
0x136: {  	_ = 	snop  }
0x137: {  	[spmem:s3] =	stream.indirect.scatter.add.f32 [tilespmem:s9], [sflag:$0x5], $0x80, s24, s30, $0xb8;
	[tilespmem:$0x1F780] =	vst v63  }
0x138: {  	_ = 	snop  }
0x139: {  	[spmem:s4] =	stream.indirect.scatter.add.f32 [tilespmem:s11], [sflag:$0x5], $0x10, s24, s30, $0xb8;
	[tilespmem:$0x1F780] =	vst v63  }
0x13a: {  	_ =	swait.ge [sflag:s0], $0x4000  }
0x13b: {  	[sflag:s0] =	ssyncset.done $0x0  }
0x13c: {  	[sflag:s0] =	ssyncadd.s32 $0xFFFFC000  }
0x13d: {  	_ =	swait.ge [sflag:s18], $0x4000  }
0x13e: {  	[sflag:s18] =	ssyncset.done $0x0  }
0x13f: {  	[sflag:s18] =	ssyncadd.s32 $0xFFFFC000  }
0x140: {  	_ =	swait.ge [sflag:s18], $0x800  }
0x141: {  	[sflag:s18] =	ssyncset.done $0x0  }
0x142: {  	s22 =	rddreg [dreg:$0xd];
	[sflag:s18] =	ssyncadd.s32 $0xFFFFF800  }
0x143: {  	[tilespmem:s9], [sflag:$0x2] =	stream.indirect.gather [hbm4b:s1+s30], $0x80, s22, s30, $0xb8;
	[tilespmem:$0x1F780] =	vst v63  }
0x144: {  	_ = 	snop  }
0x145: {  	[spmem:s3] =	stream.indirect.scatter.add.f32 [tilespmem:s31], [sflag:$0x4], $0x80, s26, s30, $0xb8;
	[tilespmem:$0x1F780] =	vst v63  }
0x146: {  	_ = 	snop  }
0x147: {  	[spmem:s4] =	stream.indirect.scatter.add.f32 [tilespmem:s11], [sflag:$0x4], $0x10, s26, s30, $0xb8;
	[tilespmem:$0x1F780] =	vst v63  }
0x148: {  	_ =	swait.ge [sflag:s12], $0x4000  }
0x149: {  	[sflag:s12] =	ssyncset.done $0x0  }
0x14a: {  	[sflag:s12] =	ssyncadd.s32 $0xFFFFC000  }
0x14b: {  	_ =	swait.ge [sflag:s13], $0x4000  }
0x14c: {  	[sflag:s13] =	ssyncset.done $0x0  }
0x14d: {  	[sflag:s13] =	ssyncadd.s32 $0xFFFFC000  }
0x14e: {  	_ =	swait.ge [sflag:s13], $0x800  }
0x14f: {  	[sflag:s13] =	ssyncset.done $0x0  }
0x150: {  	[sflag:s13] =	ssyncadd.s32 $0xFFFFF800  }
0x151: {  	_ =	swait.ge [sflag:s29], $0x300  }
0x152: {  	[sflag:s29] =	ssyncset.done $0x0  }
0x153: {  	[sflag:s29] =	ssyncadd.s32 $0xFFFFFD00  }
0x154: {  	_ =	swait.ge [sflag:s29], $0x300  }
0x155: {  	[sflag:s29] =	ssyncset.done $0x0  }
0x156: {  	s14 =	sadd.s32 $0x600, s14;
	s22 =	rddreg [dreg:$0x8];
	[sflag:s29] =	ssyncadd.s32 $0xFFFFFD00  }
0x157: {  	[tilespmem:s31], [sflag:$0x1] =	stream.indirect.gather [hbm4b:s1+s30], $0x80, s6, s30, $0xb8;
	[tilespmem:$0x1F780] =	vst v63  }
0x158: {  	s10 =	simm.s32 $0xC0;
	s16 =	simm.s32 $0x180;
	s5 =	rddreg [dreg:$0x7]  }
0x159: {  	[spmem:s3] =	stream.indirect.scatter.add.f32 [tilespmem:s9], [sflag:$0x5], $0x80, s25, s30, $0xb8;
	[tilespmem:$0x1F780] =	vst v63  }
.LBB2_14:
0x15a: {  	[spmem:s4] =	stream.indirect.scatter.add.f32 [tilespmem:s11], [sflag:$0x5], $0x10, s25, s30, $0xb8;
	[tilespmem:$0x1F780] =	vst v63  }
0x15b: {  	_ =	swait.ge [sflag:s0], $0x4000  }
0x15c: {  	p1 =	seq.s32 s10, $0x0;
	[sflag:s0] =	ssyncset.done $0x0  }
0x15d: {  	s17 =	simm.s32 @!p1 $0x5;
	[sflag:s0] =	ssyncadd.s32 $0xFFFFC000  }
0x15e: {  	_ =	swait.ge @!p1 [sflag:s17], $0x4000  }
0x15f: {  	[sflag:s17] =	ssyncset.done @!p1 $0x0  }
0x160: {  	[sflag:s17] =	ssyncadd.s32 @!p1 $0xFFFFC000  }
0x161: {  	_ =	swait.ge @!p1 [sflag:s17], $0x800  }
0x162: {  	[sflag:s17] =	ssyncset.done @!p1 $0x0  }
0x163: {  	s5 =	sadd.s32 s10, s5;
	[sflag:s17] =	ssyncadd.s32 @!p1 $0xFFFFF800;
	s17 =	simm.s32 $0x600  }
0x164: {  	[tilespmem:s17], [sflag:$0x3] =	stream.linear.gather [hbm4b:s5+s6], $0x300, $0x38;
	[tilespmem:$0x1F780] =	vst v63  }
0x165: {  	s22 =	sadd.s32 s10, s22  }
0x166: {  	[tilespmem:s8], [sflag:$0x3] =	stream.linear.gather [hbm4b:s22+s6], $0x300, $0x38;
	[tilespmem:$0x1F780] =	vst v63  }
0x167: {  	_ = 	snop  }
0x168: {  	[tilespmem:s9], [sflag:$0x2] =	stream.indirect.gather [hbm4b:s1+s30], $0x80, s30, s30, $0xb8;
	[tilespmem:$0x1F780] =	vst v63  }
0x169: {  	_ = 	snop  }
0x16a: {  	[spmem:s3] =	stream.indirect.scatter.add.f32 [tilespmem:s31], [sflag:$0x4], $0x80, s28, s30, $0xb8;
	[tilespmem:$0x1F780] =	vst v63  }
0x16b: {  	_ = 	snop  }
0x16c: {  	[spmem:s4] =	stream.indirect.scatter.add.f32 [tilespmem:s11], [sflag:$0x4], $0x10, s28, s30, $0xb8;
	[tilespmem:$0x1F780] =	vst v63  }
0x16d: {  	_ =	swait.ge [sflag:s12], $0x4000  }
0x16e: {  	[sflag:s12] =	ssyncset.done $0x0  }
0x16f: {  	[sflag:s12] =	ssyncadd.s32 $0xFFFFC000  }
0x170: {  	_ =	swait.ge [sflag:s13], $0x4000  }
0x171: {  	[sflag:s13] =	ssyncset.done $0x0  }
0x172: {  	[sflag:s13] =	ssyncadd.s32 $0xFFFFC000  }
0x173: {  	_ =	swait.ge [sflag:s13], $0x800  }
0x174: {  	[sflag:s13] =	ssyncset.done $0x0  }
0x175: {  	s22 =	simm.s32 $0x100;
	[sflag:s13] =	ssyncadd.s32 $0xFFFFF800  }
0x176: {  	[tilespmem:s31], [sflag:$0x1] =	stream.indirect.gather [hbm4b:s1+s30], $0x80, s22, s30, $0xb8;
	[tilespmem:$0x1F780] =	vst v63  }
0x177: {  	_ = 	snop  }
0x178: {  	[spmem:s3] =	stream.indirect.scatter.add.f32 [tilespmem:s9], [sflag:$0x5], $0x80, s7, s30, $0xb8;
	[tilespmem:$0x1F780] =	vst v63  }
0x179: {  	_ = 	snop  }
0x17a: {  	[spmem:s4] =	stream.indirect.scatter.add.f32 [tilespmem:s11], [sflag:$0x5], $0x10, s7, s30, $0xb8;
	[tilespmem:$0x1F780] =	vst v63  }
0x17b: {  	_ =	swait.ge [sflag:s0], $0x4000  }
0x17c: {  	[sflag:s0] =	ssyncset.done $0x0  }
0x17d: {  	[sflag:s0] =	ssyncadd.s32 $0xFFFFC000  }
0x17e: {  	_ =	swait.ge [sflag:s18], $0x4000  }
0x17f: {  	[sflag:s18] =	ssyncset.done $0x0  }
0x180: {  	[sflag:s18] =	ssyncadd.s32 $0xFFFFC000  }
0x181: {  	_ =	swait.ge [sflag:s18], $0x800  }
0x182: {  	[sflag:s18] =	ssyncset.done $0x0  }
0x183: {  	s22 =	simm.s32 $0x180;
	[sflag:s18] =	ssyncadd.s32 $0xFFFFF800  }
0x184: {  	[tilespmem:s9], [sflag:$0x2] =	stream.indirect.gather [hbm4b:s1+s30], $0x80, s22, s30, $0xb8;
	[tilespmem:$0x1F780] =	vst v63  }
0x185: {  	_ = 	snop  }
0x186: {  	[spmem:s3] =	stream.indirect.scatter.add.f32 [tilespmem:s31], [sflag:$0x4], $0x80, s2, s30, $0xb8;
	[tilespmem:$0x1F780] =	vst v63  }
0x187: {  	_ = 	snop  }
0x188: {  	[spmem:s4] =	stream.indirect.scatter.add.f32 [tilespmem:s11], [sflag:$0x4], $0x10, s2, s30, $0xb8;
	[tilespmem:$0x1F780] =	vst v63  }
0x189: {  	_ =	swait.ge [sflag:s12], $0x4000  }
0x18a: {  	[sflag:s12] =	ssyncset.done $0x0  }
0x18b: {  	[sflag:s12] =	ssyncadd.s32 $0xFFFFC000  }
0x18c: {  	_ =	swait.ge [sflag:s13], $0x4000  }
0x18d: {  	[sflag:s13] =	ssyncset.done $0x0  }
0x18e: {  	[sflag:s13] =	ssyncadd.s32 $0xFFFFC000  }
0x18f: {  	_ =	swait.ge [sflag:s13], $0x800  }
0x190: {  	[sflag:s13] =	ssyncset.done $0x0  }
0x191: {  	s22 =	simm.s32 $0x200;
	[sflag:s13] =	ssyncadd.s32 $0xFFFFF800  }
0x192: {  	[tilespmem:s31], [sflag:$0x1] =	stream.indirect.gather [hbm4b:s1+s30], $0x80, s22, s30, $0xb8;
	[tilespmem:$0x1F780] =	vst v63  }
0x193: {  	_ = 	snop  }
0x194: {  	[spmem:s3] =	stream.indirect.scatter.add.f32 [tilespmem:s9], [sflag:$0x5], $0x80, s23, s30, $0xb8;
	[tilespmem:$0x1F780] =	vst v63  }
0x195: {  	_ = 	snop  }
0x196: {  	[spmem:s4] =	stream.indirect.scatter.add.f32 [tilespmem:s11], [sflag:$0x5], $0x10, s23, s30, $0xb8;
	[tilespmem:$0x1F780] =	vst v63  }
0x197: {  	_ =	swait.ge [sflag:s0], $0x4000  }
0x198: {  	[sflag:s0] =	ssyncset.done $0x0  }
0x199: {  	[sflag:s0] =	ssyncadd.s32 $0xFFFFC000  }
0x19a: {  	_ =	swait.ge [sflag:s18], $0x4000  }
0x19b: {  	[sflag:s18] =	ssyncset.done $0x0  }
0x19c: {  	[sflag:s18] =	ssyncadd.s32 $0xFFFFC000  }
0x19d: {  	_ =	swait.ge [sflag:s18], $0x800  }
0x19e: {  	[sflag:s18] =	ssyncset.done $0x0  }
0x19f: {  	s22 =	simm.s32 $0x280;
	[sflag:s18] =	ssyncadd.s32 $0xFFFFF800  }
0x1a0: {  	[tilespmem:s9], [sflag:$0x2] =	stream.indirect.gather [hbm4b:s1+s30], $0x80, s22, s30, $0xb8;
	[tilespmem:$0x1F780] =	vst v63  }
0x1a1: {  	_ = 	snop  }
0x1a2: {  	[spmem:s3] =	stream.indirect.scatter.add.f32 [tilespmem:s31], [sflag:$0x4], $0x80, s19, s30, $0xb8;
	[tilespmem:$0x1F780] =	vst v63  }
0x1a3: {  	_ = 	snop  }
0x1a4: {  	[spmem:s4] =	stream.indirect.scatter.add.f32 [tilespmem:s11], [sflag:$0x4], $0x10, s19, s30, $0xb8;
	[tilespmem:$0x1F780] =	vst v63  }
0x1a5: {  	_ =	swait.ge [sflag:s12], $0x4000  }
0x1a6: {  	[sflag:s12] =	ssyncset.done $0x0  }
0x1a7: {  	[sflag:s12] =	ssyncadd.s32 $0xFFFFC000  }
0x1a8: {  	_ =	swait.ge [sflag:s13], $0x4000  }
0x1a9: {  	[sflag:s13] =	ssyncset.done $0x0  }
0x1aa: {  	[sflag:s13] =	ssyncadd.s32 $0xFFFFC000  }
0x1ab: {  	_ =	swait.ge [sflag:s13], $0x800  }
0x1ac: {  	[sflag:s13] =	ssyncset.done $0x0  }
0x1ad: {  	[sflag:s13] =	ssyncadd.s32 $0xFFFFF800  }
0x1ae: {  	_ =	swait.ge [sflag:s29], $0x300  }
0x1af: {  	[sflag:s29] =	ssyncset.done $0x0  }
0x1b0: {  	[sflag:s29] =	ssyncadd.s32 $0xFFFFFD00  }
0x1b1: {  	_ =	swait.ge [sflag:s29], $0x300  }
0x1b2: {  	[sflag:s29] =	ssyncset.done $0x0  }
0x1b3: {  	[sflag:s29] =	ssyncadd.s32 $0xFFFFFD00  }
0x1b4: {  	[tilespmem:s31], [sflag:$0x1] =	stream.indirect.gather [hbm4b:s1+s30], $0x80, s17, s30, $0xb8;
	[tilespmem:$0x1F780] =	vst v63  }
0x1b5: {  	_ = 	snop  }
0x1b6: {  	[spmem:s3] =	stream.indirect.scatter.add.f32 [tilespmem:s9], [sflag:$0x5], $0x80, s15, s30, $0xb8;
	[tilespmem:$0x1F780] =	vst v63  }
0x1b7: {  	_ = 	snop  }
0x1b8: {  	[spmem:s4] =	stream.indirect.scatter.add.f32 [tilespmem:s11], [sflag:$0x5], $0x10, s15, s30, $0xb8;
	[tilespmem:$0x1F780] =	vst v63  }
0x1b9: {  	_ =	swait.ge [sflag:s0], $0x4000  }
0x1ba: {  	[sflag:s0] =	ssyncset.done $0x0  }
0x1bb: {  	[sflag:s0] =	ssyncadd.s32 $0xFFFFC000  }
0x1bc: {  	s5 =	rddreg [dreg:$0x6];
	_ =	swait.ge [sflag:s18], $0x4000  }
0x1bd: {  	[sflag:s18] =	ssyncset.done $0x0  }
0x1be: {  	[sflag:s18] =	ssyncadd.s32 $0xFFFFC000  }
0x1bf: {  	_ =	swait.ge [sflag:s18], $0x800  }
0x1c0: {  	s22 =	sshrl.u32 s14, $0x3;
	[sflag:s18] =	ssyncset.done $0x0  }
0x1c1: {  	s17 =	sadd.s32 s21, s22;
	[sflag:s18] =	ssyncadd.s32 $0xFFFFF800  }
0x1c2: {  	[tilespmem:s6], [sflag:$0x3] =	stream.linear.gather [hbm4b:s17+s6], $0x300, $0x38;
	[tilespmem:$0x1F780] =	vst v63  }
0x1c3: {  	s5 =	sadd.s32 s10, s5  }
0x1c4: {  	[tilespmem:s28], [sflag:$0x3] =	stream.linear.gather [hbm4b:s5+s6], $0x300, $0x38;
	[tilespmem:$0x1F780] =	vst v63  }
0x1c5: {  	s22 =	rddreg [dreg:$0x9]  }
0x1c6: {  	[tilespmem:s9], [sflag:$0x2] =	stream.indirect.gather [hbm4b:s1+s30], $0x80, s22, s30, $0xb8;
	[tilespmem:$0x1F780] =	vst v63  }
0x1c7: {  	_ = 	snop  }
0x1c8: {  	[spmem:s3] =	stream.indirect.scatter.add.f32 [tilespmem:s31], [sflag:$0x4], $0x80, s8, s30, $0xb8;
	[tilespmem:$0x1F780] =	vst v63  }
0x1c9: {  	_ = 	snop  }
0x1ca: {  	[spmem:s4] =	stream.indirect.scatter.add.f32 [tilespmem:s11], [sflag:$0x4], $0x10, s8, s30, $0xb8;
	[tilespmem:$0x1F780] =	vst v63  }
0x1cb: {  	_ =	swait.ge [sflag:s12], $0x4000  }
0x1cc: {  	[sflag:s12] =	ssyncset.done $0x0  }
0x1cd: {  	[sflag:s12] =	ssyncadd.s32 $0xFFFFC000  }
0x1ce: {  	_ =	swait.ge [sflag:s13], $0x4000  }
0x1cf: {  	[sflag:s13] =	ssyncset.done $0x0  }
0x1d0: {  	[sflag:s13] =	ssyncadd.s32 $0xFFFFC000  }
0x1d1: {  	_ =	swait.ge [sflag:s13], $0x800  }
0x1d2: {  	[sflag:s13] =	ssyncset.done $0x0  }
0x1d3: {  	s22 =	rddreg [dreg:$0xa];
	[sflag:s13] =	ssyncadd.s32 $0xFFFFF800  }
0x1d4: {  	[tilespmem:s31], [sflag:$0x1] =	stream.indirect.gather [hbm4b:s1+s30], $0x80, s22, s30, $0xb8;
	[tilespmem:$0x1F780] =	vst v63  }
0x1d5: {  	s17 =	simm.s32 $0x980  }
0x1d6: {  	[spmem:s3] =	stream.indirect.scatter.add.f32 [tilespmem:s9], [sflag:$0x5], $0x80, s17, s30, $0xb8;
	[tilespmem:$0x1F780] =	vst v63  }
0x1d7: {  	_ = 	snop  }
0x1d8: {  	[spmem:s4] =	stream.indirect.scatter.add.f32 [tilespmem:s11], [sflag:$0x5], $0x10, s17, s30, $0xb8;
	[tilespmem:$0x1F780] =	vst v63  }
0x1d9: {  	_ =	swait.ge [sflag:s0], $0x4000  }
0x1da: {  	[sflag:s0] =	ssyncset.done $0x0  }
0x1db: {  	[sflag:s0] =	ssyncadd.s32 $0xFFFFC000  }
0x1dc: {  	_ =	swait.ge [sflag:s18], $0x4000  }
0x1dd: {  	[sflag:s18] =	ssyncset.done $0x0  }
0x1de: {  	[sflag:s18] =	ssyncadd.s32 $0xFFFFC000  }
0x1df: {  	_ =	swait.ge [sflag:s18], $0x800  }
0x1e0: {  	[sflag:s18] =	ssyncset.done $0x0  }
0x1e1: {  	s20 =	smov.u32 s16;
	s22 =	rddreg [dreg:$0xb];
	[sflag:s18] =	ssyncadd.s32 $0xFFFFF800  }
0x1e2: {  	[tilespmem:s9], [sflag:$0x2] =	stream.indirect.gather [hbm4b:s1+s30], $0x80, s22, s30, $0xb8;
	[tilespmem:$0x1F780] =	vst v63  }
0x1e3: {  	s10 =	smov.u32 s20;
	s20 =	simm.s32 $0xA00  }
0x1e4: {  	[spmem:s3] =	stream.indirect.scatter.add.f32 [tilespmem:s31], [sflag:$0x4], $0x80, s20, s30, $0xb8;
	[tilespmem:$0x1F780] =	vst v63  }
0x1e5: {  	_ = 	snop  }
0x1e6: {  	[spmem:s4] =	stream.indirect.scatter.add.f32 [tilespmem:s11], [sflag:$0x4], $0x10, s20, s30, $0xb8;
	[tilespmem:$0x1F780] =	vst v63  }
0x1e7: {  	_ =	swait.ge [sflag:s12], $0x4000  }
0x1e8: {  	[sflag:s12] =	ssyncset.done $0x0  }
0x1e9: {  	[sflag:s12] =	ssyncadd.s32 $0xFFFFC000  }
0x1ea: {  	_ =	swait.ge [sflag:s13], $0x4000  }
0x1eb: {  	[sflag:s13] =	ssyncset.done $0x0  }
0x1ec: {  	[sflag:s13] =	ssyncadd.s32 $0xFFFFC000  }
0x1ed: {  	_ =	swait.ge [sflag:s13], $0x800  }
0x1ee: {  	[sflag:s13] =	ssyncset.done $0x0  }
0x1ef: {  	s22 =	rddreg [dreg:$0xc];
	[sflag:s13] =	ssyncadd.s32 $0xFFFFF800  }
0x1f0: {  	[tilespmem:s31], [sflag:$0x1] =	stream.indirect.gather [hbm4b:s1+s30], $0x80, s22, s30, $0xb8;
	[tilespmem:$0x1F780] =	vst v63  }
0x1f1: {  	_ = 	snop  }
0x1f2: {  	[spmem:s3] =	stream.indirect.scatter.add.f32 [tilespmem:s9], [sflag:$0x5], $0x80, s24, s30, $0xb8;
	[tilespmem:$0x1F780] =	vst v63  }
0x1f3: {  	_ = 	snop  }
0x1f4: {  	[spmem:s4] =	stream.indirect.scatter.add.f32 [tilespmem:s11], [sflag:$0x5], $0x10, s24, s30, $0xb8;
	[tilespmem:$0x1F780] =	vst v63  }
0x1f5: {  	_ =	swait.ge [sflag:s0], $0x4000  }
0x1f6: {  	[sflag:s0] =	ssyncset.done $0x0  }
0x1f7: {  	[sflag:s0] =	ssyncadd.s32 $0xFFFFC000  }
0x1f8: {  	_ =	swait.ge [sflag:s18], $0x4000  }
0x1f9: {  	[sflag:s18] =	ssyncset.done $0x0  }
0x1fa: {  	[sflag:s18] =	ssyncadd.s32 $0xFFFFC000  }
0x1fb: {  	_ =	swait.ge [sflag:s18], $0x800  }
0x1fc: {  	[sflag:s18] =	ssyncset.done $0x0  }
0x1fd: {  	s22 =	rddreg [dreg:$0xd];
	[sflag:s18] =	ssyncadd.s32 $0xFFFFF800  }
0x1fe: {  	[tilespmem:s9], [sflag:$0x2] =	stream.indirect.gather [hbm4b:s1+s30], $0x80, s22, s30, $0xb8;
	[tilespmem:$0x1F780] =	vst v63  }
0x1ff: {  	_ = 	snop  }
0x200: {  	[spmem:s3] =	stream.indirect.scatter.add.f32 [tilespmem:s31], [sflag:$0x4], $0x80, s26, s30, $0xb8;
	[tilespmem:$0x1F780] =	vst v63  }
0x201: {  	_ = 	snop  }
0x202: {  	[spmem:s4] =	stream.indirect.scatter.add.f32 [tilespmem:s11], [sflag:$0x4], $0x10, s26, s30, $0xb8;
	[tilespmem:$0x1F780] =	vst v63  }
0x203: {  	_ =	swait.ge [sflag:s12], $0x4000  }
0x204: {  	[sflag:s12] =	ssyncset.done $0x0  }
0x205: {  	[sflag:s12] =	ssyncadd.s32 $0xFFFFC000  }
0x206: {  	_ =	swait.ge [sflag:s13], $0x4000  }
0x207: {  	[sflag:s13] =	ssyncset.done $0x0  }
0x208: {  	[sflag:s13] =	ssyncadd.s32 $0xFFFFC000  }
0x209: {  	_ =	swait.ge [sflag:s13], $0x800  }
0x20a: {  	[sflag:s13] =	ssyncset.done $0x0  }
0x20b: {  	[sflag:s13] =	ssyncadd.s32 $0xFFFFF800  }
0x20c: {  	_ =	swait.ge [sflag:s29], $0x300  }
0x20d: {  	[sflag:s29] =	ssyncset.done $0x0  }
0x20e: {  	s16 =	sadd.s32 $0xC0, s16;
	[sflag:s29] =	ssyncadd.s32 $0xFFFFFD00  }
0x20f: {  	p0 =	sne.s32 s16, $0x480;
	_ =	swait.ge [sflag:s29], $0x300  }
.Ltmp6:
0x210: {  	[sflag:s29] =	ssyncset.done $0x0;
	(pc) =	sbr.rel @p0 .LBB2_14-.Ltmp6, $4  }
0x211: {  	s22 =	rddreg [dreg:$0x8];
	[sflag:s29] =	ssyncadd.s32 $0xFFFFFD00  }
0x212: {  	[tilespmem:s31], [sflag:$0x1] =	stream.indirect.gather [hbm4b:s1+s30], $0x80, s6, s30, $0xb8;
	[tilespmem:$0x1F780] =	vst v63  }
0x213: {  	s14 =	sadd.s32 $0x600, s14;
	s5 =	rddreg [dreg:$0x7]  }
0x214: {  	[spmem:s3] =	stream.indirect.scatter.add.f32 [tilespmem:s9], [sflag:$0x5], $0x80, s25, s30, $0xb8;
	[tilespmem:$0x1F780] =	vst v63  }
0x215: {  	[spmem:s4] =	stream.indirect.scatter.add.f32 [tilespmem:s11], [sflag:$0x5], $0x10, s25, s30, $0xb8;
	[tilespmem:$0x1F780] =	vst v63  }
0x216: {  	_ =	swait.ge [sflag:s0], $0x4000  }
0x217: {  	p0 =	seq.s32 s10, $0x0;
	[sflag:s0] =	ssyncset.done $0x0  }
0x218: {  	s16 =	simm.s32 @!p0 $0x5;
	[sflag:s0] =	ssyncadd.s32 $0xFFFFC000  }
0x219: {  	_ =	swait.ge @!p0 [sflag:s16], $0x4000  }
0x21a: {  	[sflag:s16] =	ssyncset.done @!p0 $0x0  }
0x21b: {  	[sflag:s16] =	ssyncadd.s32 @!p0 $0xFFFFC000  }
0x21c: {  	_ =	swait.ge @!p0 [sflag:s16], $0x800  }
0x21d: {  	[sflag:s16] =	ssyncset.done @!p0 $0x0  }
0x21e: {  	s5 =	sadd.s32 s10, s5;
	[sflag:s16] =	ssyncadd.s32 @!p0 $0xFFFFF800;
	s16 =	simm.s32 $0x600  }
0x21f: {  	[tilespmem:s16], [sflag:$0x3] =	stream.linear.gather [hbm4b:s5+s6], $0x300, $0x38;
	[tilespmem:$0x1F780] =	vst v63  }
0x220: {  	s22 =	sadd.s32 s10, s22  }
0x221: {  	[tilespmem:s8], [sflag:$0x3] =	stream.linear.gather [hbm4b:s22+s6], $0x300, $0x38;
	[tilespmem:$0x1F780] =	vst v63  }
0x222: {  	_ = 	snop  }
0x223: {  	[tilespmem:s9], [sflag:$0x2] =	stream.indirect.gather [hbm4b:s1+s30], $0x80, s30, s30, $0xb8;
	[tilespmem:$0x1F780] =	vst v63  }
0x224: {  	_ = 	snop  }
0x225: {  	[spmem:s3] =	stream.indirect.scatter.add.f32 [tilespmem:s31], [sflag:$0x4], $0x80, s28, s30, $0xb8;
	[tilespmem:$0x1F780] =	vst v63  }
0x226: {  	_ = 	snop  }
0x227: {  	[spmem:s4] =	stream.indirect.scatter.add.f32 [tilespmem:s11], [sflag:$0x4], $0x10, s28, s30, $0xb8;
	[tilespmem:$0x1F780] =	vst v63  }
0x228: {  	_ =	swait.ge [sflag:s12], $0x4000  }
0x229: {  	[sflag:s12] =	ssyncset.done $0x0  }
0x22a: {  	[sflag:s12] =	ssyncadd.s32 $0xFFFFC000  }
0x22b: {  	_ =	swait.ge [sflag:s13], $0x4000  }
0x22c: {  	[sflag:s13] =	ssyncset.done $0x0  }
0x22d: {  	[sflag:s13] =	ssyncadd.s32 $0xFFFFC000  }
0x22e: {  	_ =	swait.ge [sflag:s13], $0x800  }
0x22f: {  	[sflag:s13] =	ssyncset.done $0x0  }
0x230: {  	s22 =	simm.s32 $0x100;
	[sflag:s13] =	ssyncadd.s32 $0xFFFFF800  }
0x231: {  	[tilespmem:s31], [sflag:$0x1] =	stream.indirect.gather [hbm4b:s1+s30], $0x80, s22, s30, $0xb8;
	[tilespmem:$0x1F780] =	vst v63  }
0x232: {  	_ = 	snop  }
0x233: {  	[spmem:s3] =	stream.indirect.scatter.add.f32 [tilespmem:s9], [sflag:$0x5], $0x80, s7, s30, $0xb8;
	[tilespmem:$0x1F780] =	vst v63  }
0x234: {  	_ = 	snop  }
0x235: {  	[spmem:s4] =	stream.indirect.scatter.add.f32 [tilespmem:s11], [sflag:$0x5], $0x10, s7, s30, $0xb8;
	[tilespmem:$0x1F780] =	vst v63  }
0x236: {  	_ =	swait.ge [sflag:s0], $0x4000  }
0x237: {  	[sflag:s0] =	ssyncset.done $0x0  }
0x238: {  	[sflag:s0] =	ssyncadd.s32 $0xFFFFC000  }
0x239: {  	_ =	swait.ge [sflag:s18], $0x4000  }
0x23a: {  	[sflag:s18] =	ssyncset.done $0x0  }
0x23b: {  	[sflag:s18] =	ssyncadd.s32 $0xFFFFC000  }
0x23c: {  	_ =	swait.ge [sflag:s18], $0x800  }
0x23d: {  	[sflag:s18] =	ssyncset.done $0x0  }
0x23e: {  	s5 =	simm.s32 $0x180;
	[sflag:s18] =	ssyncadd.s32 $0xFFFFF800  }
0x23f: {  	[tilespmem:s9], [sflag:$0x2] =	stream.indirect.gather [hbm4b:s1+s30], $0x80, s5, s30, $0xb8;
	[tilespmem:$0x1F780] =	vst v63  }
0x240: {  	_ = 	snop  }
0x241: {  	[spmem:s3] =	stream.indirect.scatter.add.f32 [tilespmem:s31], [sflag:$0x4], $0x80, s2, s30, $0xb8;
	[tilespmem:$0x1F780] =	vst v63  }
0x242: {  	_ = 	snop  }
0x243: {  	[spmem:s4] =	stream.indirect.scatter.add.f32 [tilespmem:s11], [sflag:$0x4], $0x10, s2, s30, $0xb8;
	[tilespmem:$0x1F780] =	vst v63  }
0x244: {  	_ =	swait.ge [sflag:s12], $0x4000  }
0x245: {  	[sflag:s12] =	ssyncset.done $0x0  }
0x246: {  	[sflag:s12] =	ssyncadd.s32 $0xFFFFC000  }
0x247: {  	_ =	swait.ge [sflag:s13], $0x4000  }
0x248: {  	[sflag:s13] =	ssyncset.done $0x0  }
0x249: {  	[sflag:s13] =	ssyncadd.s32 $0xFFFFC000  }
0x24a: {  	_ =	swait.ge [sflag:s13], $0x800  }
0x24b: {  	[sflag:s13] =	ssyncset.done $0x0  }
0x24c: {  	s5 =	simm.s32 $0x200;
	[sflag:s13] =	ssyncadd.s32 $0xFFFFF800  }
0x24d: {  	[tilespmem:s31], [sflag:$0x1] =	stream.indirect.gather [hbm4b:s1+s30], $0x80, s5, s30, $0xb8;
	[tilespmem:$0x1F780] =	vst v63  }
0x24e: {  	_ = 	snop  }
0x24f: {  	[spmem:s3] =	stream.indirect.scatter.add.f32 [tilespmem:s9], [sflag:$0x5], $0x80, s23, s30, $0xb8;
	[tilespmem:$0x1F780] =	vst v63  }
0x250: {  	_ = 	snop  }
0x251: {  	[spmem:s4] =	stream.indirect.scatter.add.f32 [tilespmem:s11], [sflag:$0x5], $0x10, s23, s30, $0xb8;
	[tilespmem:$0x1F780] =	vst v63  }
0x252: {  	_ =	swait.ge [sflag:s0], $0x4000  }
0x253: {  	[sflag:s0] =	ssyncset.done $0x0  }
0x254: {  	[sflag:s0] =	ssyncadd.s32 $0xFFFFC000  }
0x255: {  	_ =	swait.ge [sflag:s18], $0x4000  }
0x256: {  	[sflag:s18] =	ssyncset.done $0x0  }
0x257: {  	[sflag:s18] =	ssyncadd.s32 $0xFFFFC000  }
0x258: {  	_ =	swait.ge [sflag:s18], $0x800  }
0x259: {  	[sflag:s18] =	ssyncset.done $0x0  }
0x25a: {  	s5 =	simm.s32 $0x280;
	[sflag:s18] =	ssyncadd.s32 $0xFFFFF800  }
0x25b: {  	[tilespmem:s9], [sflag:$0x2] =	stream.indirect.gather [hbm4b:s1+s30], $0x80, s5, s30, $0xb8;
	[tilespmem:$0x1F780] =	vst v63  }
0x25c: {  	_ = 	snop  }
0x25d: {  	[spmem:s3] =	stream.indirect.scatter.add.f32 [tilespmem:s31], [sflag:$0x4], $0x80, s19, s30, $0xb8;
	[tilespmem:$0x1F780] =	vst v63  }
0x25e: {  	_ = 	snop  }
0x25f: {  	[spmem:s4] =	stream.indirect.scatter.add.f32 [tilespmem:s11], [sflag:$0x4], $0x10, s19, s30, $0xb8;
	[tilespmem:$0x1F780] =	vst v63  }
0x260: {  	_ =	swait.ge [sflag:s12], $0x4000  }
0x261: {  	[sflag:s12] =	ssyncset.done $0x0  }
0x262: {  	[sflag:s12] =	ssyncadd.s32 $0xFFFFC000  }
0x263: {  	_ =	swait.ge [sflag:s13], $0x4000  }
0x264: {  	[sflag:s13] =	ssyncset.done $0x0  }
0x265: {  	[sflag:s13] =	ssyncadd.s32 $0xFFFFC000  }
0x266: {  	_ =	swait.ge [sflag:s13], $0x800  }
0x267: {  	[sflag:s13] =	ssyncset.done $0x0  }
0x268: {  	[sflag:s13] =	ssyncadd.s32 $0xFFFFF800  }
0x269: {  	_ =	swait.ge [sflag:s29], $0x300  }
0x26a: {  	[sflag:s29] =	ssyncset.done $0x0  }
0x26b: {  	[sflag:s29] =	ssyncadd.s32 $0xFFFFFD00  }
0x26c: {  	_ =	swait.ge [sflag:s29], $0x300  }
0x26d: {  	[sflag:s29] =	ssyncset.done $0x0  }
0x26e: {  	[sflag:s29] =	ssyncadd.s32 $0xFFFFFD00  }
0x26f: {  	[tilespmem:s31], [sflag:$0x1] =	stream.indirect.gather [hbm4b:s1+s30], $0x80, s16, s30, $0xb8;
	[tilespmem:$0x1F780] =	vst v63  }
0x270: {  	_ = 	snop  }
0x271: {  	[spmem:s3] =	stream.indirect.scatter.add.f32 [tilespmem:s9], [sflag:$0x5], $0x80, s15, s30, $0xb8;
	[tilespmem:$0x1F780] =	vst v63  }
0x272: {  	_ = 	snop  }
0x273: {  	[spmem:s4] =	stream.indirect.scatter.add.f32 [tilespmem:s11], [sflag:$0x5], $0x10, s15, s30, $0xb8;
	[tilespmem:$0x1F780] =	vst v63  }
0x274: {  	_ =	swait.ge [sflag:s0], $0x4000  }
0x275: {  	[sflag:s0] =	ssyncset.done $0x0  }
0x276: {  	[sflag:s0] =	ssyncadd.s32 $0xFFFFC000  }
0x277: {  	s5 =	rddreg [dreg:$0x6];
	_ =	swait.ge [sflag:s18], $0x4000  }
0x278: {  	[sflag:s18] =	ssyncset.done $0x0  }
0x279: {  	[sflag:s18] =	ssyncadd.s32 $0xFFFFC000  }
0x27a: {  	_ =	swait.ge [sflag:s18], $0x800  }
0x27b: {  	s14 =	sshrl.u32 s14, $0x3;
	[sflag:s18] =	ssyncset.done $0x0  }
0x27c: {  	s14 =	sadd.s32 s21, s14;
	[sflag:s18] =	ssyncadd.s32 $0xFFFFF800  }
0x27d: {  	[tilespmem:s6], [sflag:$0x3] =	stream.linear.gather [hbm4b:s14+s6], $0x300, $0x38;
	[tilespmem:$0x1F780] =	vst v63  }
0x27e: {  	s5 =	sadd.s32 s10, s5  }
0x27f: {  	[tilespmem:s28], [sflag:$0x3] =	stream.linear.gather [hbm4b:s5+s6], $0x300, $0x38;
	[tilespmem:$0x1F780] =	vst v63  }
0x280: {  	s14 =	rddreg [dreg:$0x9]  }
0x281: {  	[tilespmem:s9], [sflag:$0x2] =	stream.indirect.gather [hbm4b:s1+s30], $0x80, s14, s30, $0xb8;
	[tilespmem:$0x1F780] =	vst v63  }
0x282: {  	_ = 	snop  }
0x283: {  	[spmem:s3] =	stream.indirect.scatter.add.f32 [tilespmem:s31], [sflag:$0x4], $0x80, s8, s30, $0xb8;
	[tilespmem:$0x1F780] =	vst v63  }
0x284: {  	_ = 	snop  }
0x285: {  	[spmem:s4] =	stream.indirect.scatter.add.f32 [tilespmem:s11], [sflag:$0x4], $0x10, s8, s30, $0xb8;
	[tilespmem:$0x1F780] =	vst v63  }
0x286: {  	_ =	swait.ge [sflag:s12], $0x4000  }
0x287: {  	[sflag:s12] =	ssyncset.done $0x0  }
0x288: {  	[sflag:s12] =	ssyncadd.s32 $0xFFFFC000  }
0x289: {  	_ =	swait.ge [sflag:s13], $0x4000  }
0x28a: {  	[sflag:s13] =	ssyncset.done $0x0  }
0x28b: {  	[sflag:s13] =	ssyncadd.s32 $0xFFFFC000  }
0x28c: {  	_ =	swait.ge [sflag:s13], $0x800  }
0x28d: {  	[sflag:s13] =	ssyncset.done $0x0  }
0x28e: {  	s10 =	rddreg [dreg:$0xa];
	[sflag:s13] =	ssyncadd.s32 $0xFFFFF800  }
0x28f: {  	[tilespmem:s31], [sflag:$0x1] =	stream.indirect.gather [hbm4b:s1+s30], $0x80, s10, s30, $0xb8;
	[tilespmem:$0x1F780] =	vst v63  }
0x290: {  	_ = 	snop  }
0x291: {  	[spmem:s3] =	stream.indirect.scatter.add.f32 [tilespmem:s9], [sflag:$0x5], $0x80, s17, s30, $0xb8;
	[tilespmem:$0x1F780] =	vst v63  }
0x292: {  	_ = 	snop  }
0x293: {  	[spmem:s4] =	stream.indirect.scatter.add.f32 [tilespmem:s11], [sflag:$0x5], $0x10, s17, s30, $0xb8;
	[tilespmem:$0x1F780] =	vst v63  }
0x294: {  	_ =	swait.ge [sflag:s0], $0x4000  }
0x295: {  	[sflag:s0] =	ssyncset.done $0x0  }
0x296: {  	[sflag:s0] =	ssyncadd.s32 $0xFFFFC000  }
0x297: {  	_ =	swait.ge [sflag:s18], $0x4000  }
0x298: {  	[sflag:s18] =	ssyncset.done $0x0  }
0x299: {  	[sflag:s18] =	ssyncadd.s32 $0xFFFFC000  }
0x29a: {  	_ =	swait.ge [sflag:s18], $0x800  }
0x29b: {  	[sflag:s18] =	ssyncset.done $0x0  }
0x29c: {  	s14 =	rddreg [dreg:$0xb];
	[sflag:s18] =	ssyncadd.s32 $0xFFFFF800  }
0x29d: {  	[tilespmem:s9], [sflag:$0x2] =	stream.indirect.gather [hbm4b:s1+s30], $0x80, s14, s30, $0xb8;
	[tilespmem:$0x1F780] =	vst v63  }
0x29e: {  	_ = 	snop  }
0x29f: {  	[spmem:s3] =	stream.indirect.scatter.add.f32 [tilespmem:s31], [sflag:$0x4], $0x80, s20, s30, $0xb8;
	[tilespmem:$0x1F780] =	vst v63  }
0x2a0: {  	_ = 	snop  }
0x2a1: {  	[spmem:s4] =	stream.indirect.scatter.add.f32 [tilespmem:s11], [sflag:$0x4], $0x10, s20, s30, $0xb8;
	[tilespmem:$0x1F780] =	vst v63  }
0x2a2: {  	_ =	swait.ge [sflag:s12], $0x4000  }
0x2a3: {  	[sflag:s12] =	ssyncset.done $0x0  }
0x2a4: {  	[sflag:s12] =	ssyncadd.s32 $0xFFFFC000  }
0x2a5: {  	_ =	swait.ge [sflag:s13], $0x4000  }
0x2a6: {  	[sflag:s13] =	ssyncset.done $0x0  }
0x2a7: {  	[sflag:s13] =	ssyncadd.s32 $0xFFFFC000  }
0x2a8: {  	_ =	swait.ge [sflag:s13], $0x800  }
0x2a9: {  	[sflag:s13] =	ssyncset.done $0x0  }
0x2aa: {  	s17 =	rddreg [dreg:$0xc];
	[sflag:s13] =	ssyncadd.s32 $0xFFFFF800  }
0x2ab: {  	[tilespmem:s31], [sflag:$0x1] =	stream.indirect.gather [hbm4b:s1+s30], $0x80, s17, s30, $0xb8;
	[tilespmem:$0x1F780] =	vst v63  }
0x2ac: {  	_ = 	snop  }
0x2ad: {  	[spmem:s3] =	stream.indirect.scatter.add.f32 [tilespmem:s9], [sflag:$0x5], $0x80, s24, s30, $0xb8;
	[tilespmem:$0x1F780] =	vst v63  }
0x2ae: {  	_ = 	snop  }
0x2af: {  	[spmem:s4] =	stream.indirect.scatter.add.f32 [tilespmem:s11], [sflag:$0x5], $0x10, s24, s30, $0xb8;
	[tilespmem:$0x1F780] =	vst v63  }
0x2b0: {  	_ =	swait.ge [sflag:s0], $0x4000  }
0x2b1: {  	[sflag:s0] =	ssyncset.done $0x0  }
0x2b2: {  	[sflag:s0] =	ssyncadd.s32 $0xFFFFC000  }
0x2b3: {  	_ =	swait.ge [sflag:s18], $0x4000  }
0x2b4: {  	[sflag:s18] =	ssyncset.done $0x0  }
0x2b5: {  	[sflag:s18] =	ssyncadd.s32 $0xFFFFC000  }
0x2b6: {  	_ =	swait.ge [sflag:s18], $0x800  }
0x2b7: {  	[sflag:s18] =	ssyncset.done $0x0  }
0x2b8: {  	s20 =	rddreg [dreg:$0xd];
	[sflag:s18] =	ssyncadd.s32 $0xFFFFF800  }
0x2b9: {  	[tilespmem:s9], [sflag:$0x2] =	stream.indirect.gather [hbm4b:s1+s30], $0x80, s20, s30, $0xb8;
	[tilespmem:$0x1F780] =	vst v63  }
0x2ba: {  	_ = 	snop  }
0x2bb: {  	[spmem:s3] =	stream.indirect.scatter.add.f32 [tilespmem:s31], [sflag:$0x4], $0x80, s26, s30, $0xb8;
	[tilespmem:$0x1F780] =	vst v63  }
0x2bc: {  	_ = 	snop  }
0x2bd: {  	[spmem:s4] =	stream.indirect.scatter.add.f32 [tilespmem:s11], [sflag:$0x4], $0x10, s26, s30, $0xb8;
	[tilespmem:$0x1F780] =	vst v63  }
0x2be: {  	_ =	swait.ge [sflag:s12], $0x4000  }
0x2bf: {  	[sflag:s12] =	ssyncset.done $0x0  }
0x2c0: {  	[sflag:s12] =	ssyncadd.s32 $0xFFFFC000  }
0x2c1: {  	_ =	swait.ge [sflag:s13], $0x4000  }
0x2c2: {  	[sflag:s13] =	ssyncset.done $0x0  }
0x2c3: {  	[sflag:s13] =	ssyncadd.s32 $0xFFFFC000  }
0x2c4: {  	_ =	swait.ge [sflag:s13], $0x800  }
0x2c5: {  	[sflag:s13] =	ssyncset.done $0x0  }
0x2c6: {  	[sflag:s13] =	ssyncadd.s32 $0xFFFFF800  }
0x2c7: {  	_ =	swait.ge [sflag:s29], $0x300  }
0x2c8: {  	[sflag:s29] =	ssyncset.done $0x0  }
0x2c9: {  	[sflag:s29] =	ssyncadd.s32 $0xFFFFFD00  }
0x2ca: {  	_ =	swait.ge [sflag:s29], $0x300  }
0x2cb: {  	[sflag:s29] =	ssyncset.done $0x0  }
0x2cc: {  	[sflag:s29] =	ssyncadd.s32 $0xFFFFFD00  }
0x2cd: {  	[tilespmem:s31], [sflag:$0x1] =	stream.indirect.gather [hbm4b:s1+s30], $0x80, s6, s30, $0xb8;
	[tilespmem:$0x1F780] =	vst v63  }
0x2ce: {  	_ = 	snop  }
0x2cf: {  	[spmem:s3] =	stream.indirect.scatter.add.f32 [tilespmem:s9], [sflag:$0x5], $0x80, s25, s30, $0xb8;
	[tilespmem:$0x1F780] =	vst v63  }
0x2d0: {  	_ = 	snop  }
0x2d1: {  	[spmem:s4] =	stream.indirect.scatter.add.f32 [tilespmem:s11], [sflag:$0x5], $0x10, s25, s30, $0xb8;
	[tilespmem:$0x1F780] =	vst v63  }
0x2d2: {  	_ =	swait.ge [sflag:s0], $0x4000  }
0x2d3: {  	[sflag:s0] =	ssyncset.done $0x0  }
0x2d4: {  	[sflag:s0] =	ssyncadd.s32 $0xFFFFC000  }
0x2d5: {  	_ =	swait.ge [sflag:s18], $0x4000  }
0x2d6: {  	[sflag:s18] =	ssyncset.done $0x0  }
0x2d7: {  	[sflag:s18] =	ssyncadd.s32 $0xFFFFC000  }
0x2d8: {  	_ =	swait.ge [sflag:s18], $0x800  }
0x2d9: {  	[sflag:s18] =	ssyncset.done $0x0  }
0x2da: {  	[sflag:s18] =	ssyncadd.s32 $0xFFFFF800  }
0x2db: {  	[tilespmem:s9], [sflag:$0x2] =	stream.indirect.gather [hbm4b:s1+s30], $0x80, s30, s30, $0xb8;
	[tilespmem:$0x1F780] =	vst v63  }
0x2dc: {  	_ = 	snop  }
0x2dd: {  	[spmem:s3] =	stream.indirect.scatter.add.f32 [tilespmem:s31], [sflag:$0x4], $0x80, s28, s30, $0xb8;
	[tilespmem:$0x1F780] =	vst v63  }
0x2de: {  	_ = 	snop  }
0x2df: {  	[spmem:s4] =	stream.indirect.scatter.add.f32 [tilespmem:s11], [sflag:$0x4], $0x10, s28, s30, $0xb8;
	[tilespmem:$0x1F780] =	vst v63  }
0x2e0: {  	_ =	swait.ge [sflag:s12], $0x4000  }
0x2e1: {  	[sflag:s12] =	ssyncset.done $0x0  }
0x2e2: {  	[sflag:s12] =	ssyncadd.s32 $0xFFFFC000  }
0x2e3: {  	_ =	swait.ge [sflag:s13], $0x4000  }
0x2e4: {  	[sflag:s13] =	ssyncset.done $0x0  }
0x2e5: {  	[sflag:s13] =	ssyncadd.s32 $0xFFFFC000  }
0x2e6: {  	_ =	swait.ge [sflag:s13], $0x800  }
0x2e7: {  	[sflag:s13] =	ssyncset.done $0x0  }
0x2e8: {  	[sflag:s13] =	ssyncadd.s32 $0xFFFFF800  }
0x2e9: {  	[tilespmem:s31], [sflag:$0x1] =	stream.indirect.gather [hbm4b:s1+s30], $0x80, s22, s30, $0xb8;
	[tilespmem:$0x1F780] =	vst v63  }
0x2ea: {  	_ = 	snop  }
0x2eb: {  	[spmem:s3] =	stream.indirect.scatter.add.f32 [tilespmem:s9], [sflag:$0x5], $0x80, s7, s30, $0xb8;
	[tilespmem:$0x1F780] =	vst v63  }
0x2ec: {  	_ = 	snop  }
0x2ed: {  	[spmem:s4] =	stream.indirect.scatter.add.f32 [tilespmem:s11], [sflag:$0x5], $0x10, s7, s30, $0xb8;
	[tilespmem:$0x1F780] =	vst v63  }
0x2ee: {  	_ =	swait.ge [sflag:s0], $0x4000  }
0x2ef: {  	[sflag:s0] =	ssyncset.done $0x0  }
0x2f0: {  	[sflag:s0] =	ssyncadd.s32 $0xFFFFC000  }
0x2f1: {  	_ =	swait.ge [sflag:s18], $0x4000  }
0x2f2: {  	[sflag:s18] =	ssyncset.done $0x0  }
0x2f3: {  	[sflag:s18] =	ssyncadd.s32 $0xFFFFC000  }
0x2f4: {  	_ =	swait.ge [sflag:s18], $0x800  }
0x2f5: {  	[sflag:s18] =	ssyncset.done $0x0  }
0x2f6: {  	s22 =	simm.s32 $0x180;
	[sflag:s18] =	ssyncadd.s32 $0xFFFFF800  }
0x2f7: {  	[tilespmem:s9], [sflag:$0x2] =	stream.indirect.gather [hbm4b:s1+s30], $0x80, s22, s30, $0xb8;
	[tilespmem:$0x1F780] =	vst v63  }
0x2f8: {  	_ = 	snop  }
0x2f9: {  	[spmem:s3] =	stream.indirect.scatter.add.f32 [tilespmem:s31], [sflag:$0x4], $0x80, s2, s30, $0xb8;
	[tilespmem:$0x1F780] =	vst v63  }
0x2fa: {  	_ = 	snop  }
0x2fb: {  	[spmem:s4] =	stream.indirect.scatter.add.f32 [tilespmem:s11], [sflag:$0x4], $0x10, s2, s30, $0xb8;
	[tilespmem:$0x1F780] =	vst v63  }
0x2fc: {  	_ =	swait.ge [sflag:s12], $0x4000  }
0x2fd: {  	[sflag:s12] =	ssyncset.done $0x0  }
0x2fe: {  	[sflag:s12] =	ssyncadd.s32 $0xFFFFC000  }
0x2ff: {  	_ =	swait.ge [sflag:s13], $0x4000  }
0x300: {  	[sflag:s13] =	ssyncset.done $0x0  }
0x301: {  	[sflag:s13] =	ssyncadd.s32 $0xFFFFC000  }
0x302: {  	_ =	swait.ge [sflag:s13], $0x800  }
0x303: {  	[sflag:s13] =	ssyncset.done $0x0  }
0x304: {  	s5 =	simm.s32 $0x200;
	[sflag:s13] =	ssyncadd.s32 $0xFFFFF800  }
0x305: {  	[tilespmem:s31], [sflag:$0x1] =	stream.indirect.gather [hbm4b:s1+s30], $0x80, s5, s30, $0xb8;
	[tilespmem:$0x1F780] =	vst v63  }
0x306: {  	_ = 	snop  }
0x307: {  	[spmem:s3] =	stream.indirect.scatter.add.f32 [tilespmem:s9], [sflag:$0x5], $0x80, s23, s30, $0xb8;
	[tilespmem:$0x1F780] =	vst v63  }
0x308: {  	_ = 	snop  }
0x309: {  	[spmem:s4] =	stream.indirect.scatter.add.f32 [tilespmem:s11], [sflag:$0x5], $0x10, s23, s30, $0xb8;
	[tilespmem:$0x1F780] =	vst v63  }
0x30a: {  	_ =	swait.ge [sflag:s0], $0x4000  }
0x30b: {  	[sflag:s0] =	ssyncset.done $0x0  }
0x30c: {  	[sflag:s0] =	ssyncadd.s32 $0xFFFFC000  }
0x30d: {  	_ =	swait.ge [sflag:s18], $0x4000  }
0x30e: {  	[sflag:s18] =	ssyncset.done $0x0  }
0x30f: {  	[sflag:s18] =	ssyncadd.s32 $0xFFFFC000  }
0x310: {  	_ =	swait.ge [sflag:s18], $0x800  }
0x311: {  	[sflag:s18] =	ssyncset.done $0x0  }
0x312: {  	s7 =	simm.s32 $0x280;
	[sflag:s18] =	ssyncadd.s32 $0xFFFFF800  }
0x313: {  	[tilespmem:s9], [sflag:$0x2] =	stream.indirect.gather [hbm4b:s1+s30], $0x80, s7, s30, $0xb8;
	[tilespmem:$0x1F780] =	vst v63  }
0x314: {  	_ = 	snop  }
0x315: {  	[spmem:s3] =	stream.indirect.scatter.add.f32 [tilespmem:s31], [sflag:$0x4], $0x80, s19, s30, $0xb8;
	[tilespmem:$0x1F780] =	vst v63  }
0x316: {  	_ = 	snop  }
0x317: {  	[spmem:s4] =	stream.indirect.scatter.add.f32 [tilespmem:s11], [sflag:$0x4], $0x10, s19, s30, $0xb8;
	[tilespmem:$0x1F780] =	vst v63  }
0x318: {  	_ =	swait.ge [sflag:s12], $0x4000  }
0x319: {  	[sflag:s12] =	ssyncset.done $0x0  }
0x31a: {  	[sflag:s12] =	ssyncadd.s32 $0xFFFFC000  }
0x31b: {  	_ =	swait.ge [sflag:s13], $0x4000  }
0x31c: {  	[sflag:s13] =	ssyncset.done $0x0  }
0x31d: {  	[sflag:s13] =	ssyncadd.s32 $0xFFFFC000  }
0x31e: {  	_ =	swait.ge [sflag:s13], $0x800  }
0x31f: {  	[sflag:s13] =	ssyncset.done $0x0  }
0x320: {  	[sflag:s13] =	ssyncadd.s32 $0xFFFFF800  }
0x321: {  	[spmem:s3] =	stream.indirect.scatter.add.f32 [tilespmem:s9], [sflag:$0x5], $0x80, s15, s30, $0xb8;
	[tilespmem:$0x1F780] =	vst v63  }
0x322: {  	s10 =	rddreg [dreg:$0x12]  }
0x323: {  	[spmem:s4] =	stream.indirect.scatter.add.f32 [tilespmem:s11], [sflag:$0x5], $0x10, s15, s30, $0xb8;
	[tilespmem:$0x1F780] =	vst v63  }
0x324: {  	s14 =	sld [smem:$0x7FD]  }
0x325: {  	[tilespmem:s16], [sflag:$0x3] =	stream.linear.gather [hbm4b:s10+s6], $0x10, $0x38;
	[tilespmem:$0x1F780] =	vst v63  }
0x326: {  	_ = 	snop  }
0x327: {  	[tilespmem:s8], [sflag:$0x3] =	stream.linear.gather [hbm4b:s14+s6], $0x10, $0x38;
	[tilespmem:$0x1F780] =	vst v63  }
0x328: {  	_ =	swait.ge [sflag:s29], $0x10  }
0x329: {  	[sflag:s29] =	ssyncset.done $0x0  }
0x32a: {  	[sflag:s29] =	ssyncadd.s32 $0xFFFFFFF0  }
0x32b: {  	_ =	swait.ge [sflag:s29], $0x10  }
0x32c: {  	[sflag:s29] =	ssyncset.done $0x0  }
0x32d: {  	[sflag:s29] =	ssyncadd.s32 $0xFFFFFFF0  }
0x32e: {  	_ =	swait.ge [sflag:s18], $0x4000  }
0x32f: {  	[sflag:s18] =	ssyncset.done $0x0  }
0x330: {  	[sflag:s18] =	ssyncadd.s32 $0xFFFFC000  }
0x331: {  	_ =	swait.ge [sflag:s18], $0x800  }
0x332: {  	[sflag:s18] =	ssyncset.done $0x0  }
0x333: {  	s17 =	simm.s32 $0x10;
	[sflag:s18] =	ssyncadd.s32 $0xFFFFF800  }
0x334: {  	[tilespmem:s9], [sflag:$0x1] =	stream.indirect.gather [hbm4b:s1+s17], $0x80, s16, s17, $0xb8;
	[tilespmem:$0x1F780] =	vst v63  }
0x335: {  	_ =	swait.ge [sflag:s0], $0x800  }
0x336: {  	[sflag:s0] =	ssyncset.done $0x0  }
0x337: {  	s7 =	simm.s32 $0x6;
	[sflag:s0] =	ssyncadd.s32 $0xFFFFF800  }
0x338: {  	[spmem:s3] =	stream.indirect.scatter.add.f32 [tilespmem:s9], [sflag:$0x6], $0x80, s8, s17, $0xb8;
	[tilespmem:$0x1F780] =	vst v63  }
0x339: {  	_ =	swait.ge [sflag:s7], $0x800  }
0x33a: {  	[sflag:s7] =	ssyncset.done $0x0  }
0x33b: {  	[sflag:s7] =	ssyncadd.s32 $0xFFFFF800  }
0x33c: {  	[spmem:s4] =	stream.indirect.scatter.add.f32 [tilespmem:s11], [sflag:$0x6], $0x10, s8, s17, $0xb8;
	[tilespmem:$0x1F780] =	vst v63  }
0x33d: {  	_ =	swait.ge [sflag:s7], $0x100  }
0x33e: {  	[sflag:s7] =	ssyncset.done $0x0  }
0x33f: {  	[sflag:s7] =	ssyncadd.s32 $0xFFFFFF00  }
0x340: {  	s20 =	stileid.u32;
	[bflag:$0x0] =	sbarrier.arrive $0xFFFF  }
0x341: {  	s5 =	sshll.u32 s20, $0x6;
	s22 =	rddreg [dreg:$0x18]  }
0x342: {  	s5 =	sor.u32 $0x1C06, s5;
	s2 =	rddreg [dreg:$0x1f]  }
0x343: {  	[hbm:s22], [sflag:s5] =	dma.local [spmem:s2], $0x2780  }
0x344: {  	_ =	swait.ge [sflag:s7], $0x2780  }
0x345: {  	s17 =	sld [smem:$0x7FC]  }
0x346: {  	[sflag:s7] =	ssyncset.done $0x0  }
0x347: {  	s16 =	rddreg [dreg:$0x1a];
	[sflag:s7] =	ssyncadd.s32 $0xFFFFD880  }
0x348: {  	[hbm:s16], [sflag:s5] =	dma.local [spmem:s17], $0x4F0  }
0x349: {  	_ =	swait.ge [sflag:s7], $0x4F0  }
0x34a: {  	s20 =	sld [smem:$0x7FB];
	_ =	sdelay $0x2  }
0x34b: {  	s22 =	rddreg [dreg:$0x13];
	s2 =	sadd.s32 $0x1, s20  }
0x34c: {  	p0 =	sne.s32 s2, s22  }
.Ltmp7:
0x34d: {  	_ = 	snop;
	(pc) =	sbr.rel @p0 .LBB2_1-.Ltmp7, $4  }
0x34e: {  	_ = 	snop  }
0x34f: {  	s16 =	rddreg [dreg:$0x15]  }
0x350: {  	[sflag:s7] =	ssyncset.done $0x0;
	s20 =	rddreg [dreg:$0x11]  }
0x351: {  	[sflag:s7] =	ssyncadd.s32 $0xFFFFFB10;
	s22 =	rddreg [dreg:$0x17]  }
0x352: {  	_ =	sfence.sel $0x180000  }
0x353: {  	[bflag:$0x0] =	sbarrier.arrive $0xFFFF  }
0x354: {  	_ =	strace $0x90000047  }
0x355: {  	s0 =	stileid.u32;
	[bflag:$0x2] =	sbarrier.arrive $0xFFFF  }
0x356: {  	p0 =	sne.s32 s0, $0x0;
	s0 =	rddreg [dreg:$0x5]  }
0x357: {  	s0 =	sadd.s32 @!p0 $0x100000, s0  }
0x358: {  	[sflag:s0] =	ssyncadd.tile.s32 @!p0 $0x1;
	_ =	shalt  }
.Lfunc_end2:
_tile_overlayer_lowered:
.L_overlay_start_2:
0x359: {  	(tag) =	ssettag $0x2  }
0x35a: {  	s0 =	rddreg [dreg:$0x0];
	s2 =	stileid.u32  }
0x35b: {  	s1 =	rddreg [dreg:$0x1];
	p0 =	sne.s32 s2, $0x0  }
0x35c: {  	s3 =	rddreg [dreg:$0x2];
	[bflag:$0x3] =	sbarrier.arrive $0xFFFF;
	s2 =	simm.s32 @!p0 $0x1C06  }
0x35d: {  	[timem:s3], [sflag:s2] =	dma.local @!p0 [hbm:s0], s1  }
0x35e: {  	s0 =	simm.s32 @!p0 $0x6  }
0x35f: {  	_ =	swait.ge @!p0 [sflag:s0], s1  }
0x360: {  	s1 =	ssub.s32 @!p0 $0x0, s1;
	[sflag:s0] =	ssyncset.done @!p0 $0x0  }
0x361: {  	[sflag:s0] =	ssyncadd.s32 @!p0 s1  }
0x362: {  	[bflag:$0x3] =	sbarrier.arrive $0xFFFF  }
0x363: {  	_ =	shalt  }

</sc_bundles>
